<compile_context>
chip_gen: v7x
topology: tpu7x:2x2x1
jax: 0.10.2.dev20260603
libtpu: 0.0.44.dev20260713+nightly
codegen_flags: <defaults>
</compile_context>

<pallas_src>
import jax
import jax.numpy as jnp
from jax import lax
from jax.experimental import pallas as pl
from jax.experimental.pallas import tpu as pltpu
from jax.experimental.pallas import tpu_sc as plsc

_D = 32
_C = 128

_mesh = plsc.VectorSubcoreMesh(core_axis_name="core", subcore_axis_name="subcore")


@jax.jit
def _gather(table, src_t):
  n_tok, n_batch = src_t.shape

  @pl.kernel(
      out_type=jax.ShapeDtypeStruct((n_tok, _D, n_batch), jnp.float32),
      mesh=_mesh,
      scratch_types=[pltpu.VMEM((_C, _D), jnp.float32)],
      compiler_params=pltpu.CompilerParams(
          use_tc_tiling_on_sc=False, needs_layout_passes=False),
  )
  def k(table_hbm, i_hbm, o_hbm, scr):
    def body(i_vmem, o_vmem):
      pltpu.sync_copy(table_hbm.at[i_vmem.at[0]], scr)
      o2d = o_vmem.at[0]
      lo = lax.iota(jnp.int32, 16)
      rots = [(lo + k) % 16 for k in range(16)]

      @plsc.parallel_loop(0, _C, step=16, unroll=2)
      def _(j0):
        for d0 in range(0, _D, 16):
          cols = lo + d0
          for k in range(16):
            r = rots[k] + j0
            vals = plsc.load_gather(scr, [r, cols])
            plsc.store_scatter(o2d, [cols, r], vals)

    pltpu.emit_pipeline(
        body,
        grid=(n_tok, n_batch // _C),
        in_specs=[pl.BlockSpec((1, _C), index_map=lambda t, c: (t, c))],
        out_specs=[pl.BlockSpec((1, _D, _C), index_map=lambda t, c: (t, 0, c))],
        core_axis_name=("core", "subcore"),
        dimension_semantics=(pltpu.PARALLEL, pltpu.PARALLEL),
    )(i_hbm, o_hbm)

  return k(table, src_t)


def kernel(src, table):
  out_t = _gather(table, src.T)
  return out_t.transpose(2, 0, 1)

# --- scband reference (transcript-rebuilt; emitter-appended) ---
"""Pipeline reference for scband-process-char-49778670961167 (READ-ONLY COPY).

The authoritative reference and input builder live on the scoring server;
editing this copy changes nothing except your own understanding.
"""

import jax, jax.numpy as jnp
import numpy as np

NUM_EMBEDDINGS = 1000000
EMBEDDING_DIM = 32

def setup_inputs(seed: int = 0) -> dict:
    key = jax.random.key(seed)
    k1, k2 = jax.random.split(key)
    src = jax.random.randint(k1, (16384, 200), 0, NUM_EMBEDDINGS, dtype=jnp.int64 if jax.config.read('jax_enable_x64') else jnp.int32)
    table = jax.random.normal(k2, (NUM_EMBEDDINGS, EMBEDDING_DIM), dtype=jnp.float32)
    return {"src": src, "table": table}

def reference(src, table):
    # ProcessChar.forward: return self.emb_luts(src)  -> embedding lookup
    return jnp.take(table, src, axis=0)

if __name__ == "__main__":
    import jax
    _d = setup_inputs()
    print(jax.jit(kernel)(*tuple(_d.values())))

</pallas_src>

<mosaic_0001>
#map = affine_map<(d0, d1) -> (0, 0)>
#map1 = affine_map<(d0, d1) -> (0, 0, 0)>
module attributes {stable_mosaic.version = 14 : i64} {
  func.func @k(%arg0: i32, %arg1: i32, %arg2: memref<1000000x32xf32, #tpu.memory_space<hbm>>, %arg3: memref<200x16384xi32, #tpu.memory_space<hbm>>, %arg4: memref<200x32x16384xf32, #tpu.memory_space<hbm>>, %arg5: memref<128x32xf32, #tpu.memory_space<vmem>>) attributes {dimension_semantics = [#tpu.dimension_semantics<core_parallel>, #tpu.dimension_semantics<subcore_parallel>], iteration_bounds = array<i64: 2, 16>, scalar_prefetch = 0 : i64, scratch_operands = 1 : i64, tpu.core_type = #tpu.core_type<sc_vector_subcore>, window_params = [{transform_indices = #map}, {transform_indices = #map}, {transform_indices = #map1}]} {
    %mul3A = arith.constant 1 : i32
    %mul3A_0 = arith.muli %arg1, %mul3A : i32
    %add3A = arith.constant 0 : i32
    %add3A_1 = arith.addi %add3A, %mul3A_0 : i32
    %mul3A_2 = arith.constant 16 : i32
    %mul3A_3 = arith.muli %arg0, %mul3A_2 : i32
    %add3A_4 = arith.addi %add3A_1, %mul3A_3 : i32
    %mul3A_5 = arith.constant 4 : i32
    %mul3A_6 = arith.muli %add3A_4, %mul3A_5 : i32
    "tpu.region"() ({
      %run_scoped3A = memref.alloca() : memref<2x1x128xi32, #tpu.memory_space<vmem>>
      %run_scoped3A_7 = tpu.sem_alloc : memref<2x!tpu.dma_semaphore, #tpu.memory_space<semaphore_mem>>
      %run_scoped3A_8 = memref.alloca() : memref<2x1x32x128xf32, #tpu.memory_space<vmem>>
      %run_scoped3A_9 = tpu.sem_alloc : memref<2x!tpu.dma_semaphore, #tpu.memory_space<semaphore_mem>>
      %add3A_10 = arith.constant 0 : i32
      %add3A_11 = arith.addi %add3A_10, %mul3A_6 : i32
      %select_n3A = arith.constant true
      %select_n3A_12 = arith.constant 0 : i32
      %select_n3A_13 = arith.constant -1 : i32
      %select_n3A_14 = arith.select %select_n3A, %select_n3A_13, %select_n3A_12 : i32
      %eq3A = arith.constant -1 : i32
      %eq3A_15 = arith.cmpi eq, %select_n3A_14, %eq3A : i32
      %select_n3A_16 = arith.constant 3 : i32
      %select_n3A_17 = arith.select %eq3A_15, %select_n3A_16, %select_n3A_14 : i32
      %select_n3A_18 = arith.constant 0 : i32
      %select_n3A_19 = arith.constant -1 : i32
      %select_n3A_20 = arith.select %eq3A_15, %select_n3A_19, %select_n3A_18 : i32
      %eq3A_21 = arith.constant -1 : i32
      %eq3A_22 = arith.cmpi eq, %select_n3A_20, %eq3A_21 : i32
      %select_n3A_23 = arith.constant 199 : i32
      %select_n3A_24 = arith.select %eq3A_22, %select_n3A_23, %select_n3A_20 : i32
      %add3A_25 = arith.constant 0 : i32
      %add3A_26 = arith.addi %select_n3A_24, %add3A_25 : i32
      %add3A_27 = arith.addi %select_n3A_17, %mul3A_6 : i32
      %select_n3A_28 = arith.constant true
      %select_n3A_29 = arith.constant 0 : i32
      %select_n3A_30 = arith.constant 1 : i32
      %select_n3A_31 = arith.select %select_n3A_28, %select_n3A_30, %select_n3A_29 : i32
      %eq3A_32 = arith.constant 4 : i32
      %eq3A_33 = arith.cmpi eq, %select_n3A_31, %eq3A_32 : i32
      %select_n3A_34 = arith.constant 0 : i32
      %select_n3A_35 = arith.select %eq3A_33, %select_n3A_34, %select_n3A_31 : i32
      %select_n3A_36 = arith.constant 0 : i32
      %select_n3A_37 = arith.constant 1 : i32
      %select_n3A_38 = arith.select %eq3A_33, %select_n3A_37, %select_n3A_36 : i32
      %eq3A_39 = arith.constant 200 : i32
      %eq3A_40 = arith.cmpi eq, %select_n3A_38, %eq3A_39 : i32
      %select_n3A_41 = arith.constant 0 : i32
      %select_n3A_42 = arith.select %eq3A_40, %select_n3A_41, %select_n3A_38 : i32
      %add3A_43 = arith.constant 0 : i32
      %add3A_44 = arith.addi %select_n3A_42, %add3A_43 : i32
      %add3A_45 = arith.addi %select_n3A_35, %mul3A_6 : i32
      %add3A_46 = arith.constant 1 : i32
      %add3A_47 = arith.addi %select_n3A_35, %add3A_46 : i32
      %select_n3A_48 = arith.constant true
      %select_n3A_49 = arith.select %select_n3A_48, %add3A_47, %select_n3A_35 : i32
      %eq3A_50 = arith.constant 4 : i32
      %eq3A_51 = arith.cmpi eq, %select_n3A_49, %eq3A_50 : i32
      %select_n3A_52 = arith.constant 0 : i32
      %select_n3A_53 = arith.select %eq3A_51, %select_n3A_52, %select_n3A_49 : i32
      %add3A_54 = arith.constant 1 : i32
      %add3A_55 = arith.addi %select_n3A_42, %add3A_54 : i32
      %select_n3A_56 = arith.select %eq3A_51, %add3A_55, %select_n3A_42 : i32
      %eq3A_57 = arith.constant 200 : i32
      %eq3A_58 = arith.cmpi eq, %select_n3A_56, %eq3A_57 : i32
      %select_n3A_59 = arith.constant 0 : i32
      %select_n3A_60 = arith.select %eq3A_58, %select_n3A_59, %select_n3A_56 : i32
      %add3A_61 = arith.constant 0 : i32
      %add3A_62 = arith.addi %select_n3A_60, %add3A_61 : i32
      %add3A_63 = arith.addi %select_n3A_53, %mul3A_6 : i32
      "tpu.trace_start"() <{level = 10 : i32, message = "ep_initialize_0"}> : () -> ()
      %rem3A = arith.constant 0 : i32
      %rem3A_64 = arith.constant 2 : i32
      %rem3A_65 = arith.remui %rem3A, %rem3A_64 : i32
      %mul3A_66 = arith.constant 128 : i32
      %mul3A_67 = arith.muli %mul3A_66, %add3A_11 : i32
      %dma_start3A = arith.constant 0 : i32
      %dma_start3A_68 = arith.constant 0 : i32
      %dma_start3A_69 = tpu.memref_slice %run_scoped3A[%rem3A_65, %dma_start3A, %dma_start3A_68] : memref<2x1x128xi32, #tpu.memory_space<vmem>> -> memref<1x1x128xi32, #tpu.memory_space<vmem>>
      %dma_start3A_70 = tpu.memref_squeeze %dma_start3A_69 : memref<1x1x128xi32, #tpu.memory_space<vmem>> -> memref<1x128xi32, #tpu.memory_space<vmem>>
      %dma_start3A_71 = arith.constant 0 : i32
      %dma_start3A_72 = tpu.memref_slice %arg3[%dma_start3A_71, %mul3A_67] : memref<200x16384xi32, #tpu.memory_space<hbm>> -> memref<1x128xi32, #tpu.memory_space<hbm>>
      %dma_start3A_73 = tpu.memref_slice %run_scoped3A_7[%rem3A_65] : memref<2x!tpu.dma_semaphore, #tpu.memory_space<semaphore_mem>> -> memref<1x!tpu.dma_semaphore, #tpu.memory_space<semaphore_mem>>
      %dma_start3A_74 = tpu.memref_squeeze %dma_start3A_73 : memref<1x!tpu.dma_semaphore, #tpu.memory_space<semaphore_mem>> -> memref<!tpu.dma_semaphore, #tpu.memory_space<semaphore_mem>>
      %dma_start3A_75 = arith.constant 0 : i32
      %dma_start3A_76 = arith.constant 0 : i32
      %dma_start3A_77 = tpu.memref_slice %run_scoped3A[%rem3A_65, %dma_start3A_75, %dma_start3A_76] : memref<2x1x128xi32, #tpu.memory_space<vmem>> -> memref<1x1x128xi32, #tpu.memory_space<vmem>>
      %dma_start3A_78 = tpu.memref_squeeze %dma_start3A_77 : memref<1x1x128xi32, #tpu.memory_space<vmem>> -> memref<1x128xi32, #tpu.memory_space<vmem>>
      %dma_start3A_79 = arith.constant 0 : i32
      %dma_start3A_80 = tpu.memref_slice %arg3[%dma_start3A_79, %mul3A_67] : memref<200x16384xi32, #tpu.memory_space<hbm>> -> memref<1x128xi32, #tpu.memory_space<hbm>>
      tpu.enqueue_dma source(%dma_start3A_80 : memref<1x128xi32, #tpu.memory_space<hbm>>) target(%dma_start3A_78 : memref<1x128xi32, #tpu.memory_space<vmem>>) target_semaphore(%dma_start3A_74 : memref<!tpu.dma_semaphore, #tpu.memory_space<semaphore_mem>>)
      %add3A_81 = arith.constant 0 : i32
      %add3A_82 = arith.constant 1 : i32
      %add3A_83 = arith.addi %add3A_81, %add3A_82 : i32
      %select_n3A_84 = arith.constant true
      %select_n3A_85 = arith.constant 0 : i32
      %select_n3A_86 = arith.select %select_n3A_84, %add3A_83, %select_n3A_85 : i32
      "tpu.trace_stop"() : () -> ()
      %scan3A = arith.constant 0 : i32
      %scan3A_87 = arith.constant 0 : i32
      %scan3A_88 = arith.constant 0 : i32
      %scan3A_89 = arith.constant 0 : i32
      %scan3A_90 = arith.constant 0 : i32
      %scan3A_91 = arith.constant 0 : i32
      %scan3A_92 = arith.constant 800 : i32
      %scan3A_93 = arith.addi %scan3A_91, %scan3A_92 : i32
      %scan3A_94 = arith.constant 1 : i32
      %scan3A_95:6 = scf.for %scan3A_189 = %scan3A_91 to %scan3A_93 step %scan3A_94 iter_args(%scan3A_190 = %select_n3A_86, %scan3A_191 = %scan3A, %scan3A_192 = %scan3A_87, %scan3A_193 = %scan3A_88, %scan3A_194 = %scan3A_89, %scan3A_195 = %scan3A_90) -> (i32, i32, i32, i32, i32, i32)  : i32 {
        %eq3A_196 = arith.constant 0 : i32
        %eq3A_197 = arith.cmpi eq, %scan3A_189, %eq3A_196 : i32
        %eq3A_198 = arith.constant 799 : i32
        %eq3A_199 = arith.cmpi eq, %scan3A_189, %eq3A_198 : i32
        %add3A_200 = arith.constant 0 : i32
        %add3A_201 = arith.addi %scan3A_194, %add3A_200 : i32
        %add3A_202 = arith.addi %scan3A_195, %mul3A_6 : i32
        %sub3A_203 = arith.constant 1 : i32
        %sub3A_204 = arith.subi %scan3A_195, %sub3A_203 : i32
        %select_n3A_205 = arith.constant true
        %select_n3A_206 = arith.select %select_n3A_205, %sub3A_204, %scan3A_195 : i32
        %eq3A_207 = arith.constant -1 : i32
        %eq3A_208 = arith.cmpi eq, %select_n3A_206, %eq3A_207 : i32
        %select_n3A_209 = arith.constant 3 : i32
        %select_n3A_210 = arith.select %eq3A_208, %select_n3A_209, %select_n3A_206 : i32
        %sub3A_211 = arith.constant 1 : i32
        %sub3A_212 = arith.subi %scan3A_194, %sub3A_211 : i32
        %select_n3A_213 = arith.select %eq3A_208, %sub3A_212, %scan3A_194 : i32
        %eq3A_214 = arith.constant -1 : i32
        %eq3A_215 = arith.cmpi eq, %select_n3A_213, %eq3A_214 : i32
        %select_n3A_216 = arith.constant 199 : i32
        %select_n3A_217 = arith.select %eq3A_215, %select_n3A_216, %select_n3A_213 : i32
        %add3A_218 = arith.constant 0 : i32
        %add3A_219 = arith.addi %select_n3A_217, %add3A_218 : i32
        %add3A_220 = arith.addi %select_n3A_210, %mul3A_6 : i32
        %add3A_221 = arith.constant 1 : i32
        %add3A_222 = arith.addi %scan3A_195, %add3A_221 : i32
        %select_n3A_223 = arith.constant true
        %select_n3A_224 = arith.select %select_n3A_223, %add3A_222, %scan3A_195 : i32
        %eq3A_225 = arith.constant 4 : i32
        %eq3A_226 = arith.cmpi eq, %select_n3A_224, %eq3A_225 : i32
        %select_n3A_227 = arith.constant 0 : i32
        %select_n3A_228 = arith.select %eq3A_226, %select_n3A_227, %select_n3A_224 : i32
        %add3A_229 = arith.constant 1 : i32
        %add3A_230 = arith.addi %scan3A_194, %add3A_229 : i32
        %select_n3A_231 = arith.select %eq3A_226, %add3A_230, %scan3A_194 : i32
        %eq3A_232 = arith.constant 200 : i32
        %eq3A_233 = arith.cmpi eq, %select_n3A_231, %eq3A_232 : i32
        %select_n3A_234 = arith.constant 0 : i32
        %select_n3A_235 = arith.select %eq3A_233, %select_n3A_234, %select_n3A_231 : i32
        %add3A_236 = arith.constant 0 : i32
        %add3A_237 = arith.addi %select_n3A_235, %add3A_236 : i32
        %add3A_238 = arith.addi %select_n3A_228, %mul3A_6 : i32
        %add3A_239 = arith.constant 1 : i32
        %add3A_240 = arith.addi %select_n3A_228, %add3A_239 : i32
        %select_n3A_241 = arith.constant true
        %select_n3A_242 = arith.select %select_n3A_241, %add3A_240, %select_n3A_228 : i32
        %eq3A_243 = arith.constant 4 : i32
        %eq3A_244 = arith.cmpi eq, %select_n3A_242, %eq3A_243 : i32
        %select_n3A_245 = arith.constant 0 : i32
        %select_n3A_246 = arith.select %eq3A_244, %select_n3A_245, %select_n3A_242 : i32
        %add3A_247 = arith.constant 1 : i32
        %add3A_248 = arith.addi %select_n3A_235, %add3A_247 : i32
        %select_n3A_249 = arith.select %eq3A_244, %add3A_248, %select_n3A_235 : i32
        %eq3A_250 = arith.constant 200 : i32
        %eq3A_251 = arith.cmpi eq, %select_n3A_249, %eq3A_250 : i32
        %select_n3A_252 = arith.constant 0 : i32
        %select_n3A_253 = arith.select %eq3A_251, %select_n3A_252, %select_n3A_249 : i32
        %add3A_254 = arith.constant 0 : i32
        %add3A_255 = arith.addi %select_n3A_253, %add3A_254 : i32
        %add3A_256 = arith.addi %select_n3A_246, %mul3A_6 : i32
        %ne3A = arith.cmpi ne, %add3A_201, %add3A_237 : i32
        %ne3A_257 = arith.cmpi ne, %add3A_202, %add3A_238 : i32
        %or3A = arith.constant false
        %or3A_258 = arith.ori %or3A, %ne3A : i1
        %or3A_259 = arith.ori %or3A_258, %ne3A_257 : i1
        %ge3A = arith.constant 799 : i32
        %ge3A_260 = arith.cmpi sge, %scan3A_189, %ge3A : i32
        %not3A = arith.constant true
        %not3A_261 = arith.xori %ge3A_260, %not3A : i1
        %and3A = arith.andi %or3A_259, %not3A_261 : i1
        %convert_element_type3A = arith.extui %and3A : i1 to i32
        %cond3A = arith.constant 0 : i32
        %cond3A_262 = arith.cmpi ne, %convert_element_type3A, %cond3A : i32
        scf.if %cond3A_262 {
          "tpu.trace_start"() <{level = 10 : i32, message = "ep_copy_in"}> : () -> ()
          %rem3A_788 = arith.constant 2 : i32
          %rem3A_789 = arith.remui %scan3A_190, %rem3A_788 : i32
          %mul3A_790 = arith.constant 1 : i32
          %mul3A_791 = arith.muli %mul3A_790, %add3A_237 : i32
          %mul3A_792 = arith.constant 128 : i32
          %mul3A_793 = arith.muli %mul3A_792, %add3A_238 : i32
          %dma_start3A_794 = arith.constant 0 : i32
          %dma_start3A_795 = arith.constant 0 : i32
          %dma_start3A_796 = tpu.memref_slice %run_scoped3A[%rem3A_789, %dma_start3A_794, %dma_start3A_795] : memref<2x1x128xi32, #tpu.memory_space<vmem>> -> memref<1x1x128xi32, #tpu.memory_space<vmem>>
          %dma_start3A_797 = tpu.memref_squeeze %dma_start3A_796 : memref<1x1x128xi32, #tpu.memory_space<vmem>> -> memref<1x128xi32, #tpu.memory_space<vmem>>
          %dma_start3A_798 = tpu.memref_slice %arg3[%mul3A_791, %mul3A_793] : memref<200x16384xi32, #tpu.memory_space<hbm>> -> memref<1x128xi32, #tpu.memory_space<hbm>>
          %dma_start3A_799 = tpu.memref_slice %run_scoped3A_7[%rem3A_789] : memref<2x!tpu.dma_semaphore, #tpu.memory_space<semaphore_mem>> -> memref<1x!tpu.dma_semaphore, #tpu.memory_space<semaphore_mem>>
          %dma_start3A_800 = tpu.memref_squeeze %dma_start3A_799 : memref<1x!tpu.dma_semaphore, #tpu.memory_space<semaphore_mem>> -> memref<!tpu.dma_semaphore, #tpu.memory_space<semaphore_mem>>
          %dma_start3A_801 = arith.constant 0 : i32
          %dma_start3A_802 = arith.constant 0 : i32
          %dma_start3A_803 = tpu.memref_slice %run_scoped3A[%rem3A_789, %dma_start3A_801, %dma_start3A_802] : memref<2x1x128xi32, #tpu.memory_space<vmem>> -> memref<1x1x128xi32, #tpu.memory_space<vmem>>
          %dma_start3A_804 = tpu.memref_squeeze %dma_start3A_803 : memref<1x1x128xi32, #tpu.memory_space<vmem>> -> memref<1x128xi32, #tpu.memory_space<vmem>>
          %dma_start3A_805 = tpu.memref_slice %arg3[%mul3A_791, %mul3A_793] : memref<200x16384xi32, #tpu.memory_space<hbm>> -> memref<1x128xi32, #tpu.memory_space<hbm>>
          tpu.enqueue_dma source(%dma_start3A_805 : memref<1x128xi32, #tpu.memory_space<hbm>>) target(%dma_start3A_804 : memref<1x128xi32, #tpu.memory_space<vmem>>) target_semaphore(%dma_start3A_800 : memref<!tpu.dma_semaphore, #tpu.memory_space<semaphore_mem>>)
          "tpu.trace_stop"() : () -> ()
        } else {
        }
        %and3A_263 = arith.constant true
        %and3A_264 = arith.andi %and3A, %and3A_263 : i1
        %add3A_265 = arith.constant 1 : i32
        %add3A_266 = arith.addi %scan3A_190, %add3A_265 : i32
        %select_n3A_267 = arith.select %and3A_264, %add3A_266, %scan3A_190 : i32
        %ne3A_268 = arith.cmpi ne, %add3A_201, %add3A_237 : i32
        %ne3A_269 = arith.cmpi ne, %add3A_202, %add3A_238 : i32
        %or3A_270 = arith.constant false
        %or3A_271 = arith.ori %or3A_270, %ne3A_268 : i1
        %or3A_272 = arith.constant false
        %or3A_273 = arith.ori %or3A_271, %or3A_272 : i1
        %or3A_274 = arith.ori %or3A_273, %ne3A_269 : i1
        %ge3A_275 = arith.constant 799 : i32
        %ge3A_276 = arith.cmpi sge, %scan3A_189, %ge3A_275 : i32
        %not3A_277 = arith.constant true
        %not3A_278 = arith.xori %ge3A_276, %not3A_277 : i1
        %and3A_279 = arith.andi %or3A_274, %not3A_278 : i1
        %ne3A_280 = arith.cmpi ne, %add3A_201, %add3A_219 : i32
        %ne3A_281 = arith.cmpi ne, %add3A_202, %add3A_220 : i32
        %or3A_282 = arith.constant false
        %or3A_283 = arith.ori %or3A_282, %ne3A_280 : i1
        %or3A_284 = arith.ori %or3A_283, %ne3A_281 : i1
        %or3A_285 = arith.ori %or3A_284, %eq3A_197 : i1
        %convert_element_type3A_286 = arith.extui %or3A_285 : i1 to i32
        %cond3A_287 = arith.constant 0 : i32
        %cond3A_288 = arith.cmpi ne, %convert_element_type3A_286, %cond3A_287 : i32
        scf.if %cond3A_288 {
          "tpu.trace_start"() <{level = 10 : i32, message = "ep_wait_in"}> : () -> ()
          %mul3A_788 = arith.constant 1 : i32
          %mul3A_789 = arith.muli %mul3A_788, %add3A_201 : i32
          %mul3A_790 = arith.constant 128 : i32
          %mul3A_791 = arith.muli %mul3A_790, %add3A_202 : i32
          %rem3A_792 = arith.constant 2 : i32
          %rem3A_793 = arith.remui %scan3A_191, %rem3A_792 : i32
          %dma_wait3A_794 = arith.constant 0 : i32
          %dma_wait3A_795 = arith.constant 0 : i32
          %dma_wait3A_796 = tpu.memref_slice %run_scoped3A[%rem3A_793, %dma_wait3A_794, %dma_wait3A_795] : memref<2x1x128xi32, #tpu.memory_space<vmem>> -> memref<1x1x128xi32, #tpu.memory_space<vmem>>
          %dma_wait3A_797 = tpu.memref_squeeze %dma_wait3A_796 : memref<1x1x128xi32, #tpu.memory_space<vmem>> -> memref<1x128xi32, #tpu.memory_space<vmem>>
          %dma_wait3A_798 = tpu.memref_slice %arg3[%mul3A_789, %mul3A_791] : memref<200x16384xi32, #tpu.memory_space<hbm>> -> memref<1x128xi32, #tpu.memory_space<hbm>>
          %dma_wait3A_799 = tpu.memref_slice %run_scoped3A_7[%rem3A_793] : memref<2x!tpu.dma_semaphore, #tpu.memory_space<semaphore_mem>> -> memref<1x!tpu.dma_semaphore, #tpu.memory_space<semaphore_mem>>
          %dma_wait3A_800 = tpu.memref_squeeze %dma_wait3A_799 : memref<1x!tpu.dma_semaphore, #tpu.memory_space<semaphore_mem>> -> memref<!tpu.dma_semaphore, #tpu.memory_space<semaphore_mem>>
          %dma_wait3A_801 = arith.constant 0 : i32
          %dma_wait3A_802 = arith.constant 0 : i32
          %dma_wait3A_803 = tpu.memref_slice %run_scoped3A[%rem3A_793, %dma_wait3A_801, %dma_wait3A_802] : memref<2x1x128xi32, #tpu.memory_space<vmem>> -> memref<1x1x128xi32, #tpu.memory_space<vmem>>
          %dma_wait3A_804 = tpu.memref_squeeze %dma_wait3A_803 : memref<1x1x128xi32, #tpu.memory_space<vmem>> -> memref<1x128xi32, #tpu.memory_space<vmem>>
          %dma_wait3A_805 = tpu.memref_slice %arg3[%mul3A_789, %mul3A_791] : memref<200x16384xi32, #tpu.memory_space<hbm>> -> memref<1x128xi32, #tpu.memory_space<hbm>>
          tpu.wait_dma2 semaphore(%dma_wait3A_800 : memref<!tpu.dma_semaphore, #tpu.memory_space<semaphore_mem>>) src(%dma_wait3A_805 : memref<1x128xi32, #tpu.memory_space<hbm>>) dst(%dma_wait3A_804 : memref<1x128xi32, #tpu.memory_space<vmem>>)
          "tpu.trace_stop"() : () -> ()
        } else {
        }
        %ne3A_289 = arith.cmpi ne, %add3A_201, %add3A_219 : i32
        %ne3A_290 = arith.cmpi ne, %add3A_202, %add3A_220 : i32
        %or3A_291 = arith.constant false
        %or3A_292 = arith.ori %or3A_291, %ne3A_289 : i1
        %or3A_293 = arith.constant false
        %or3A_294 = arith.ori %or3A_292, %or3A_293 : i1
        %or3A_295 = arith.ori %or3A_294, %ne3A_290 : i1
        %or3A_296 = arith.ori %or3A_295, %eq3A_197 : i1
        %convert_element_type3A_297 = arith.extui %or3A_296 : i1 to i32
        %cond3A_298 = arith.constant 0 : i32
        %cond3A_299 = arith.cmpi ne, %convert_element_type3A_297, %cond3A_298 : i32
        scf.if %cond3A_299 {
        } else {
        }
        %rem3A_300 = arith.constant 2 : i32
        %rem3A_301 = arith.remui %scan3A_191, %rem3A_300 : i32
        %rem3A_302 = arith.constant 2 : i32
        %rem3A_303 = arith.remui %scan3A_192, %rem3A_302 : i32
        %run_scoped3A_304 = arith.constant 0 : i32
        "tpu.trace_start"() <{level = 10 : i32, message = "ep_run_kernel"}> : () -> ()
        "tpu.region"() ({
          %run_scoped3A_788 = tpu.sem_alloc : memref<!tpu.dma_semaphore, #tpu.memory_space<semaphore_mem>>
          %dma_start3A_789 = arith.constant 0 : i32
          %dma_start3A_790 = arith.constant 0 : i32
          %dma_start3A_791 = tpu.memref_slice %run_scoped3A[%rem3A_301, %dma_start3A_789, %dma_start3A_790] : memref<2x1x128xi32, #tpu.memory_space<vmem>> -> memref<1x1x128xi32, #tpu.memory_space<vmem>>
          %dma_start3A_792 = tpu.memref_squeeze %dma_start3A_791 : memref<1x1x128xi32, #tpu.memory_space<vmem>> -> memref<1x128xi32, #tpu.memory_space<vmem>>
          %dma_start3A_793 = arith.constant 0 : i32
          %dma_start3A_794 = tpu.memref_slice %dma_start3A_792[%run_scoped3A_304, %dma_start3A_793] : memref<1x128xi32, #tpu.memory_space<vmem>> -> memref<1x128xi32, #tpu.memory_space<vmem>>
          %dma_start3A_795 = tpu.memref_squeeze %dma_start3A_794 : memref<1x128xi32, #tpu.memory_space<vmem>> -> memref<128xi32, #tpu.memory_space<vmem>>
          %dma_start3A_796 = arith.constant 0 : i32
          %dma_start3A_797 = arith.constant 0 : i32
          %dma_start3A_798 = tpu.memref_slice %arg2[%dma_start3A_796, %dma_start3A_797] : memref<1000000x32xf32, #tpu.memory_space<hbm>> -> memref<1000000x32xf32, #tpu.memory_space<hbm>>
          tpu.enqueue_indirect_dma source(%dma_start3A_798 : memref<1000000x32xf32, #tpu.memory_space<hbm>>) target(%arg5 : memref<128x32xf32, #tpu.memory_space<vmem>>) offsets(%dma_start3A_795 : memref<128xi32, #tpu.memory_space<vmem>>) semaphore(%run_scoped3A_788 : memref<!tpu.dma_semaphore, #tpu.memory_space<semaphore_mem>>)
          %dma_wait3A_799 = arith.constant 0 : i32
          %dma_wait3A_800 = arith.constant 0 : i32
          %dma_wait3A_801 = tpu.memref_slice %run_scoped3A[%rem3A_301, %dma_wait3A_799, %dma_wait3A_800] : memref<2x1x128xi32, #tpu.memory_space<vmem>> -> memref<1x1x128xi32, #tpu.memory_space<vmem>>
          %dma_wait3A_802 = tpu.memref_squeeze %dma_wait3A_801 : memref<1x1x128xi32, #tpu.memory_space<vmem>> -> memref<1x128xi32, #tpu.memory_space<vmem>>
          %dma_wait3A_803 = arith.constant 0 : i32
          %dma_wait3A_804 = tpu.memref_slice %dma_wait3A_802[%run_scoped3A_304, %dma_wait3A_803] : memref<1x128xi32, #tpu.memory_space<vmem>> -> memref<1x128xi32, #tpu.memory_space<vmem>>
          %dma_wait3A_805 = tpu.memref_squeeze %dma_wait3A_804 : memref<1x128xi32, #tpu.memory_space<vmem>> -> memref<128xi32, #tpu.memory_space<vmem>>
          %dma_wait3A_806 = arith.constant 0 : i32
          %dma_wait3A_807 = arith.constant 0 : i32
          %dma_wait3A_808 = tpu.memref_slice %arg2[%dma_wait3A_806, %dma_wait3A_807] : memref<1000000x32xf32, #tpu.memory_space<hbm>> -> memref<1000000x32xf32, #tpu.memory_space<hbm>>
          tpu.wait_indirect_dma semaphore(%run_scoped3A_788 : memref<!tpu.dma_semaphore, #tpu.memory_space<semaphore_mem>>) src(%dma_wait3A_808 : memref<1000000x32xf32, #tpu.memory_space<hbm>>) dst(%arg5 : memref<128x32xf32, #tpu.memory_space<vmem>>)
          tpu.yield
        }) : () -> ()
        %iota3A = tpu.iota {dimensions = array<i32: 0>} : vector<16xi32>
        %add3A_305 = arith.constant 0 : i32
        %add3A_306 = vector.broadcast %add3A_305 : i32 to vector<16xi32>
        %add3A_307 = arith.addi %iota3A, %add3A_306 : vector<16xi32>
        %jit3A = arith.constant 16 : i32
        %eq3A_308 = arith.constant 0 : i32
        %eq3A_309 = arith.cmpi eq, %jit3A, %eq3A_308 : i32
        %jit3A_310 = arith.constant 1 : i32
        %select_n3A_311 = arith.select %eq3A_309, %jit3A_310, %jit3A : i32
        %rem3A_312 = vector.broadcast %select_n3A_311 : i32 to vector<16xi32>
        %rem3A_313 = arith.remsi %add3A_307, %rem3A_312 : vector<16xi32>
        %ne3A_314 = arith.constant 0 : i32
        %ne3A_315 = vector.broadcast %ne3A_314 : i32 to vector<16xi32>
        %ne3A_316 = arith.cmpi ne, %rem3A_313, %ne3A_315 : vector<16xi32>
        %lt3A = arith.constant 0 : i32
        %lt3A_317 = vector.broadcast %lt3A : i32 to vector<16xi32>
        %lt3A_318 = arith.cmpi slt, %rem3A_313, %lt3A_317 : vector<16xi32>
        %lt3A_319 = arith.constant 0 : i32
        %lt3A_320 = arith.cmpi slt, %select_n3A_311, %lt3A_319 : i32
        %ne3A_321 = vector.broadcast %lt3A_320 : i1 to vector<16xi1>
        %ne3A_322 = vector.broadcast %ne3A_321 : vector<16xi1> to vector<16xi1>
        %ne3A_323 = arith.xori %lt3A_318, %ne3A_322 : vector<16xi1>
        %and3A_324 = arith.andi %ne3A_323, %ne3A_316 : vector<16xi1>
        %add3A_325 = vector.broadcast %select_n3A_311 : i32 to vector<16xi32>
        %add3A_326 = arith.addi %rem3A_313, %add3A_325 : vector<16xi32>
        %select_n3A_327 = arith.select %and3A_324, %add3A_326, %rem3A_313 : vector<16xi1>, vector<16xi32>
        %add3A_328 = arith.constant 1 : i32
        %add3A_329 = vector.broadcast %add3A_328 : i32 to vector<16xi32>
        %add3A_330 = arith.addi %iota3A, %add3A_329 : vector<16xi32>
        %jit3A_331 = arith.constant 16 : i32
        %eq3A_332 = arith.constant 0 : i32
        %eq3A_333 = arith.cmpi eq, %jit3A_331, %eq3A_332 : i32
        %jit3A_334 = arith.constant 1 : i32
        %select_n3A_335 = arith.select %eq3A_333, %jit3A_334, %jit3A_331 : i32
        %rem3A_336 = vector.broadcast %select_n3A_335 : i32 to vector<16xi32>
        %rem3A_337 = arith.remsi %add3A_330, %rem3A_336 : vector<16xi32>
        %ne3A_338 = arith.constant 0 : i32
        %ne3A_339 = vector.broadcast %ne3A_338 : i32 to vector<16xi32>
        %ne3A_340 = arith.cmpi ne, %rem3A_337, %ne3A_339 : vector<16xi32>
        %lt3A_341 = arith.constant 0 : i32
        %lt3A_342 = vector.broadcast %lt3A_341 : i32 to vector<16xi32>
        %lt3A_343 = arith.cmpi slt, %rem3A_337, %lt3A_342 : vector<16xi32>
        %lt3A_344 = arith.constant 0 : i32
        %lt3A_345 = arith.cmpi slt, %select_n3A_335, %lt3A_344 : i32
        %ne3A_346 = vector.broadcast %lt3A_345 : i1 to vector<16xi1>
        %ne3A_347 = vector.broadcast %ne3A_346 : vector<16xi1> to vector<16xi1>
        %ne3A_348 = arith.xori %lt3A_343, %ne3A_347 : vector<16xi1>
        %and3A_349 = arith.andi %ne3A_348, %ne3A_340 : vector<16xi1>
        %add3A_350 = vector.broadcast %select_n3A_335 : i32 to vector<16xi32>
        %add3A_351 = arith.addi %rem3A_337, %add3A_350 : vector<16xi32>
        %select_n3A_352 = arith.select %and3A_349, %add3A_351, %rem3A_337 : vector<16xi1>, vector<16xi32>
        %add3A_353 = arith.constant 2 : i32
        %add3A_354 = vector.broadcast %add3A_353 : i32 to vector<16xi32>
        %add3A_355 = arith.addi %iota3A, %add3A_354 : vector<16xi32>
        %jit3A_356 = arith.constant 16 : i32
        %eq3A_357 = arith.constant 0 : i32
        %eq3A_358 = arith.cmpi eq, %jit3A_356, %eq3A_357 : i32
        %jit3A_359 = arith.constant 1 : i32
        %select_n3A_360 = arith.select %eq3A_358, %jit3A_359, %jit3A_356 : i32
        %rem3A_361 = vector.broadcast %select_n3A_360 : i32 to vector<16xi32>
        %rem3A_362 = arith.remsi %add3A_355, %rem3A_361 : vector<16xi32>
        %ne3A_363 = arith.constant 0 : i32
        %ne3A_364 = vector.broadcast %ne3A_363 : i32 to vector<16xi32>
        %ne3A_365 = arith.cmpi ne, %rem3A_362, %ne3A_364 : vector<16xi32>
        %lt3A_366 = arith.constant 0 : i32
        %lt3A_367 = vector.broadcast %lt3A_366 : i32 to vector<16xi32>
        %lt3A_368 = arith.cmpi slt, %rem3A_362, %lt3A_367 : vector<16xi32>
        %lt3A_369 = arith.constant 0 : i32
        %lt3A_370 = arith.cmpi slt, %select_n3A_360, %lt3A_369 : i32
        %ne3A_371 = vector.broadcast %lt3A_370 : i1 to vector<16xi1>
        %ne3A_372 = vector.broadcast %ne3A_371 : vector<16xi1> to vector<16xi1>
        %ne3A_373 = arith.xori %lt3A_368, %ne3A_372 : vector<16xi1>
        %and3A_374 = arith.andi %ne3A_373, %ne3A_365 : vector<16xi1>
        %add3A_375 = vector.broadcast %select_n3A_360 : i32 to vector<16xi32>
        %add3A_376 = arith.addi %rem3A_362, %add3A_375 : vector<16xi32>
        %select_n3A_377 = arith.select %and3A_374, %add3A_376, %rem3A_362 : vector<16xi1>, vector<16xi32>
        %add3A_378 = arith.constant 3 : i32
        %add3A_379 = vector.broadcast %add3A_378 : i32 to vector<16xi32>
        %add3A_380 = arith.addi %iota3A, %add3A_379 : vector<16xi32>
        %jit3A_381 = arith.constant 16 : i32
        %eq3A_382 = arith.constant 0 : i32
        %eq3A_383 = arith.cmpi eq, %jit3A_381, %eq3A_382 : i32
        %jit3A_384 = arith.constant 1 : i32
        %select_n3A_385 = arith.select %eq3A_383, %jit3A_384, %jit3A_381 : i32
        %rem3A_386 = vector.broadcast %select_n3A_385 : i32 to vector<16xi32>
        %rem3A_387 = arith.remsi %add3A_380, %rem3A_386 : vector<16xi32>
        %ne3A_388 = arith.constant 0 : i32
        %ne3A_389 = vector.broadcast %ne3A_388 : i32 to vector<16xi32>
        %ne3A_390 = arith.cmpi ne, %rem3A_387, %ne3A_389 : vector<16xi32>
        %lt3A_391 = arith.constant 0 : i32
        %lt3A_392 = vector.broadcast %lt3A_391 : i32 to vector<16xi32>
        %lt3A_393 = arith.cmpi slt, %rem3A_387, %lt3A_392 : vector<16xi32>
        %lt3A_394 = arith.constant 0 : i32
        %lt3A_395 = arith.cmpi slt, %select_n3A_385, %lt3A_394 : i32
        %ne3A_396 = vector.broadcast %lt3A_395 : i1 to vector<16xi1>
        %ne3A_397 = vector.broadcast %ne3A_396 : vector<16xi1> to vector<16xi1>
        %ne3A_398 = arith.xori %lt3A_393, %ne3A_397 : vector<16xi1>
        %and3A_399 = arith.andi %ne3A_398, %ne3A_390 : vector<16xi1>
        %add3A_400 = vector.broadcast %select_n3A_385 : i32 to vector<16xi32>
        %add3A_401 = arith.addi %rem3A_387, %add3A_400 : vector<16xi32>
        %select_n3A_402 = arith.select %and3A_399, %add3A_401, %rem3A_387 : vector<16xi1>, vector<16xi32>
        %add3A_403 = arith.constant 4 : i32
        %add3A_404 = vector.broadcast %add3A_403 : i32 to vector<16xi32>
        %add3A_405 = arith.addi %iota3A, %add3A_404 : vector<16xi32>
        %jit3A_406 = arith.constant 16 : i32
        %eq3A_407 = arith.constant 0 : i32
        %eq3A_408 = arith.cmpi eq, %jit3A_406, %eq3A_407 : i32
        %jit3A_409 = arith.constant 1 : i32
        %select_n3A_410 = arith.select %eq3A_408, %jit3A_409, %jit3A_406 : i32
        %rem3A_411 = vector.broadcast %select_n3A_410 : i32 to vector<16xi32>
        %rem3A_412 = arith.remsi %add3A_405, %rem3A_411 : vector<16xi32>
        %ne3A_413 = arith.constant 0 : i32
        %ne3A_414 = vector.broadcast %ne3A_413 : i32 to vector<16xi32>
        %ne3A_415 = arith.cmpi ne, %rem3A_412, %ne3A_414 : vector<16xi32>
        %lt3A_416 = arith.constant 0 : i32
        %lt3A_417 = vector.broadcast %lt3A_416 : i32 to vector<16xi32>
        %lt3A_418 = arith.cmpi slt, %rem3A_412, %lt3A_417 : vector<16xi32>
        %lt3A_419 = arith.constant 0 : i32
        %lt3A_420 = arith.cmpi slt, %select_n3A_410, %lt3A_419 : i32
        %ne3A_421 = vector.broadcast %lt3A_420 : i1 to vector<16xi1>
        %ne3A_422 = vector.broadcast %ne3A_421 : vector<16xi1> to vector<16xi1>
        %ne3A_423 = arith.xori %lt3A_418, %ne3A_422 : vector<16xi1>
        %and3A_424 = arith.andi %ne3A_423, %ne3A_415 : vector<16xi1>
        %add3A_425 = vector.broadcast %select_n3A_410 : i32 to vector<16xi32>
        %add3A_426 = arith.addi %rem3A_412, %add3A_425 : vector<16xi32>
        %select_n3A_427 = arith.select %and3A_424, %add3A_426, %rem3A_412 : vector<16xi1>, vector<16xi32>
        %add3A_428 = arith.constant 5 : i32
        %add3A_429 = vector.broadcast %add3A_428 : i32 to vector<16xi32>
        %add3A_430 = arith.addi %iota3A, %add3A_429 : vector<16xi32>
        %jit3A_431 = arith.constant 16 : i32
        %eq3A_432 = arith.constant 0 : i32
        %eq3A_433 = arith.cmpi eq, %jit3A_431, %eq3A_432 : i32
        %jit3A_434 = arith.constant 1 : i32
        %select_n3A_435 = arith.select %eq3A_433, %jit3A_434, %jit3A_431 : i32
        %rem3A_436 = vector.broadcast %select_n3A_435 : i32 to vector<16xi32>
        %rem3A_437 = arith.remsi %add3A_430, %rem3A_436 : vector<16xi32>
        %ne3A_438 = arith.constant 0 : i32
        %ne3A_439 = vector.broadcast %ne3A_438 : i32 to vector<16xi32>
        %ne3A_440 = arith.cmpi ne, %rem3A_437, %ne3A_439 : vector<16xi32>
        %lt3A_441 = arith.constant 0 : i32
        %lt3A_442 = vector.broadcast %lt3A_441 : i32 to vector<16xi32>
        %lt3A_443 = arith.cmpi slt, %rem3A_437, %lt3A_442 : vector<16xi32>
        %lt3A_444 = arith.constant 0 : i32
        %lt3A_445 = arith.cmpi slt, %select_n3A_435, %lt3A_444 : i32
        %ne3A_446 = vector.broadcast %lt3A_445 : i1 to vector<16xi1>
        %ne3A_447 = vector.broadcast %ne3A_446 : vector<16xi1> to vector<16xi1>
        %ne3A_448 = arith.xori %lt3A_443, %ne3A_447 : vector<16xi1>
        %and3A_449 = arith.andi %ne3A_448, %ne3A_440 : vector<16xi1>
        %add3A_450 = vector.broadcast %select_n3A_435 : i32 to vector<16xi32>
        %add3A_451 = arith.addi %rem3A_437, %add3A_450 : vector<16xi32>
        %select_n3A_452 = arith.select %and3A_449, %add3A_451, %rem3A_437 : vector<16xi1>, vector<16xi32>
        %add3A_453 = arith.constant 6 : i32
        %add3A_454 = vector.broadcast %add3A_453 : i32 to vector<16xi32>
        %add3A_455 = arith.addi %iota3A, %add3A_454 : vector<16xi32>
        %jit3A_456 = arith.constant 16 : i32
        %eq3A_457 = arith.constant 0 : i32
        %eq3A_458 = arith.cmpi eq, %jit3A_456, %eq3A_457 : i32
        %jit3A_459 = arith.constant 1 : i32
        %select_n3A_460 = arith.select %eq3A_458, %jit3A_459, %jit3A_456 : i32
        %rem3A_461 = vector.broadcast %select_n3A_460 : i32 to vector<16xi32>
        %rem3A_462 = arith.remsi %add3A_455, %rem3A_461 : vector<16xi32>
        %ne3A_463 = arith.constant 0 : i32
        %ne3A_464 = vector.broadcast %ne3A_463 : i32 to vector<16xi32>
        %ne3A_465 = arith.cmpi ne, %rem3A_462, %ne3A_464 : vector<16xi32>
        %lt3A_466 = arith.constant 0 : i32
        %lt3A_467 = vector.broadcast %lt3A_466 : i32 to vector<16xi32>
        %lt3A_468 = arith.cmpi slt, %rem3A_462, %lt3A_467 : vector<16xi32>
        %lt3A_469 = arith.constant 0 : i32
        %lt3A_470 = arith.cmpi slt, %select_n3A_460, %lt3A_469 : i32
        %ne3A_471 = vector.broadcast %lt3A_470 : i1 to vector<16xi1>
        %ne3A_472 = vector.broadcast %ne3A_471 : vector<16xi1> to vector<16xi1>
        %ne3A_473 = arith.xori %lt3A_468, %ne3A_472 : vector<16xi1>
        %and3A_474 = arith.andi %ne3A_473, %ne3A_465 : vector<16xi1>
        %add3A_475 = vector.broadcast %select_n3A_460 : i32 to vector<16xi32>
        %add3A_476 = arith.addi %rem3A_462, %add3A_475 : vector<16xi32>
        %select_n3A_477 = arith.select %and3A_474, %add3A_476, %rem3A_462 : vector<16xi1>, vector<16xi32>
        %add3A_478 = arith.constant 7 : i32
        %add3A_479 = vector.broadcast %add3A_478 : i32 to vector<16xi32>
        %add3A_480 = arith.addi %iota3A, %add3A_479 : vector<16xi32>
        %jit3A_481 = arith.constant 16 : i32
        %eq3A_482 = arith.constant 0 : i32
        %eq3A_483 = arith.cmpi eq, %jit3A_481, %eq3A_482 : i32
        %jit3A_484 = arith.constant 1 : i32
        %select_n3A_485 = arith.select %eq3A_483, %jit3A_484, %jit3A_481 : i32
        %rem3A_486 = vector.broadcast %select_n3A_485 : i32 to vector<16xi32>
        %rem3A_487 = arith.remsi %add3A_480, %rem3A_486 : vector<16xi32>
        %ne3A_488 = arith.constant 0 : i32
        %ne3A_489 = vector.broadcast %ne3A_488 : i32 to vector<16xi32>
        %ne3A_490 = arith.cmpi ne, %rem3A_487, %ne3A_489 : vector<16xi32>
        %lt3A_491 = arith.constant 0 : i32
        %lt3A_492 = vector.broadcast %lt3A_491 : i32 to vector<16xi32>
        %lt3A_493 = arith.cmpi slt, %rem3A_487, %lt3A_492 : vector<16xi32>
        %lt3A_494 = arith.constant 0 : i32
        %lt3A_495 = arith.cmpi slt, %select_n3A_485, %lt3A_494 : i32
        %ne3A_496 = vector.broadcast %lt3A_495 : i1 to vector<16xi1>
        %ne3A_497 = vector.broadcast %ne3A_496 : vector<16xi1> to vector<16xi1>
        %ne3A_498 = arith.xori %lt3A_493, %ne3A_497 : vector<16xi1>
        %and3A_499 = arith.andi %ne3A_498, %ne3A_490 : vector<16xi1>
        %add3A_500 = vector.broadcast %select_n3A_485 : i32 to vector<16xi32>
        %add3A_501 = arith.addi %rem3A_487, %add3A_500 : vector<16xi32>
        %select_n3A_502 = arith.select %and3A_499, %add3A_501, %rem3A_487 : vector<16xi1>, vector<16xi32>
        %add3A_503 = arith.constant 8 : i32
        %add3A_504 = vector.broadcast %add3A_503 : i32 to vector<16xi32>
        %add3A_505 = arith.addi %iota3A, %add3A_504 : vector<16xi32>
        %jit3A_506 = arith.constant 16 : i32
        %eq3A_507 = arith.constant 0 : i32
        %eq3A_508 = arith.cmpi eq, %jit3A_506, %eq3A_507 : i32
        %jit3A_509 = arith.constant 1 : i32
        %select_n3A_510 = arith.select %eq3A_508, %jit3A_509, %jit3A_506 : i32
        %rem3A_511 = vector.broadcast %select_n3A_510 : i32 to vector<16xi32>
        %rem3A_512 = arith.remsi %add3A_505, %rem3A_511 : vector<16xi32>
        %ne3A_513 = arith.constant 0 : i32
        %ne3A_514 = vector.broadcast %ne3A_513 : i32 to vector<16xi32>
        %ne3A_515 = arith.cmpi ne, %rem3A_512, %ne3A_514 : vector<16xi32>
        %lt3A_516 = arith.constant 0 : i32
        %lt3A_517 = vector.broadcast %lt3A_516 : i32 to vector<16xi32>
        %lt3A_518 = arith.cmpi slt, %rem3A_512, %lt3A_517 : vector<16xi32>
        %lt3A_519 = arith.constant 0 : i32
        %lt3A_520 = arith.cmpi slt, %select_n3A_510, %lt3A_519 : i32
        %ne3A_521 = vector.broadcast %lt3A_520 : i1 to vector<16xi1>
        %ne3A_522 = vector.broadcast %ne3A_521 : vector<16xi1> to vector<16xi1>
        %ne3A_523 = arith.xori %lt3A_518, %ne3A_522 : vector<16xi1>
        %and3A_524 = arith.andi %ne3A_523, %ne3A_515 : vector<16xi1>
        %add3A_525 = vector.broadcast %select_n3A_510 : i32 to vector<16xi32>
        %add3A_526 = arith.addi %rem3A_512, %add3A_525 : vector<16xi32>
        %select_n3A_527 = arith.select %and3A_524, %add3A_526, %rem3A_512 : vector<16xi1>, vector<16xi32>
        %add3A_528 = arith.constant 9 : i32
        %add3A_529 = vector.broadcast %add3A_528 : i32 to vector<16xi32>
        %add3A_530 = arith.addi %iota3A, %add3A_529 : vector<16xi32>
        %jit3A_531 = arith.constant 16 : i32
        %eq3A_532 = arith.constant 0 : i32
        %eq3A_533 = arith.cmpi eq, %jit3A_531, %eq3A_532 : i32
        %jit3A_534 = arith.constant 1 : i32
        %select_n3A_535 = arith.select %eq3A_533, %jit3A_534, %jit3A_531 : i32
        %rem3A_536 = vector.broadcast %select_n3A_535 : i32 to vector<16xi32>
        %rem3A_537 = arith.remsi %add3A_530, %rem3A_536 : vector<16xi32>
        %ne3A_538 = arith.constant 0 : i32
        %ne3A_539 = vector.broadcast %ne3A_538 : i32 to vector<16xi32>
        %ne3A_540 = arith.cmpi ne, %rem3A_537, %ne3A_539 : vector<16xi32>
        %lt3A_541 = arith.constant 0 : i32
        %lt3A_542 = vector.broadcast %lt3A_541 : i32 to vector<16xi32>
        %lt3A_543 = arith.cmpi slt, %rem3A_537, %lt3A_542 : vector<16xi32>
        %lt3A_544 = arith.constant 0 : i32
        %lt3A_545 = arith.cmpi slt, %select_n3A_535, %lt3A_544 : i32
        %ne3A_546 = vector.broadcast %lt3A_545 : i1 to vector<16xi1>
        %ne3A_547 = vector.broadcast %ne3A_546 : vector<16xi1> to vector<16xi1>
        %ne3A_548 = arith.xori %lt3A_543, %ne3A_547 : vector<16xi1>
        %and3A_549 = arith.andi %ne3A_548, %ne3A_540 : vector<16xi1>
        %add3A_550 = vector.broadcast %select_n3A_535 : i32 to vector<16xi32>
        %add3A_551 = arith.addi %rem3A_537, %add3A_550 : vector<16xi32>
        %select_n3A_552 = arith.select %and3A_549, %add3A_551, %rem3A_537 : vector<16xi1>, vector<16xi32>
        %add3A_553 = arith.constant 10 : i32
        %add3A_554 = vector.broadcast %add3A_553 : i32 to vector<16xi32>
        %add3A_555 = arith.addi %iota3A, %add3A_554 : vector<16xi32>
        %jit3A_556 = arith.constant 16 : i32
        %eq3A_557 = arith.constant 0 : i32
        %eq3A_558 = arith.cmpi eq, %jit3A_556, %eq3A_557 : i32
        %jit3A_559 = arith.constant 1 : i32
        %select_n3A_560 = arith.select %eq3A_558, %jit3A_559, %jit3A_556 : i32
        %rem3A_561 = vector.broadcast %select_n3A_560 : i32 to vector<16xi32>
        %rem3A_562 = arith.remsi %add3A_555, %rem3A_561 : vector<16xi32>
        %ne3A_563 = arith.constant 0 : i32
        %ne3A_564 = vector.broadcast %ne3A_563 : i32 to vector<16xi32>
        %ne3A_565 = arith.cmpi ne, %rem3A_562, %ne3A_564 : vector<16xi32>
        %lt3A_566 = arith.constant 0 : i32
        %lt3A_567 = vector.broadcast %lt3A_566 : i32 to vector<16xi32>
        %lt3A_568 = arith.cmpi slt, %rem3A_562, %lt3A_567 : vector<16xi32>
        %lt3A_569 = arith.constant 0 : i32
        %lt3A_570 = arith.cmpi slt, %select_n3A_560, %lt3A_569 : i32
        %ne3A_571 = vector.broadcast %lt3A_570 : i1 to vector<16xi1>
        %ne3A_572 = vector.broadcast %ne3A_571 : vector<16xi1> to vector<16xi1>
        %ne3A_573 = arith.xori %lt3A_568, %ne3A_572 : vector<16xi1>
        %and3A_574 = arith.andi %ne3A_573, %ne3A_565 : vector<16xi1>
        %add3A_575 = vector.broadcast %select_n3A_560 : i32 to vector<16xi32>
        %add3A_576 = arith.addi %rem3A_562, %add3A_575 : vector<16xi32>
        %select_n3A_577 = arith.select %and3A_574, %add3A_576, %rem3A_562 : vector<16xi1>, vector<16xi32>
        %add3A_578 = arith.constant 11 : i32
        %add3A_579 = vector.broadcast %add3A_578 : i32 to vector<16xi32>
        %add3A_580 = arith.addi %iota3A, %add3A_579 : vector<16xi32>
        %jit3A_581 = arith.constant 16 : i32
        %eq3A_582 = arith.constant 0 : i32
        %eq3A_583 = arith.cmpi eq, %jit3A_581, %eq3A_582 : i32
        %jit3A_584 = arith.constant 1 : i32
        %select_n3A_585 = arith.select %eq3A_583, %jit3A_584, %jit3A_581 : i32
        %rem3A_586 = vector.broadcast %select_n3A_585 : i32 to vector<16xi32>
        %rem3A_587 = arith.remsi %add3A_580, %rem3A_586 : vector<16xi32>
        %ne3A_588 = arith.constant 0 : i32
        %ne3A_589 = vector.broadcast %ne3A_588 : i32 to vector<16xi32>
        %ne3A_590 = arith.cmpi ne, %rem3A_587, %ne3A_589 : vector<16xi32>
        %lt3A_591 = arith.constant 0 : i32
        %lt3A_592 = vector.broadcast %lt3A_591 : i32 to vector<16xi32>
        %lt3A_593 = arith.cmpi slt, %rem3A_587, %lt3A_592 : vector<16xi32>
        %lt3A_594 = arith.constant 0 : i32
        %lt3A_595 = arith.cmpi slt, %select_n3A_585, %lt3A_594 : i32
        %ne3A_596 = vector.broadcast %lt3A_595 : i1 to vector<16xi1>
        %ne3A_597 = vector.broadcast %ne3A_596 : vector<16xi1> to vector<16xi1>
        %ne3A_598 = arith.xori %lt3A_593, %ne3A_597 : vector<16xi1>
        %and3A_599 = arith.andi %ne3A_598, %ne3A_590 : vector<16xi1>
        %add3A_600 = vector.broadcast %select_n3A_585 : i32 to vector<16xi32>
        %add3A_601 = arith.addi %rem3A_587, %add3A_600 : vector<16xi32>
        %select_n3A_602 = arith.select %and3A_599, %add3A_601, %rem3A_587 : vector<16xi1>, vector<16xi32>
        %add3A_603 = arith.constant 12 : i32
        %add3A_604 = vector.broadcast %add3A_603 : i32 to vector<16xi32>
        %add3A_605 = arith.addi %iota3A, %add3A_604 : vector<16xi32>
        %jit3A_606 = arith.constant 16 : i32
        %eq3A_607 = arith.constant 0 : i32
        %eq3A_608 = arith.cmpi eq, %jit3A_606, %eq3A_607 : i32
        %jit3A_609 = arith.constant 1 : i32
        %select_n3A_610 = arith.select %eq3A_608, %jit3A_609, %jit3A_606 : i32
        %rem3A_611 = vector.broadcast %select_n3A_610 : i32 to vector<16xi32>
        %rem3A_612 = arith.remsi %add3A_605, %rem3A_611 : vector<16xi32>
        %ne3A_613 = arith.constant 0 : i32
        %ne3A_614 = vector.broadcast %ne3A_613 : i32 to vector<16xi32>
        %ne3A_615 = arith.cmpi ne, %rem3A_612, %ne3A_614 : vector<16xi32>
        %lt3A_616 = arith.constant 0 : i32
        %lt3A_617 = vector.broadcast %lt3A_616 : i32 to vector<16xi32>
        %lt3A_618 = arith.cmpi slt, %rem3A_612, %lt3A_617 : vector<16xi32>
        %lt3A_619 = arith.constant 0 : i32
        %lt3A_620 = arith.cmpi slt, %select_n3A_610, %lt3A_619 : i32
        %ne3A_621 = vector.broadcast %lt3A_620 : i1 to vector<16xi1>
        %ne3A_622 = vector.broadcast %ne3A_621 : vector<16xi1> to vector<16xi1>
        %ne3A_623 = arith.xori %lt3A_618, %ne3A_622 : vector<16xi1>
        %and3A_624 = arith.andi %ne3A_623, %ne3A_615 : vector<16xi1>
        %add3A_625 = vector.broadcast %select_n3A_610 : i32 to vector<16xi32>
        %add3A_626 = arith.addi %rem3A_612, %add3A_625 : vector<16xi32>
        %select_n3A_627 = arith.select %and3A_624, %add3A_626, %rem3A_612 : vector<16xi1>, vector<16xi32>
        %add3A_628 = arith.constant 13 : i32
        %add3A_629 = vector.broadcast %add3A_628 : i32 to vector<16xi32>
        %add3A_630 = arith.addi %iota3A, %add3A_629 : vector<16xi32>
        %jit3A_631 = arith.constant 16 : i32
        %eq3A_632 = arith.constant 0 : i32
        %eq3A_633 = arith.cmpi eq, %jit3A_631, %eq3A_632 : i32
        %jit3A_634 = arith.constant 1 : i32
        %select_n3A_635 = arith.select %eq3A_633, %jit3A_634, %jit3A_631 : i32
        %rem3A_636 = vector.broadcast %select_n3A_635 : i32 to vector<16xi32>
        %rem3A_637 = arith.remsi %add3A_630, %rem3A_636 : vector<16xi32>
        %ne3A_638 = arith.constant 0 : i32
        %ne3A_639 = vector.broadcast %ne3A_638 : i32 to vector<16xi32>
        %ne3A_640 = arith.cmpi ne, %rem3A_637, %ne3A_639 : vector<16xi32>
        %lt3A_641 = arith.constant 0 : i32
        %lt3A_642 = vector.broadcast %lt3A_641 : i32 to vector<16xi32>
        %lt3A_643 = arith.cmpi slt, %rem3A_637, %lt3A_642 : vector<16xi32>
        %lt3A_644 = arith.constant 0 : i32
        %lt3A_645 = arith.cmpi slt, %select_n3A_635, %lt3A_644 : i32
        %ne3A_646 = vector.broadcast %lt3A_645 : i1 to vector<16xi1>
        %ne3A_647 = vector.broadcast %ne3A_646 : vector<16xi1> to vector<16xi1>
        %ne3A_648 = arith.xori %lt3A_643, %ne3A_647 : vector<16xi1>
        %and3A_649 = arith.andi %ne3A_648, %ne3A_640 : vector<16xi1>
        %add3A_650 = vector.broadcast %select_n3A_635 : i32 to vector<16xi32>
        %add3A_651 = arith.addi %rem3A_637, %add3A_650 : vector<16xi32>
        %select_n3A_652 = arith.select %and3A_649, %add3A_651, %rem3A_637 : vector<16xi1>, vector<16xi32>
        %add3A_653 = arith.constant 14 : i32
        %add3A_654 = vector.broadcast %add3A_653 : i32 to vector<16xi32>
        %add3A_655 = arith.addi %iota3A, %add3A_654 : vector<16xi32>
        %jit3A_656 = arith.constant 16 : i32
        %eq3A_657 = arith.constant 0 : i32
        %eq3A_658 = arith.cmpi eq, %jit3A_656, %eq3A_657 : i32
        %jit3A_659 = arith.constant 1 : i32
        %select_n3A_660 = arith.select %eq3A_658, %jit3A_659, %jit3A_656 : i32
        %rem3A_661 = vector.broadcast %select_n3A_660 : i32 to vector<16xi32>
        %rem3A_662 = arith.remsi %add3A_655, %rem3A_661 : vector<16xi32>
        %ne3A_663 = arith.constant 0 : i32
        %ne3A_664 = vector.broadcast %ne3A_663 : i32 to vector<16xi32>
        %ne3A_665 = arith.cmpi ne, %rem3A_662, %ne3A_664 : vector<16xi32>
        %lt3A_666 = arith.constant 0 : i32
        %lt3A_667 = vector.broadcast %lt3A_666 : i32 to vector<16xi32>
        %lt3A_668 = arith.cmpi slt, %rem3A_662, %lt3A_667 : vector<16xi32>
        %lt3A_669 = arith.constant 0 : i32
        %lt3A_670 = arith.cmpi slt, %select_n3A_660, %lt3A_669 : i32
        %ne3A_671 = vector.broadcast %lt3A_670 : i1 to vector<16xi1>
        %ne3A_672 = vector.broadcast %ne3A_671 : vector<16xi1> to vector<16xi1>
        %ne3A_673 = arith.xori %lt3A_668, %ne3A_672 : vector<16xi1>
        %and3A_674 = arith.andi %ne3A_673, %ne3A_665 : vector<16xi1>
        %add3A_675 = vector.broadcast %select_n3A_660 : i32 to vector<16xi32>
        %add3A_676 = arith.addi %rem3A_662, %add3A_675 : vector<16xi32>
        %select_n3A_677 = arith.select %and3A_674, %add3A_676, %rem3A_662 : vector<16xi1>, vector<16xi32>
        %add3A_678 = arith.constant 15 : i32
        %add3A_679 = vector.broadcast %add3A_678 : i32 to vector<16xi32>
        %add3A_680 = arith.addi %iota3A, %add3A_679 : vector<16xi32>
        %jit3A_681 = arith.constant 16 : i32
        %eq3A_682 = arith.constant 0 : i32
        %eq3A_683 = arith.cmpi eq, %jit3A_681, %eq3A_682 : i32
        %jit3A_684 = arith.constant 1 : i32
        %select_n3A_685 = arith.select %eq3A_683, %jit3A_684, %jit3A_681 : i32
        %rem3A_686 = vector.broadcast %select_n3A_685 : i32 to vector<16xi32>
        %rem3A_687 = arith.remsi %add3A_680, %rem3A_686 : vector<16xi32>
        %ne3A_688 = arith.constant 0 : i32
        %ne3A_689 = vector.broadcast %ne3A_688 : i32 to vector<16xi32>
        %ne3A_690 = arith.cmpi ne, %rem3A_687, %ne3A_689 : vector<16xi32>
        %lt3A_691 = arith.constant 0 : i32
        %lt3A_692 = vector.broadcast %lt3A_691 : i32 to vector<16xi32>
        %lt3A_693 = arith.cmpi slt, %rem3A_687, %lt3A_692 : vector<16xi32>
        %lt3A_694 = arith.constant 0 : i32
        %lt3A_695 = arith.cmpi slt, %select_n3A_685, %lt3A_694 : i32
        %ne3A_696 = vector.broadcast %lt3A_695 : i1 to vector<16xi1>
        %ne3A_697 = vector.broadcast %ne3A_696 : vector<16xi1> to vector<16xi1>
        %ne3A_698 = arith.xori %lt3A_693, %ne3A_697 : vector<16xi1>
        %and3A_699 = arith.andi %ne3A_698, %ne3A_690 : vector<16xi1>
        %add3A_700 = vector.broadcast %select_n3A_685 : i32 to vector<16xi32>
        %add3A_701 = arith.addi %rem3A_687, %add3A_700 : vector<16xi32>
        %select_n3A_702 = arith.select %and3A_699, %add3A_701, %rem3A_687 : vector<16xi1>, vector<16xi32>
        %parallel_loop3A = arith.constant 0 : i32
        %parallel_loop3A_703 = arith.constant 128 : i32
        %parallel_loop3A_704 = arith.constant 16 : i32
        %parallel_loop3A_705 = arith.constant 0 : i32
        scf.for %parallel_loop3A_788 = %parallel_loop3A to %parallel_loop3A_703 step %parallel_loop3A_704  : i32 {
          %parallel_loop3A_789 = arith.constant 0 : i32
          %parallel_loop3A_790 = vector.broadcast %parallel_loop3A_789 : i32 to vector<16xi32>
          %parallel_loop3A_791 = arith.addi %iota3A, %parallel_loop3A_790 : vector<16xi32>
          %parallel_loop3A_792 = vector.broadcast %parallel_loop3A_788 : i32 to vector<16xi32>
          %parallel_loop3A_793 = arith.addi %select_n3A_327, %parallel_loop3A_792 : vector<16xi32>
          %parallel_loop3A_794 = tpu.vector_load_idx %arg5[%parallel_loop3A_793, %parallel_loop3A_791] : memref<128x32xf32, #tpu.memory_space<vmem>>[vector<16xi32>, vector<16xi32>], vector<16xf32>,
          %parallel_loop3A_795 = arith.constant 0 : i32
          %parallel_loop3A_796 = arith.constant 0 : i32
          %parallel_loop3A_797 = arith.constant 0 : i32
          %parallel_loop3A_798 = tpu.memref_slice %run_scoped3A_8[%rem3A_303, %parallel_loop3A_795, %parallel_loop3A_796, %parallel_loop3A_797] : memref<2x1x32x128xf32, #tpu.memory_space<vmem>> -> memref<1x1x32x128xf32, #tpu.memory_space<vmem>>
          %parallel_loop3A_799 = tpu.memref_squeeze %parallel_loop3A_798 : memref<1x1x32x128xf32, #tpu.memory_space<vmem>> -> memref<1x32x128xf32, #tpu.memory_space<vmem>>
          %parallel_loop3A_800 = arith.constant 0 : i32
          %parallel_loop3A_801 = arith.constant 0 : i32
          %parallel_loop3A_802 = tpu.memref_slice %parallel_loop3A_799[%parallel_loop3A_705, %parallel_loop3A_800, %parallel_loop3A_801] : memref<1x32x128xf32, #tpu.memory_space<vmem>> -> memref<1x32x128xf32, #tpu.memory_space<vmem>>
          %parallel_loop3A_803 = tpu.memref_squeeze %parallel_loop3A_802 : memref<1x32x128xf32, #tpu.memory_space<vmem>> -> memref<32x128xf32, #tpu.memory_space<vmem>>
          tpu.vector_store_idx %parallel_loop3A_803[%parallel_loop3A_791, %parallel_loop3A_793], %parallel_loop3A_794 : memref<32x128xf32, #tpu.memory_space<vmem>>[vector<16xi32>, vector<16xi32>], vector<16xf32>,
          %parallel_loop3A_804 = vector.broadcast %parallel_loop3A_788 : i32 to vector<16xi32>
          %parallel_loop3A_805 = arith.addi %select_n3A_352, %parallel_loop3A_804 : vector<16xi32>
          %parallel_loop3A_806 = tpu.vector_load_idx %arg5[%parallel_loop3A_805, %parallel_loop3A_791] : memref<128x32xf32, #tpu.memory_space<vmem>>[vector<16xi32>, vector<16xi32>], vector<16xf32>,
          %parallel_loop3A_807 = arith.constant 0 : i32
          %parallel_loop3A_808 = arith.constant 0 : i32
          %parallel_loop3A_809 = arith.constant 0 : i32
          %parallel_loop3A_810 = tpu.memref_slice %run_scoped3A_8[%rem3A_303, %parallel_loop3A_807, %parallel_loop3A_808, %parallel_loop3A_809] : memref<2x1x32x128xf32, #tpu.memory_space<vmem>> -> memref<1x1x32x128xf32, #tpu.memory_space<vmem>>
          %parallel_loop3A_811 = tpu.memref_squeeze %parallel_loop3A_810 : memref<1x1x32x128xf32, #tpu.memory_space<vmem>> -> memref<1x32x128xf32, #tpu.memory_space<vmem>>
          %parallel_loop3A_812 = arith.constant 0 : i32
          %parallel_loop3A_813 = arith.constant 0 : i32
          %parallel_loop3A_814 = tpu.memref_slice %parallel_loop3A_811[%parallel_loop3A_705, %parallel_loop3A_812, %parallel_loop3A_813] : memref<1x32x128xf32, #tpu.memory_space<vmem>> -> memref<1x32x128xf32, #tpu.memory_space<vmem>>
          %parallel_loop3A_815 = tpu.memref_squeeze %parallel_loop3A_814 : memref<1x32x128xf32, #tpu.memory_space<vmem>> -> memref<32x128xf32, #tpu.memory_space<vmem>>
          tpu.vector_store_idx %parallel_loop3A_815[%parallel_loop3A_791, %parallel_loop3A_805], %parallel_loop3A_806 : memref<32x128xf32, #tpu.memory_space<vmem>>[vector<16xi32>, vector<16xi32>], vector<16xf32>,
          %parallel_loop3A_816 = vector.broadcast %parallel_loop3A_788 : i32 to vector<16xi32>
          %parallel_loop3A_817 = arith.addi %select_n3A_377, %parallel_loop3A_816 : vector<16xi32>
          %parallel_loop3A_818 = tpu.vector_load_idx %arg5[%parallel_loop3A_817, %parallel_loop3A_791] : memref<128x32xf32, #tpu.memory_space<vmem>>[vector<16xi32>, vector<16xi32>], vector<16xf32>,
          %parallel_loop3A_819 = arith.constant 0 : i32
          %parallel_loop3A_820 = arith.constant 0 : i32
          %parallel_loop3A_821 = arith.constant 0 : i32
          %parallel_loop3A_822 = tpu.memref_slice %run_scoped3A_8[%rem3A_303, %parallel_loop3A_819, %parallel_loop3A_820, %parallel_loop3A_821] : memref<2x1x32x128xf32, #tpu.memory_space<vmem>> -> memref<1x1x32x128xf32, #tpu.memory_space<vmem>>
          %parallel_loop3A_823 = tpu.memref_squeeze %parallel_loop3A_822 : memref<1x1x32x128xf32, #tpu.memory_space<vmem>> -> memref<1x32x128xf32, #tpu.memory_space<vmem>>
          %parallel_loop3A_824 = arith.constant 0 : i32
          %parallel_loop3A_825 = arith.constant 0 : i32
          %parallel_loop3A_826 = tpu.memref_slice %parallel_loop3A_823[%parallel_loop3A_705, %parallel_loop3A_824, %parallel_loop3A_825] : memref<1x32x128xf32, #tpu.memory_space<vmem>> -> memref<1x32x128xf32, #tpu.memory_space<vmem>>
          %parallel_loop3A_827 = tpu.memref_squeeze %parallel_loop3A_826 : memref<1x32x128xf32, #tpu.memory_space<vmem>> -> memref<32x128xf32, #tpu.memory_space<vmem>>
          tpu.vector_store_idx %parallel_loop3A_827[%parallel_loop3A_791, %parallel_loop3A_817], %parallel_loop3A_818 : memref<32x128xf32, #tpu.memory_space<vmem>>[vector<16xi32>, vector<16xi32>], vector<16xf32>,
          %parallel_loop3A_828 = vector.broadcast %parallel_loop3A_788 : i32 to vector<16xi32>
          %parallel_loop3A_829 = arith.addi %select_n3A_402, %parallel_loop3A_828 : vector<16xi32>
          %parallel_loop3A_830 = tpu.vector_load_idx %arg5[%parallel_loop3A_829, %parallel_loop3A_791] : memref<128x32xf32, #tpu.memory_space<vmem>>[vector<16xi32>, vector<16xi32>], vector<16xf32>,
          %parallel_loop3A_831 = arith.constant 0 : i32
          %parallel_loop3A_832 = arith.constant 0 : i32
          %parallel_loop3A_833 = arith.constant 0 : i32
          %parallel_loop3A_834 = tpu.memref_slice %run_scoped3A_8[%rem3A_303, %parallel_loop3A_831, %parallel_loop3A_832, %parallel_loop3A_833] : memref<2x1x32x128xf32, #tpu.memory_space<vmem>> -> memref<1x1x32x128xf32, #tpu.memory_space<vmem>>
          %parallel_loop3A_835 = tpu.memref_squeeze %parallel_loop3A_834 : memref<1x1x32x128xf32, #tpu.memory_space<vmem>> -> memref<1x32x128xf32, #tpu.memory_space<vmem>>
          %parallel_loop3A_836 = arith.constant 0 : i32
          %parallel_loop3A_837 = arith.constant 0 : i32
          %parallel_loop3A_838 = tpu.memref_slice %parallel_loop3A_835[%parallel_loop3A_705, %parallel_loop3A_836, %parallel_loop3A_837] : memref<1x32x128xf32, #tpu.memory_space<vmem>> -> memref<1x32x128xf32, #tpu.memory_space<vmem>>
          %parallel_loop3A_839 = tpu.memref_squeeze %parallel_loop3A_838 : memref<1x32x128xf32, #tpu.memory_space<vmem>> -> memref<32x128xf32, #tpu.memory_space<vmem>>
          tpu.vector_store_idx %parallel_loop3A_839[%parallel_loop3A_791, %parallel_loop3A_829], %parallel_loop3A_830 : memref<32x128xf32, #tpu.memory_space<vmem>>[vector<16xi32>, vector<16xi32>], vector<16xf32>,
          %parallel_loop3A_840 = vector.broadcast %parallel_loop3A_788 : i32 to vector<16xi32>
          %parallel_loop3A_841 = arith.addi %select_n3A_427, %parallel_loop3A_840 : vector<16xi32>
          %parallel_loop3A_842 = tpu.vector_load_idx %arg5[%parallel_loop3A_841, %parallel_loop3A_791] : memref<128x32xf32, #tpu.memory_space<vmem>>[vector<16xi32>, vector<16xi32>], vector<16xf32>,
          %parallel_loop3A_843 = arith.constant 0 : i32
          %parallel_loop3A_844 = arith.constant 0 : i32
          %parallel_loop3A_845 = arith.constant 0 : i32
          %parallel_loop3A_846 = tpu.memref_slice %run_scoped3A_8[%rem3A_303, %parallel_loop3A_843, %parallel_loop3A_844, %parallel_loop3A_845] : memref<2x1x32x128xf32, #tpu.memory_space<vmem>> -> memref<1x1x32x128xf32, #tpu.memory_space<vmem>>
          %parallel_loop3A_847 = tpu.memref_squeeze %parallel_loop3A_846 : memref<1x1x32x128xf32, #tpu.memory_space<vmem>> -> memref<1x32x128xf32, #tpu.memory_space<vmem>>
          %parallel_loop3A_848 = arith.constant 0 : i32
          %parallel_loop3A_849 = arith.constant 0 : i32
          %parallel_loop3A_850 = tpu.memref_slice %parallel_loop3A_847[%parallel_loop3A_705, %parallel_loop3A_848, %parallel_loop3A_849] : memref<1x32x128xf32, #tpu.memory_space<vmem>> -> memref<1x32x128xf32, #tpu.memory_space<vmem>>
          %parallel_loop3A_851 = tpu.memref_squeeze %parallel_loop3A_850 : memref<1x32x128xf32, #tpu.memory_space<vmem>> -> memref<32x128xf32, #tpu.memory_space<vmem>>
          tpu.vector_store_idx %parallel_loop3A_851[%parallel_loop3A_791, %parallel_loop3A_841], %parallel_loop3A_842 : memref<32x128xf32, #tpu.memory_space<vmem>>[vector<16xi32>, vector<16xi32>], vector<16xf32>,
          %parallel_loop3A_852 = vector.broadcast %parallel_loop3A_788 : i32 to vector<16xi32>
          %parallel_loop3A_853 = arith.addi %select_n3A_452, %parallel_loop3A_852 : vector<16xi32>
          %parallel_loop3A_854 = tpu.vector_load_idx %arg5[%parallel_loop3A_853, %parallel_loop3A_791] : memref<128x32xf32, #tpu.memory_space<vmem>>[vector<16xi32>, vector<16xi32>], vector<16xf32>,
          %parallel_loop3A_855 = arith.constant 0 : i32
          %parallel_loop3A_856 = arith.constant 0 : i32
          %parallel_loop3A_857 = arith.constant 0 : i32
          %parallel_loop3A_858 = tpu.memref_slice %run_scoped3A_8[%rem3A_303, %parallel_loop3A_855, %parallel_loop3A_856, %parallel_loop3A_857] : memref<2x1x32x128xf32, #tpu.memory_space<vmem>> -> memref<1x1x32x128xf32, #tpu.memory_space<vmem>>
          %parallel_loop3A_859 = tpu.memref_squeeze %parallel_loop3A_858 : memref<1x1x32x128xf32, #tpu.memory_space<vmem>> -> memref<1x32x128xf32, #tpu.memory_space<vmem>>
          %parallel_loop3A_860 = arith.constant 0 : i32
          %parallel_loop3A_861 = arith.constant 0 : i32
          %parallel_loop3A_862 = tpu.memref_slice %parallel_loop3A_859[%parallel_loop3A_705, %parallel_loop3A_860, %parallel_loop3A_861] : memref<1x32x128xf32, #tpu.memory_space<vmem>> -> memref<1x32x128xf32, #tpu.memory_space<vmem>>
          %parallel_loop3A_863 = tpu.memref_squeeze %parallel_loop3A_862 : memref<1x32x128xf32, #tpu.memory_space<vmem>> -> memref<32x128xf32, #tpu.memory_space<vmem>>
          tpu.vector_store_idx %parallel_loop3A_863[%parallel_loop3A_791, %parallel_loop3A_853], %parallel_loop3A_854 : memref<32x128xf32, #tpu.memory_space<vmem>>[vector<16xi32>, vector<16xi32>], vector<16xf32>,
          %parallel_loop3A_864 = vector.broadcast %parallel_loop3A_788 : i32 to vector<16xi32>
          %parallel_loop3A_865 = arith.addi %select_n3A_477, %parallel_loop3A_864 : vector<16xi32>
          %parallel_loop3A_866 = tpu.vector_load_idx %arg5[%parallel_loop3A_865, %parallel_loop3A_791] : memref<128x32xf32, #tpu.memory_space<vmem>>[vector<16xi32>, vector<16xi32>], vector<16xf32>,
          %parallel_loop3A_867 = arith.constant 0 : i32
          %parallel_loop3A_868 = arith.constant 0 : i32
          %parallel_loop3A_869 = arith.constant 0 : i32
          %parallel_loop3A_870 = tpu.memref_slice %run_scoped3A_8[%rem3A_303, %parallel_loop3A_867, %parallel_loop3A_868, %parallel_loop3A_869] : memref<2x1x32x128xf32, #tpu.memory_space<vmem>> -> memref<1x1x32x128xf32, #tpu.memory_space<vmem>>
          %parallel_loop3A_871 = tpu.memref_squeeze %parallel_loop3A_870 : memref<1x1x32x128xf32, #tpu.memory_space<vmem>> -> memref<1x32x128xf32, #tpu.memory_space<vmem>>
          %parallel_loop3A_872 = arith.constant 0 : i32
          %parallel_loop3A_873 = arith.constant 0 : i32
          %parallel_loop3A_874 = tpu.memref_slice %parallel_loop3A_871[%parallel_loop3A_705, %parallel_loop3A_872, %parallel_loop3A_873] : memref<1x32x128xf32, #tpu.memory_space<vmem>> -> memref<1x32x128xf32, #tpu.memory_space<vmem>>
          %parallel_loop3A_875 = tpu.memref_squeeze %parallel_loop3A_874 : memref<1x32x128xf32, #tpu.memory_space<vmem>> -> memref<32x128xf32, #tpu.memory_space<vmem>>
          tpu.vector_store_idx %parallel_loop3A_875[%parallel_loop3A_791, %parallel_loop3A_865], %parallel_loop3A_866 : memref<32x128xf32, #tpu.memory_space<vmem>>[vector<16xi32>, vector<16xi32>], vector<16xf32>,
          %parallel_loop3A_876 = vector.broadcast %parallel_loop3A_788 : i32 to vector<16xi32>
          %parallel_loop3A_877 = arith.addi %select_n3A_502, %parallel_loop3A_876 : vector<16xi32>
          %parallel_loop3A_878 = tpu.vector_load_idx %arg5[%parallel_loop3A_877, %parallel_loop3A_791] : memref<128x32xf32, #tpu.memory_space<vmem>>[vector<16xi32>, vector<16xi32>], vector<16xf32>,
          %parallel_loop3A_879 = arith.constant 0 : i32
          %parallel_loop3A_880 = arith.constant 0 : i32
          %parallel_loop3A_881 = arith.constant 0 : i32
          %parallel_loop3A_882 = tpu.memref_slice %run_scoped3A_8[%rem3A_303, %parallel_loop3A_879, %parallel_loop3A_880, %parallel_loop3A_881] : memref<2x1x32x128xf32, #tpu.memory_space<vmem>> -> memref<1x1x32x128xf32, #tpu.memory_space<vmem>>
          %parallel_loop3A_883 = tpu.memref_squeeze %parallel_loop3A_882 : memref<1x1x32x128xf32, #tpu.memory_space<vmem>> -> memref<1x32x128xf32, #tpu.memory_space<vmem>>
          %parallel_loop3A_884 = arith.constant 0 : i32
          %parallel_loop3A_885 = arith.constant 0 : i32
          %parallel_loop3A_886 = tpu.memref_slice %parallel_loop3A_883[%parallel_loop3A_705, %parallel_loop3A_884, %parallel_loop3A_885] : memref<1x32x128xf32, #tpu.memory_space<vmem>> -> memref<1x32x128xf32, #tpu.memory_space<vmem>>
          %parallel_loop3A_887 = tpu.memref_squeeze %parallel_loop3A_886 : memref<1x32x128xf32, #tpu.memory_space<vmem>> -> memref<32x128xf32, #tpu.memory_space<vmem>>
          tpu.vector_store_idx %parallel_loop3A_887[%parallel_loop3A_791, %parallel_loop3A_877], %parallel_loop3A_878 : memref<32x128xf32, #tpu.memory_space<vmem>>[vector<16xi32>, vector<16xi32>], vector<16xf32>,
          %parallel_loop3A_888 = vector.broadcast %parallel_loop3A_788 : i32 to vector<16xi32>
          %parallel_loop3A_889 = arith.addi %select_n3A_527, %parallel_loop3A_888 : vector<16xi32>
          %parallel_loop3A_890 = tpu.vector_load_idx %arg5[%parallel_loop3A_889, %parallel_loop3A_791] : memref<128x32xf32, #tpu.memory_space<vmem>>[vector<16xi32>, vector<16xi32>], vector<16xf32>,
          %parallel_loop3A_891 = arith.constant 0 : i32
          %parallel_loop3A_892 = arith.constant 0 : i32
          %parallel_loop3A_893 = arith.constant 0 : i32
          %parallel_loop3A_894 = tpu.memref_slice %run_scoped3A_8[%rem3A_303, %parallel_loop3A_891, %parallel_loop3A_892, %parallel_loop3A_893] : memref<2x1x32x128xf32, #tpu.memory_space<vmem>> -> memref<1x1x32x128xf32, #tpu.memory_space<vmem>>
          %parallel_loop3A_895 = tpu.memref_squeeze %parallel_loop3A_894 : memref<1x1x32x128xf32, #tpu.memory_space<vmem>> -> memref<1x32x128xf32, #tpu.memory_space<vmem>>
          %parallel_loop3A_896 = arith.constant 0 : i32
          %parallel_loop3A_897 = arith.constant 0 : i32
          %parallel_loop3A_898 = tpu.memref_slice %parallel_loop3A_895[%parallel_loop3A_705, %parallel_loop3A_896, %parallel_loop3A_897] : memref<1x32x128xf32, #tpu.memory_space<vmem>> -> memref<1x32x128xf32, #tpu.memory_space<vmem>>
          %parallel_loop3A_899 = tpu.memref_squeeze %parallel_loop3A_898 : memref<1x32x128xf32, #tpu.memory_space<vmem>> -> memref<32x128xf32, #tpu.memory_space<vmem>>
          tpu.vector_store_idx %parallel_loop3A_899[%parallel_loop3A_791, %parallel_loop3A_889], %parallel_loop3A_890 : memref<32x128xf32, #tpu.memory_space<vmem>>[vector<16xi32>, vector<16xi32>], vector<16xf32>,
          %parallel_loop3A_900 = vector.broadcast %parallel_loop3A_788 : i32 to vector<16xi32>
          %parallel_loop3A_901 = arith.addi %select_n3A_552, %parallel_loop3A_900 : vector<16xi32>
          %parallel_loop3A_902 = tpu.vector_load_idx %arg5[%parallel_loop3A_901, %parallel_loop3A_791] : memref<128x32xf32, #tpu.memory_space<vmem>>[vector<16xi32>, vector<16xi32>], vector<16xf32>,
          %parallel_loop3A_903 = arith.constant 0 : i32
          %parallel_loop3A_904 = arith.constant 0 : i32
          %parallel_loop3A_905 = arith.constant 0 : i32
          %parallel_loop3A_906 = tpu.memref_slice %run_scoped3A_8[%rem3A_303, %parallel_loop3A_903, %parallel_loop3A_904, %parallel_loop3A_905] : memref<2x1x32x128xf32, #tpu.memory_space<vmem>> -> memref<1x1x32x128xf32, #tpu.memory_space<vmem>>
          %parallel_loop3A_907 = tpu.memref_squeeze %parallel_loop3A_906 : memref<1x1x32x128xf32, #tpu.memory_space<vmem>> -> memref<1x32x128xf32, #tpu.memory_space<vmem>>
          %parallel_loop3A_908 = arith.constant 0 : i32
          %parallel_loop3A_909 = arith.constant 0 : i32
          %parallel_loop3A_910 = tpu.memref_slice %parallel_loop3A_907[%parallel_loop3A_705, %parallel_loop3A_908, %parallel_loop3A_909] : memref<1x32x128xf32, #tpu.memory_space<vmem>> -> memref<1x32x128xf32, #tpu.memory_space<vmem>>
          %parallel_loop3A_911 = tpu.memref_squeeze %parallel_loop3A_910 : memref<1x32x128xf32, #tpu.memory_space<vmem>> -> memref<32x128xf32, #tpu.memory_space<vmem>>
          tpu.vector_store_idx %parallel_loop3A_911[%parallel_loop3A_791, %parallel_loop3A_901], %parallel_loop3A_902 : memref<32x128xf32, #tpu.memory_space<vmem>>[vector<16xi32>, vector<16xi32>], vector<16xf32>,
          %parallel_loop3A_912 = vector.broadcast %parallel_loop3A_788 : i32 to vector<16xi32>
          %parallel_loop3A_913 = arith.addi %select_n3A_577, %parallel_loop3A_912 : vector<16xi32>
          %parallel_loop3A_914 = tpu.vector_load_idx %arg5[%parallel_loop3A_913, %parallel_loop3A_791] : memref<128x32xf32, #tpu.memory_space<vmem>>[vector<16xi32>, vector<16xi32>], vector<16xf32>,
          %parallel_loop3A_915 = arith.constant 0 : i32
          %parallel_loop3A_916 = arith.constant 0 : i32
          %parallel_loop3A_917 = arith.constant 0 : i32
          %parallel_loop3A_918 = tpu.memref_slice %run_scoped3A_8[%rem3A_303, %parallel_loop3A_915, %parallel_loop3A_916, %parallel_loop3A_917] : memref<2x1x32x128xf32, #tpu.memory_space<vmem>> -> memref<1x1x32x128xf32, #tpu.memory_space<vmem>>
          %parallel_loop3A_919 = tpu.memref_squeeze %parallel_loop3A_918 : memref<1x1x32x128xf32, #tpu.memory_space<vmem>> -> memref<1x32x128xf32, #tpu.memory_space<vmem>>
          %parallel_loop3A_920 = arith.constant 0 : i32
          %parallel_loop3A_921 = arith.constant 0 : i32
          %parallel_loop3A_922 = tpu.memref_slice %parallel_loop3A_919[%parallel_loop3A_705, %parallel_loop3A_920, %parallel_loop3A_921] : memref<1x32x128xf32, #tpu.memory_space<vmem>> -> memref<1x32x128xf32, #tpu.memory_space<vmem>>
          %parallel_loop3A_923 = tpu.memref_squeeze %parallel_loop3A_922 : memref<1x32x128xf32, #tpu.memory_space<vmem>> -> memref<32x128xf32, #tpu.memory_space<vmem>>
          tpu.vector_store_idx %parallel_loop3A_923[%parallel_loop3A_791, %parallel_loop3A_913], %parallel_loop3A_914 : memref<32x128xf32, #tpu.memory_space<vmem>>[vector<16xi32>, vector<16xi32>], vector<16xf32>,
          %parallel_loop3A_924 = vector.broadcast %parallel_loop3A_788 : i32 to vector<16xi32>
          %parallel_loop3A_925 = arith.addi %select_n3A_602, %parallel_loop3A_924 : vector<16xi32>
          %parallel_loop3A_926 = tpu.vector_load_idx %arg5[%parallel_loop3A_925, %parallel_loop3A_791] : memref<128x32xf32, #tpu.memory_space<vmem>>[vector<16xi32>, vector<16xi32>], vector<16xf32>,
          %parallel_loop3A_927 = arith.constant 0 : i32
          %parallel_loop3A_928 = arith.constant 0 : i32
          %parallel_loop3A_929 = arith.constant 0 : i32
          %parallel_loop3A_930 = tpu.memref_slice %run_scoped3A_8[%rem3A_303, %parallel_loop3A_927, %parallel_loop3A_928, %parallel_loop3A_929] : memref<2x1x32x128xf32, #tpu.memory_space<vmem>> -> memref<1x1x32x128xf32, #tpu.memory_space<vmem>>
          %parallel_loop3A_931 = tpu.memref_squeeze %parallel_loop3A_930 : memref<1x1x32x128xf32, #tpu.memory_space<vmem>> -> memref<1x32x128xf32, #tpu.memory_space<vmem>>
          %parallel_loop3A_932 = arith.constant 0 : i32
          %parallel_loop3A_933 = arith.constant 0 : i32
          %parallel_loop3A_934 = tpu.memref_slice %parallel_loop3A_931[%parallel_loop3A_705, %parallel_loop3A_932, %parallel_loop3A_933] : memref<1x32x128xf32, #tpu.memory_space<vmem>> -> memref<1x32x128xf32, #tpu.memory_space<vmem>>
          %parallel_loop3A_935 = tpu.memref_squeeze %parallel_loop3A_934 : memref<1x32x128xf32, #tpu.memory_space<vmem>> -> memref<32x128xf32, #tpu.memory_space<vmem>>
          tpu.vector_store_idx %parallel_loop3A_935[%parallel_loop3A_791, %parallel_loop3A_925], %parallel_loop3A_926 : memref<32x128xf32, #tpu.memory_space<vmem>>[vector<16xi32>, vector<16xi32>], vector<16xf32>,
          %parallel_loop3A_936 = vector.broadcast %parallel_loop3A_788 : i32 to vector<16xi32>
          %parallel_loop3A_937 = arith.addi %select_n3A_627, %parallel_loop3A_936 : vector<16xi32>
          %parallel_loop3A_938 = tpu.vector_load_idx %arg5[%parallel_loop3A_937, %parallel_loop3A_791] : memref<128x32xf32, #tpu.memory_space<vmem>>[vector<16xi32>, vector<16xi32>], vector<16xf32>,
          %parallel_loop3A_939 = arith.constant 0 : i32
          %parallel_loop3A_940 = arith.constant 0 : i32
          %parallel_loop3A_941 = arith.constant 0 : i32
          %parallel_loop3A_942 = tpu.memref_slice %run_scoped3A_8[%rem3A_303, %parallel_loop3A_939, %parallel_loop3A_940, %parallel_loop3A_941] : memref<2x1x32x128xf32, #tpu.memory_space<vmem>> -> memref<1x1x32x128xf32, #tpu.memory_space<vmem>>
          %parallel_loop3A_943 = tpu.memref_squeeze %parallel_loop3A_942 : memref<1x1x32x128xf32, #tpu.memory_space<vmem>> -> memref<1x32x128xf32, #tpu.memory_space<vmem>>
          %parallel_loop3A_944 = arith.constant 0 : i32
          %parallel_loop3A_945 = arith.constant 0 : i32
          %parallel_loop3A_946 = tpu.memref_slice %parallel_loop3A_943[%parallel_loop3A_705, %parallel_loop3A_944, %parallel_loop3A_945] : memref<1x32x128xf32, #tpu.memory_space<vmem>> -> memref<1x32x128xf32, #tpu.memory_space<vmem>>
          %parallel_loop3A_947 = tpu.memref_squeeze %parallel_loop3A_946 : memref<1x32x128xf32, #tpu.memory_space<vmem>> -> memref<32x128xf32, #tpu.memory_space<vmem>>
          tpu.vector_store_idx %parallel_loop3A_947[%parallel_loop3A_791, %parallel_loop3A_937], %parallel_loop3A_938 : memref<32x128xf32, #tpu.memory_space<vmem>>[vector<16xi32>, vector<16xi32>], vector<16xf32>,
          %parallel_loop3A_948 = vector.broadcast %parallel_loop3A_788 : i32 to vector<16xi32>
          %parallel_loop3A_949 = arith.addi %select_n3A_652, %parallel_loop3A_948 : vector<16xi32>
          %parallel_loop3A_950 = tpu.vector_load_idx %arg5[%parallel_loop3A_949, %parallel_loop3A_791] : memref<128x32xf32, #tpu.memory_space<vmem>>[vector<16xi32>, vector<16xi32>], vector<16xf32>,
          %parallel_loop3A_951 = arith.constant 0 : i32
          %parallel_loop3A_952 = arith.constant 0 : i32
          %parallel_loop3A_953 = arith.constant 0 : i32
          %parallel_loop3A_954 = tpu.memref_slice %run_scoped3A_8[%rem3A_303, %parallel_loop3A_951, %parallel_loop3A_952, %parallel_loop3A_953] : memref<2x1x32x128xf32, #tpu.memory_space<vmem>> -> memref<1x1x32x128xf32, #tpu.memory_space<vmem>>
          %parallel_loop3A_955 = tpu.memref_squeeze %parallel_loop3A_954 : memref<1x1x32x128xf32, #tpu.memory_space<vmem>> -> memref<1x32x128xf32, #tpu.memory_space<vmem>>
          %parallel_loop3A_956 = arith.constant 0 : i32
          %parallel_loop3A_957 = arith.constant 0 : i32
          %parallel_loop3A_958 = tpu.memref_slice %parallel_loop3A_955[%parallel_loop3A_705, %parallel_loop3A_956, %parallel_loop3A_957] : memref<1x32x128xf32, #tpu.memory_space<vmem>> -> memref<1x32x128xf32, #tpu.memory_space<vmem>>
          %parallel_loop3A_959 = tpu.memref_squeeze %parallel_loop3A_958 : memref<1x32x128xf32, #tpu.memory_space<vmem>> -> memref<32x128xf32, #tpu.memory_space<vmem>>
          tpu.vector_store_idx %parallel_loop3A_959[%parallel_loop3A_791, %parallel_loop3A_949], %parallel_loop3A_950 : memref<32x128xf32, #tpu.memory_space<vmem>>[vector<16xi32>, vector<16xi32>], vector<16xf32>,
          %parallel_loop3A_960 = vector.broadcast %parallel_loop3A_788 : i32 to vector<16xi32>
          %parallel_loop3A_961 = arith.addi %select_n3A_677, %parallel_loop3A_960 : vector<16xi32>
          %parallel_loop3A_962 = tpu.vector_load_idx %arg5[%parallel_loop3A_961, %parallel_loop3A_791] : memref<128x32xf32, #tpu.memory_space<vmem>>[vector<16xi32>, vector<16xi32>], vector<16xf32>,
          %parallel_loop3A_963 = arith.constant 0 : i32
          %parallel_loop3A_964 = arith.constant 0 : i32
          %parallel_loop3A_965 = arith.constant 0 : i32
          %parallel_loop3A_966 = tpu.memref_slice %run_scoped3A_8[%rem3A_303, %parallel_loop3A_963, %parallel_loop3A_964, %parallel_loop3A_965] : memref<2x1x32x128xf32, #tpu.memory_space<vmem>> -> memref<1x1x32x128xf32, #tpu.memory_space<vmem>>
          %parallel_loop3A_967 = tpu.memref_squeeze %parallel_loop3A_966 : memref<1x1x32x128xf32, #tpu.memory_space<vmem>> -> memref<1x32x128xf32, #tpu.memory_space<vmem>>
          %parallel_loop3A_968 = arith.constant 0 : i32
          %parallel_loop3A_969 = arith.constant 0 : i32
          %parallel_loop3A_970 = tpu.memref_slice %parallel_loop3A_967[%parallel_loop3A_705, %parallel_loop3A_968, %parallel_loop3A_969] : memref<1x32x128xf32, #tpu.memory_space<vmem>> -> memref<1x32x128xf32, #tpu.memory_space<vmem>>
          %parallel_loop3A_971 = tpu.memref_squeeze %parallel_loop3A_970 : memref<1x32x128xf32, #tpu.memory_space<vmem>> -> memref<32x128xf32, #tpu.memory_space<vmem>>
          tpu.vector_store_idx %parallel_loop3A_971[%parallel_loop3A_791, %parallel_loop3A_961], %parallel_loop3A_962 : memref<32x128xf32, #tpu.memory_space<vmem>>[vector<16xi32>, vector<16xi32>], vector<16xf32>,
          %parallel_loop3A_972 = vector.broadcast %parallel_loop3A_788 : i32 to vector<16xi32>
          %parallel_loop3A_973 = arith.addi %select_n3A_702, %parallel_loop3A_972 : vector<16xi32>
          %parallel_loop3A_974 = tpu.vector_load_idx %arg5[%parallel_loop3A_973, %parallel_loop3A_791] : memref<128x32xf32, #tpu.memory_space<vmem>>[vector<16xi32>, vector<16xi32>], vector<16xf32>,
          %parallel_loop3A_975 = arith.constant 0 : i32
          %parallel_loop3A_976 = arith.constant 0 : i32
          %parallel_loop3A_977 = arith.constant 0 : i32
          %parallel_loop3A_978 = tpu.memref_slice %run_scoped3A_8[%rem3A_303, %parallel_loop3A_975, %parallel_loop3A_976, %parallel_loop3A_977] : memref<2x1x32x128xf32, #tpu.memory_space<vmem>> -> memref<1x1x32x128xf32, #tpu.memory_space<vmem>>
          %parallel_loop3A_979 = tpu.memref_squeeze %parallel_loop3A_978 : memref<1x1x32x128xf32, #tpu.memory_space<vmem>> -> memref<1x32x128xf32, #tpu.memory_space<vmem>>
          %parallel_loop3A_980 = arith.constant 0 : i32
          %parallel_loop3A_981 = arith.constant 0 : i32
          %parallel_loop3A_982 = tpu.memref_slice %parallel_loop3A_979[%parallel_loop3A_705, %parallel_loop3A_980, %parallel_loop3A_981] : memref<1x32x128xf32, #tpu.memory_space<vmem>> -> memref<1x32x128xf32, #tpu.memory_space<vmem>>
          %parallel_loop3A_983 = tpu.memref_squeeze %parallel_loop3A_982 : memref<1x32x128xf32, #tpu.memory_space<vmem>> -> memref<32x128xf32, #tpu.memory_space<vmem>>
          tpu.vector_store_idx %parallel_loop3A_983[%parallel_loop3A_791, %parallel_loop3A_973], %parallel_loop3A_974 : memref<32x128xf32, #tpu.memory_space<vmem>>[vector<16xi32>, vector<16xi32>], vector<16xf32>,
          %parallel_loop3A_984 = arith.constant 16 : i32
          %parallel_loop3A_985 = vector.broadcast %parallel_loop3A_984 : i32 to vector<16xi32>
          %parallel_loop3A_986 = arith.addi %iota3A, %parallel_loop3A_985 : vector<16xi32>
          %parallel_loop3A_987 = vector.broadcast %parallel_loop3A_788 : i32 to vector<16xi32>
          %parallel_loop3A_988 = arith.addi %select_n3A_327, %parallel_loop3A_987 : vector<16xi32>
          %parallel_loop3A_989 = tpu.vector_load_idx %arg5[%parallel_loop3A_988, %parallel_loop3A_986] : memref<128x32xf32, #tpu.memory_space<vmem>>[vector<16xi32>, vector<16xi32>], vector<16xf32>,
          %parallel_loop3A_990 = arith.constant 0 : i32
          %parallel_loop3A_991 = arith.constant 0 : i32
          %parallel_loop3A_992 = arith.constant 0 : i32
          %parallel_loop3A_993 = tpu.memref_slice %run_scoped3A_8[%rem3A_303, %parallel_loop3A_990, %parallel_loop3A_991, %parallel_loop3A_992] : memref<2x1x32x128xf32, #tpu.memory_space<vmem>> -> memref<1x1x32x128xf32, #tpu.memory_space<vmem>>
          %parallel_loop3A_994 = tpu.memref_squeeze %parallel_loop3A_993 : memref<1x1x32x128xf32, #tpu.memory_space<vmem>> -> memref<1x32x128xf32, #tpu.memory_space<vmem>>
          %parallel_loop3A_995 = arith.constant 0 : i32
          %parallel_loop3A_996 = arith.constant 0 : i32
          %parallel_loop3A_997 = tpu.memref_slice %parallel_loop3A_994[%parallel_loop3A_705, %parallel_loop3A_995, %parallel_loop3A_996] : memref<1x32x128xf32, #tpu.memory_space<vmem>> -> memref<1x32x128xf32, #tpu.memory_space<vmem>>
          %parallel_loop3A_998 = tpu.memref_squeeze %parallel_loop3A_997 : memref<1x32x128xf32, #tpu.memory_space<vmem>> -> memref<32x128xf32, #tpu.memory_space<vmem>>
          tpu.vector_store_idx %parallel_loop3A_998[%parallel_loop3A_986, %parallel_loop3A_988], %parallel_loop3A_989 : memref<32x128xf32, #tpu.memory_space<vmem>>[vector<16xi32>, vector<16xi32>], vector<16xf32>,
          %parallel_loop3A_999 = vector.broadcast %parallel_loop3A_788 : i32 to vector<16xi32>
          %parallel_loop3A_1000 = arith.addi %select_n3A_352, %parallel_loop3A_999 : vector<16xi32>
          %parallel_loop3A_1001 = tpu.vector_load_idx %arg5[%parallel_loop3A_1000, %parallel_loop3A_986] : memref<128x32xf32, #tpu.memory_space<vmem>>[vector<16xi32>, vector<16xi32>], vector<16xf32>,
          %parallel_loop3A_1002 = arith.constant 0 : i32
          %parallel_loop3A_1003 = arith.constant 0 : i32
          %parallel_loop3A_1004 = arith.constant 0 : i32
          %parallel_loop3A_1005 = tpu.memref_slice %run_scoped3A_8[%rem3A_303, %parallel_loop3A_1002, %parallel_loop3A_1003, %parallel_loop3A_1004] : memref<2x1x32x128xf32, #tpu.memory_space<vmem>> -> memref<1x1x32x128xf32, #tpu.memory_space<vmem>>
          %parallel_loop3A_1006 = tpu.memref_squeeze %parallel_loop3A_1005 : memref<1x1x32x128xf32, #tpu.memory_space<vmem>> -> memref<1x32x128xf32, #tpu.memory_space<vmem>>
          %parallel_loop3A_1007 = arith.constant 0 : i32
          %parallel_loop3A_1008 = arith.constant 0 : i32
          %parallel_loop3A_1009 = tpu.memref_slice %parallel_loop3A_1006[%parallel_loop3A_705, %parallel_loop3A_1007, %parallel_loop3A_1008] : memref<1x32x128xf32, #tpu.memory_space<vmem>> -> memref<1x32x128xf32, #tpu.memory_space<vmem>>
          %parallel_loop3A_1010 = tpu.memref_squeeze %parallel_loop3A_1009 : memref<1x32x128xf32, #tpu.memory_space<vmem>> -> memref<32x128xf32, #tpu.memory_space<vmem>>
          tpu.vector_store_idx %parallel_loop3A_1010[%parallel_loop3A_986, %parallel_loop3A_1000], %parallel_loop3A_1001 : memref<32x128xf32, #tpu.memory_space<vmem>>[vector<16xi32>, vector<16xi32>], vector<16xf32>,
          %parallel_loop3A_1011 = vector.broadcast %parallel_loop3A_788 : i32 to vector<16xi32>
          %parallel_loop3A_1012 = arith.addi %select_n3A_377, %parallel_loop3A_1011 : vector<16xi32>
          %parallel_loop3A_1013 = tpu.vector_load_idx %arg5[%parallel_loop3A_1012, %parallel_loop3A_986] : memref<128x32xf32, #tpu.memory_space<vmem>>[vector<16xi32>, vector<16xi32>], vector<16xf32>,
          %parallel_loop3A_1014 = arith.constant 0 : i32
          %parallel_loop3A_1015 = arith.constant 0 : i32
          %parallel_loop3A_1016 = arith.constant 0 : i32
          %parallel_loop3A_1017 = tpu.memref_slice %run_scoped3A_8[%rem3A_303, %parallel_loop3A_1014, %parallel_loop3A_1015, %parallel_loop3A_1016] : memref<2x1x32x128xf32, #tpu.memory_space<vmem>> -> memref<1x1x32x128xf32, #tpu.memory_space<vmem>>
          %parallel_loop3A_1018 = tpu.memref_squeeze %parallel_loop3A_1017 : memref<1x1x32x128xf32, #tpu.memory_space<vmem>> -> memref<1x32x128xf32, #tpu.memory_space<vmem>>
          %parallel_loop3A_1019 = arith.constant 0 : i32
          %parallel_loop3A_1020 = arith.constant 0 : i32
          %parallel_loop3A_1021 = tpu.memref_slice %parallel_loop3A_1018[%parallel_loop3A_705, %parallel_loop3A_1019, %parallel_loop3A_1020] : memref<1x32x128xf32, #tpu.memory_space<vmem>> -> memref<1x32x128xf32, #tpu.memory_space<vmem>>
          %parallel_loop3A_1022 = tpu.memref_squeeze %parallel_loop3A_1021 : memref<1x32x128xf32, #tpu.memory_space<vmem>> -> memref<32x128xf32, #tpu.memory_space<vmem>>
          tpu.vector_store_idx %parallel_loop3A_1022[%parallel_loop3A_986, %parallel_loop3A_1012], %parallel_loop3A_1013 : memref<32x128xf32, #tpu.memory_space<vmem>>[vector<16xi32>, vector<16xi32>], vector<16xf32>,
          %parallel_loop3A_1023 = vector.broadcast %parallel_loop3A_788 : i32 to vector<16xi32>
          %parallel_loop3A_1024 = arith.addi %select_n3A_402, %parallel_loop3A_1023 : vector<16xi32>
          %parallel_loop3A_1025 = tpu.vector_load_idx %arg5[%parallel_loop3A_1024, %parallel_loop3A_986] : memref<128x32xf32, #tpu.memory_space<vmem>>[vector<16xi32>, vector<16xi32>], vector<16xf32>,
          %parallel_loop3A_1026 = arith.constant 0 : i32
          %parallel_loop3A_1027 = arith.constant 0 : i32
          %parallel_loop3A_1028 = arith.constant 0 : i32
          %parallel_loop3A_1029 = tpu.memref_slice %run_scoped3A_8[%rem3A_303, %parallel_loop3A_1026, %parallel_loop3A_1027, %parallel_loop3A_1028] : memref<2x1x32x128xf32, #tpu.memory_space<vmem>> -> memref<1x1x32x128xf32, #tpu.memory_space<vmem>>
          %parallel_loop3A_1030 = tpu.memref_squeeze %parallel_loop3A_1029 : memref<1x1x32x128xf32, #tpu.memory_space<vmem>> -> memref<1x32x128xf32, #tpu.memory_space<vmem>>
          %parallel_loop3A_1031 = arith.constant 0 : i32
          %parallel_loop3A_1032 = arith.constant 0 : i32
          %parallel_loop3A_1033 = tpu.memref_slice %parallel_loop3A_1030[%parallel_loop3A_705, %parallel_loop3A_1031, %parallel_loop3A_1032] : memref<1x32x128xf32, #tpu.memory_space<vmem>> -> memref<1x32x128xf32, #tpu.memory_space<vmem>>
          %parallel_loop3A_1034 = tpu.memref_squeeze %parallel_loop3A_1033 : memref<1x32x128xf32, #tpu.memory_space<vmem>> -> memref<32x128xf32, #tpu.memory_space<vmem>>
          tpu.vector_store_idx %parallel_loop3A_1034[%parallel_loop3A_986, %parallel_loop3A_1024], %parallel_loop3A_1025 : memref<32x128xf32, #tpu.memory_space<vmem>>[vector<16xi32>, vector<16xi32>], vector<16xf32>,
          %parallel_loop3A_1035 = vector.broadcast %parallel_loop3A_788 : i32 to vector<16xi32>
          %parallel_loop3A_1036 = arith.addi %select_n3A_427, %parallel_loop3A_1035 : vector<16xi32>
          %parallel_loop3A_1037 = tpu.vector_load_idx %arg5[%parallel_loop3A_1036, %parallel_loop3A_986] : memref<128x32xf32, #tpu.memory_space<vmem>>[vector<16xi32>, vector<16xi32>], vector<16xf32>,
          %parallel_loop3A_1038 = arith.constant 0 : i32
          %parallel_loop3A_1039 = arith.constant 0 : i32
          %parallel_loop3A_1040 = arith.constant 0 : i32
          %parallel_loop3A_1041 = tpu.memref_slice %run_scoped3A_8[%rem3A_303, %parallel_loop3A_1038, %parallel_loop3A_1039, %parallel_loop3A_1040] : memref<2x1x32x128xf32, #tpu.memory_space<vmem>> -> memref<1x1x32x128xf32, #tpu.memory_space<vmem>>
          %parallel_loop3A_1042 = tpu.memref_squeeze %parallel_loop3A_1041 : memref<1x1x32x128xf32, #tpu.memory_space<vmem>> -> memref<1x32x128xf32, #tpu.memory_space<vmem>>
          %parallel_loop3A_1043 = arith.constant 0 : i32
          %parallel_loop3A_1044 = arith.constant 0 : i32
          %parallel_loop3A_1045 = tpu.memref_slice %parallel_loop3A_1042[%parallel_loop3A_705, %parallel_loop3A_1043, %parallel_loop3A_1044] : memref<1x32x128xf32, #tpu.memory_space<vmem>> -> memref<1x32x128xf32, #tpu.memory_space<vmem>>
          %parallel_loop3A_1046 = tpu.memref_squeeze %parallel_loop3A_1045 : memref<1x32x128xf32, #tpu.memory_space<vmem>> -> memref<32x128xf32, #tpu.memory_space<vmem>>
          tpu.vector_store_idx %parallel_loop3A_1046[%parallel_loop3A_986, %parallel_loop3A_1036], %parallel_loop3A_1037 : memref<32x128xf32, #tpu.memory_space<vmem>>[vector<16xi32>, vector<16xi32>], vector<16xf32>,
          %parallel_loop3A_1047 = vector.broadcast %parallel_loop3A_788 : i32 to vector<16xi32>
          %parallel_loop3A_1048 = arith.addi %select_n3A_452, %parallel_loop3A_1047 : vector<16xi32>
          %parallel_loop3A_1049 = tpu.vector_load_idx %arg5[%parallel_loop3A_1048, %parallel_loop3A_986] : memref<128x32xf32, #tpu.memory_space<vmem>>[vector<16xi32>, vector<16xi32>], vector<16xf32>,
          %parallel_loop3A_1050 = arith.constant 0 : i32
          %parallel_loop3A_1051 = arith.constant 0 : i32
          %parallel_loop3A_1052 = arith.constant 0 : i32
          %parallel_loop3A_1053 = tpu.memref_slice %run_scoped3A_8[%rem3A_303, %parallel_loop3A_1050, %parallel_loop3A_1051, %parallel_loop3A_1052] : memref<2x1x32x128xf32, #tpu.memory_space<vmem>> -> memref<1x1x32x128xf32, #tpu.memory_space<vmem>>
          %parallel_loop3A_1054 = tpu.memref_squeeze %parallel_loop3A_1053 : memref<1x1x32x128xf32, #tpu.memory_space<vmem>> -> memref<1x32x128xf32, #tpu.memory_space<vmem>>
          %parallel_loop3A_1055 = arith.constant 0 : i32
          %parallel_loop3A_1056 = arith.constant 0 : i32
          %parallel_loop3A_1057 = tpu.memref_slice %parallel_loop3A_1054[%parallel_loop3A_705, %parallel_loop3A_1055, %parallel_loop3A_1056] : memref<1x32x128xf32, #tpu.memory_space<vmem>> -> memref<1x32x128xf32, #tpu.memory_space<vmem>>
          %parallel_loop3A_1058 = tpu.memref_squeeze %parallel_loop3A_1057 : memref<1x32x128xf32, #tpu.memory_space<vmem>> -> memref<32x128xf32, #tpu.memory_space<vmem>>
          tpu.vector_store_idx %parallel_loop3A_1058[%parallel_loop3A_986, %parallel_loop3A_1048], %parallel_loop3A_1049 : memref<32x128xf32, #tpu.memory_space<vmem>>[vector<16xi32>, vector<16xi32>], vector<16xf32>,
          %parallel_loop3A_1059 = vector.broadcast %parallel_loop3A_788 : i32 to vector<16xi32>
          %parallel_loop3A_1060 = arith.addi %select_n3A_477, %parallel_loop3A_1059 : vector<16xi32>
          %parallel_loop3A_1061 = tpu.vector_load_idx %arg5[%parallel_loop3A_1060, %parallel_loop3A_986] : memref<128x32xf32, #tpu.memory_space<vmem>>[vector<16xi32>, vector<16xi32>], vector<16xf32>,
          %parallel_loop3A_1062 = arith.constant 0 : i32
          %parallel_loop3A_1063 = arith.constant 0 : i32
          %parallel_loop3A_1064 = arith.constant 0 : i32
          %parallel_loop3A_1065 = tpu.memref_slice %run_scoped3A_8[%rem3A_303, %parallel_loop3A_1062, %parallel_loop3A_1063, %parallel_loop3A_1064] : memref<2x1x32x128xf32, #tpu.memory_space<vmem>> -> memref<1x1x32x128xf32, #tpu.memory_space<vmem>>
          %parallel_loop3A_1066 = tpu.memref_squeeze %parallel_loop3A_1065 : memref<1x1x32x128xf32, #tpu.memory_space<vmem>> -> memref<1x32x128xf32, #tpu.memory_space<vmem>>
          %parallel_loop3A_1067 = arith.constant 0 : i32
          %parallel_loop3A_1068 = arith.constant 0 : i32
          %parallel_loop3A_1069 = tpu.memref_slice %parallel_loop3A_1066[%parallel_loop3A_705, %parallel_loop3A_1067, %parallel_loop3A_1068] : memref<1x32x128xf32, #tpu.memory_space<vmem>> -> memref<1x32x128xf32, #tpu.memory_space<vmem>>
          %parallel_loop3A_1070 = tpu.memref_squeeze %parallel_loop3A_1069 : memref<1x32x128xf32, #tpu.memory_space<vmem>> -> memref<32x128xf32, #tpu.memory_space<vmem>>
          tpu.vector_store_idx %parallel_loop3A_1070[%parallel_loop3A_986, %parallel_loop3A_1060], %parallel_loop3A_1061 : memref<32x128xf32, #tpu.memory_space<vmem>>[vector<16xi32>, vector<16xi32>], vector<16xf32>,
          %parallel_loop3A_1071 = vector.broadcast %parallel_loop3A_788 : i32 to vector<16xi32>
          %parallel_loop3A_1072 = arith.addi %select_n3A_502, %parallel_loop3A_1071 : vector<16xi32>
          %parallel_loop3A_1073 = tpu.vector_load_idx %arg5[%parallel_loop3A_1072, %parallel_loop3A_986] : memref<128x32xf32, #tpu.memory_space<vmem>>[vector<16xi32>, vector<16xi32>], vector<16xf32>,
          %parallel_loop3A_1074 = arith.constant 0 : i32
          %parallel_loop3A_1075 = arith.constant 0 : i32
          %parallel_loop3A_1076 = arith.constant 0 : i32
          %parallel_loop3A_1077 = tpu.memref_slice %run_scoped3A_8[%rem3A_303, %parallel_loop3A_1074, %parallel_loop3A_1075, %parallel_loop3A_1076] : memref<2x1x32x128xf32, #tpu.memory_space<vmem>> -> memref<1x1x32x128xf32, #tpu.memory_space<vmem>>
          %parallel_loop3A_1078 = tpu.memref_squeeze %parallel_loop3A_1077 : memref<1x1x32x128xf32, #tpu.memory_space<vmem>> -> memref<1x32x128xf32, #tpu.memory_space<vmem>>
          %parallel_loop3A_1079 = arith.constant 0 : i32
          %parallel_loop3A_1080 = arith.constant 0 : i32
          %parallel_loop3A_1081 = tpu.memref_slice %parallel_loop3A_1078[%parallel_loop3A_705, %parallel_loop3A_1079, %parallel_loop3A_1080] : memref<1x32x128xf32, #tpu.memory_space<vmem>> -> memref<1x32x128xf32, #tpu.memory_space<vmem>>
          %parallel_loop3A_1082 = tpu.memref_squeeze %parallel_loop3A_1081 : memref<1x32x128xf32, #tpu.memory_space<vmem>> -> memref<32x128xf32, #tpu.memory_space<vmem>>
          tpu.vector_store_idx %parallel_loop3A_1082[%parallel_loop3A_986, %parallel_loop3A_1072], %parallel_loop3A_1073 : memref<32x128xf32, #tpu.memory_space<vmem>>[vector<16xi32>, vector<16xi32>], vector<16xf32>,
          %parallel_loop3A_1083 = vector.broadcast %parallel_loop3A_788 : i32 to vector<16xi32>
          %parallel_loop3A_1084 = arith.addi %select_n3A_527, %parallel_loop3A_1083 : vector<16xi32>
          %parallel_loop3A_1085 = tpu.vector_load_idx %arg5[%parallel_loop3A_1084, %parallel_loop3A_986] : memref<128x32xf32, #tpu.memory_space<vmem>>[vector<16xi32>, vector<16xi32>], vector<16xf32>,
          %parallel_loop3A_1086 = arith.constant 0 : i32
          %parallel_loop3A_1087 = arith.constant 0 : i32
          %parallel_loop3A_1088 = arith.constant 0 : i32
          %parallel_loop3A_1089 = tpu.memref_slice %run_scoped3A_8[%rem3A_303, %parallel_loop3A_1086, %parallel_loop3A_1087, %parallel_loop3A_1088] : memref<2x1x32x128xf32, #tpu.memory_space<vmem>> -> memref<1x1x32x128xf32, #tpu.memory_space<vmem>>
          %parallel_loop3A_1090 = tpu.memref_squeeze %parallel_loop3A_1089 : memref<1x1x32x128xf32, #tpu.memory_space<vmem>> -> memref<1x32x128xf32, #tpu.memory_space<vmem>>
          %parallel_loop3A_1091 = arith.constant 0 : i32
          %parallel_loop3A_1092 = arith.constant 0 : i32
          %parallel_loop3A_1093 = tpu.memref_slice %parallel_loop3A_1090[%parallel_loop3A_705, %parallel_loop3A_1091, %parallel_loop3A_1092] : memref<1x32x128xf32, #tpu.memory_space<vmem>> -> memref<1x32x128xf32, #tpu.memory_space<vmem>>
          %parallel_loop3A_1094 = tpu.memref_squeeze %parallel_loop3A_1093 : memref<1x32x128xf32, #tpu.memory_space<vmem>> -> memref<32x128xf32, #tpu.memory_space<vmem>>
          tpu.vector_store_idx %parallel_loop3A_1094[%parallel_loop3A_986, %parallel_loop3A_1084], %parallel_loop3A_1085 : memref<32x128xf32, #tpu.memory_space<vmem>>[vector<16xi32>, vector<16xi32>], vector<16xf32>,
          %parallel_loop3A_1095 = vector.broadcast %parallel_loop3A_788 : i32 to vector<16xi32>
          %parallel_loop3A_1096 = arith.addi %select_n3A_552, %parallel_loop3A_1095 : vector<16xi32>
          %parallel_loop3A_1097 = tpu.vector_load_idx %arg5[%parallel_loop3A_1096, %parallel_loop3A_986] : memref<128x32xf32, #tpu.memory_space<vmem>>[vector<16xi32>, vector<16xi32>], vector<16xf32>,
          %parallel_loop3A_1098 = arith.constant 0 : i32
          %parallel_loop3A_1099 = arith.constant 0 : i32
          %parallel_loop3A_1100 = arith.constant 0 : i32
          %parallel_loop3A_1101 = tpu.memref_slice %run_scoped3A_8[%rem3A_303, %parallel_loop3A_1098, %parallel_loop3A_1099, %parallel_loop3A_1100] : memref<2x1x32x128xf32, #tpu.memory_space<vmem>> -> memref<1x1x32x128xf32, #tpu.memory_space<vmem>>
          %parallel_loop3A_1102 = tpu.memref_squeeze %parallel_loop3A_1101 : memref<1x1x32x128xf32, #tpu.memory_space<vmem>> -> memref<1x32x128xf32, #tpu.memory_space<vmem>>
          %parallel_loop3A_1103 = arith.constant 0 : i32
          %parallel_loop3A_1104 = arith.constant 0 : i32
          %parallel_loop3A_1105 = tpu.memref_slice %parallel_loop3A_1102[%parallel_loop3A_705, %parallel_loop3A_1103, %parallel_loop3A_1104] : memref<1x32x128xf32, #tpu.memory_space<vmem>> -> memref<1x32x128xf32, #tpu.memory_space<vmem>>
          %parallel_loop3A_1106 = tpu.memref_squeeze %parallel_loop3A_1105 : memref<1x32x128xf32, #tpu.memory_space<vmem>> -> memref<32x128xf32, #tpu.memory_space<vmem>>
          tpu.vector_store_idx %parallel_loop3A_1106[%parallel_loop3A_986, %parallel_loop3A_1096], %parallel_loop3A_1097 : memref<32x128xf32, #tpu.memory_space<vmem>>[vector<16xi32>, vector<16xi32>], vector<16xf32>,
          %parallel_loop3A_1107 = vector.broadcast %parallel_loop3A_788 : i32 to vector<16xi32>
          %parallel_loop3A_1108 = arith.addi %select_n3A_577, %parallel_loop3A_1107 : vector<16xi32>
          %parallel_loop3A_1109 = tpu.vector_load_idx %arg5[%parallel_loop3A_1108, %parallel_loop3A_986] : memref<128x32xf32, #tpu.memory_space<vmem>>[vector<16xi32>, vector<16xi32>], vector<16xf32>,
          %parallel_loop3A_1110 = arith.constant 0 : i32
          %parallel_loop3A_1111 = arith.constant 0 : i32
          %parallel_loop3A_1112 = arith.constant 0 : i32
          %parallel_loop3A_1113 = tpu.memref_slice %run_scoped3A_8[%rem3A_303, %parallel_loop3A_1110, %parallel_loop3A_1111, %parallel_loop3A_1112] : memref<2x1x32x128xf32, #tpu.memory_space<vmem>> -> memref<1x1x32x128xf32, #tpu.memory_space<vmem>>
          %parallel_loop3A_1114 = tpu.memref_squeeze %parallel_loop3A_1113 : memref<1x1x32x128xf32, #tpu.memory_space<vmem>> -> memref<1x32x128xf32, #tpu.memory_space<vmem>>
          %parallel_loop3A_1115 = arith.constant 0 : i32
          %parallel_loop3A_1116 = arith.constant 0 : i32
          %parallel_loop3A_1117 = tpu.memref_slice %parallel_loop3A_1114[%parallel_loop3A_705, %parallel_loop3A_1115, %parallel_loop3A_1116] : memref<1x32x128xf32, #tpu.memory_space<vmem>> -> memref<1x32x128xf32, #tpu.memory_space<vmem>>
          %parallel_loop3A_1118 = tpu.memref_squeeze %parallel_loop3A_1117 : memref<1x32x128xf32, #tpu.memory_space<vmem>> -> memref<32x128xf32, #tpu.memory_space<vmem>>
          tpu.vector_store_idx %parallel_loop3A_1118[%parallel_loop3A_986, %parallel_loop3A_1108], %parallel_loop3A_1109 : memref<32x128xf32, #tpu.memory_space<vmem>>[vector<16xi32>, vector<16xi32>], vector<16xf32>,
          %parallel_loop3A_1119 = vector.broadcast %parallel_loop3A_788 : i32 to vector<16xi32>
          %parallel_loop3A_1120 = arith.addi %select_n3A_602, %parallel_loop3A_1119 : vector<16xi32>
          %parallel_loop3A_1121 = tpu.vector_load_idx %arg5[%parallel_loop3A_1120, %parallel_loop3A_986] : memref<128x32xf32, #tpu.memory_space<vmem>>[vector<16xi32>, vector<16xi32>], vector<16xf32>,
          %parallel_loop3A_1122 = arith.constant 0 : i32
          %parallel_loop3A_1123 = arith.constant 0 : i32
          %parallel_loop3A_1124 = arith.constant 0 : i32
          %parallel_loop3A_1125 = tpu.memref_slice %run_scoped3A_8[%rem3A_303, %parallel_loop3A_1122, %parallel_loop3A_1123, %parallel_loop3A_1124] : memref<2x1x32x128xf32, #tpu.memory_space<vmem>> -> memref<1x1x32x128xf32, #tpu.memory_space<vmem>>
          %parallel_loop3A_1126 = tpu.memref_squeeze %parallel_loop3A_1125 : memref<1x1x32x128xf32, #tpu.memory_space<vmem>> -> memref<1x32x128xf32, #tpu.memory_space<vmem>>
          %parallel_loop3A_1127 = arith.constant 0 : i32
          %parallel_loop3A_1128 = arith.constant 0 : i32
          %parallel_loop3A_1129 = tpu.memref_slice %parallel_loop3A_1126[%parallel_loop3A_705, %parallel_loop3A_1127, %parallel_loop3A_1128] : memref<1x32x128xf32, #tpu.memory_space<vmem>> -> memref<1x32x128xf32, #tpu.memory_space<vmem>>
          %parallel_loop3A_1130 = tpu.memref_squeeze %parallel_loop3A_1129 : memref<1x32x128xf32, #tpu.memory_space<vmem>> -> memref<32x128xf32, #tpu.memory_space<vmem>>
          tpu.vector_store_idx %parallel_loop3A_1130[%parallel_loop3A_986, %parallel_loop3A_1120], %parallel_loop3A_1121 : memref<32x128xf32, #tpu.memory_space<vmem>>[vector<16xi32>, vector<16xi32>], vector<16xf32>,
          %parallel_loop3A_1131 = vector.broadcast %parallel_loop3A_788 : i32 to vector<16xi32>
          %parallel_loop3A_1132 = arith.addi %select_n3A_627, %parallel_loop3A_1131 : vector<16xi32>
          %parallel_loop3A_1133 = tpu.vector_load_idx %arg5[%parallel_loop3A_1132, %parallel_loop3A_986] : memref<128x32xf32, #tpu.memory_space<vmem>>[vector<16xi32>, vector<16xi32>], vector<16xf32>,
          %parallel_loop3A_1134 = arith.constant 0 : i32
          %parallel_loop3A_1135 = arith.constant 0 : i32
          %parallel_loop3A_1136 = arith.constant 0 : i32
          %parallel_loop3A_1137 = tpu.memref_slice %run_scoped3A_8[%rem3A_303, %parallel_loop3A_1134, %parallel_loop3A_1135, %parallel_loop3A_1136] : memref<2x1x32x128xf32, #tpu.memory_space<vmem>> -> memref<1x1x32x128xf32, #tpu.memory_space<vmem>>
          %parallel_loop3A_1138 = tpu.memref_squeeze %parallel_loop3A_1137 : memref<1x1x32x128xf32, #tpu.memory_space<vmem>> -> memref<1x32x128xf32, #tpu.memory_space<vmem>>
          %parallel_loop3A_1139 = arith.constant 0 : i32
          %parallel_loop3A_1140 = arith.constant 0 : i32
          %parallel_loop3A_1141 = tpu.memref_slice %parallel_loop3A_1138[%parallel_loop3A_705, %parallel_loop3A_1139, %parallel_loop3A_1140] : memref<1x32x128xf32, #tpu.memory_space<vmem>> -> memref<1x32x128xf32, #tpu.memory_space<vmem>>
          %parallel_loop3A_1142 = tpu.memref_squeeze %parallel_loop3A_1141 : memref<1x32x128xf32, #tpu.memory_space<vmem>> -> memref<32x128xf32, #tpu.memory_space<vmem>>
          tpu.vector_store_idx %parallel_loop3A_1142[%parallel_loop3A_986, %parallel_loop3A_1132], %parallel_loop3A_1133 : memref<32x128xf32, #tpu.memory_space<vmem>>[vector<16xi32>, vector<16xi32>], vector<16xf32>,
          %parallel_loop3A_1143 = vector.broadcast %parallel_loop3A_788 : i32 to vector<16xi32>
          %parallel_loop3A_1144 = arith.addi %select_n3A_652, %parallel_loop3A_1143 : vector<16xi32>
          %parallel_loop3A_1145 = tpu.vector_load_idx %arg5[%parallel_loop3A_1144, %parallel_loop3A_986] : memref<128x32xf32, #tpu.memory_space<vmem>>[vector<16xi32>, vector<16xi32>], vector<16xf32>,
          %parallel_loop3A_1146 = arith.constant 0 : i32
          %parallel_loop3A_1147 = arith.constant 0 : i32
          %parallel_loop3A_1148 = arith.constant 0 : i32
          %parallel_loop3A_1149 = tpu.memref_slice %run_scoped3A_8[%rem3A_303, %parallel_loop3A_1146, %parallel_loop3A_1147, %parallel_loop3A_1148] : memref<2x1x32x128xf32, #tpu.memory_space<vmem>> -> memref<1x1x32x128xf32, #tpu.memory_space<vmem>>
          %parallel_loop3A_1150 = tpu.memref_squeeze %parallel_loop3A_1149 : memref<1x1x32x128xf32, #tpu.memory_space<vmem>> -> memref<1x32x128xf32, #tpu.memory_space<vmem>>
          %parallel_loop3A_1151 = arith.constant 0 : i32
          %parallel_loop3A_1152 = arith.constant 0 : i32
          %parallel_loop3A_1153 = tpu.memref_slice %parallel_loop3A_1150[%parallel_loop3A_705, %parallel_loop3A_1151, %parallel_loop3A_1152] : memref<1x32x128xf32, #tpu.memory_space<vmem>> -> memref<1x32x128xf32, #tpu.memory_space<vmem>>
          %parallel_loop3A_1154 = tpu.memref_squeeze %parallel_loop3A_1153 : memref<1x32x128xf32, #tpu.memory_space<vmem>> -> memref<32x128xf32, #tpu.memory_space<vmem>>
          tpu.vector_store_idx %parallel_loop3A_1154[%parallel_loop3A_986, %parallel_loop3A_1144], %parallel_loop3A_1145 : memref<32x128xf32, #tpu.memory_space<vmem>>[vector<16xi32>, vector<16xi32>], vector<16xf32>,
          %parallel_loop3A_1155 = vector.broadcast %parallel_loop3A_788 : i32 to vector<16xi32>
          %parallel_loop3A_1156 = arith.addi %select_n3A_677, %parallel_loop3A_1155 : vector<16xi32>
          %parallel_loop3A_1157 = tpu.vector_load_idx %arg5[%parallel_loop3A_1156, %parallel_loop3A_986] : memref<128x32xf32, #tpu.memory_space<vmem>>[vector<16xi32>, vector<16xi32>], vector<16xf32>,
          %parallel_loop3A_1158 = arith.constant 0 : i32
          %parallel_loop3A_1159 = arith.constant 0 : i32
          %parallel_loop3A_1160 = arith.constant 0 : i32
          %parallel_loop3A_1161 = tpu.memref_slice %run_scoped3A_8[%rem3A_303, %parallel_loop3A_1158, %parallel_loop3A_1159, %parallel_loop3A_1160] : memref<2x1x32x128xf32, #tpu.memory_space<vmem>> -> memref<1x1x32x128xf32, #tpu.memory_space<vmem>>
          %parallel_loop3A_1162 = tpu.memref_squeeze %parallel_loop3A_1161 : memref<1x1x32x128xf32, #tpu.memory_space<vmem>> -> memref<1x32x128xf32, #tpu.memory_space<vmem>>
          %parallel_loop3A_1163 = arith.constant 0 : i32
          %parallel_loop3A_1164 = arith.constant 0 : i32
          %parallel_loop3A_1165 = tpu.memref_slice %parallel_loop3A_1162[%parallel_loop3A_705, %parallel_loop3A_1163, %parallel_loop3A_1164] : memref<1x32x128xf32, #tpu.memory_space<vmem>> -> memref<1x32x128xf32, #tpu.memory_space<vmem>>
          %parallel_loop3A_1166 = tpu.memref_squeeze %parallel_loop3A_1165 : memref<1x32x128xf32, #tpu.memory_space<vmem>> -> memref<32x128xf32, #tpu.memory_space<vmem>>
          tpu.vector_store_idx %parallel_loop3A_1166[%parallel_loop3A_986, %parallel_loop3A_1156], %parallel_loop3A_1157 : memref<32x128xf32, #tpu.memory_space<vmem>>[vector<16xi32>, vector<16xi32>], vector<16xf32>,
          %parallel_loop3A_1167 = vector.broadcast %parallel_loop3A_788 : i32 to vector<16xi32>
          %parallel_loop3A_1168 = arith.addi %select_n3A_702, %parallel_loop3A_1167 : vector<16xi32>
          %parallel_loop3A_1169 = tpu.vector_load_idx %arg5[%parallel_loop3A_1168, %parallel_loop3A_986] : memref<128x32xf32, #tpu.memory_space<vmem>>[vector<16xi32>, vector<16xi32>], vector<16xf32>,
          %parallel_loop3A_1170 = arith.constant 0 : i32
          %parallel_loop3A_1171 = arith.constant 0 : i32
          %parallel_loop3A_1172 = arith.constant 0 : i32
          %parallel_loop3A_1173 = tpu.memref_slice %run_scoped3A_8[%rem3A_303, %parallel_loop3A_1170, %parallel_loop3A_1171, %parallel_loop3A_1172] : memref<2x1x32x128xf32, #tpu.memory_space<vmem>> -> memref<1x1x32x128xf32, #tpu.memory_space<vmem>>
          %parallel_loop3A_1174 = tpu.memref_squeeze %parallel_loop3A_1173 : memref<1x1x32x128xf32, #tpu.memory_space<vmem>> -> memref<1x32x128xf32, #tpu.memory_space<vmem>>
          %parallel_loop3A_1175 = arith.constant 0 : i32
          %parallel_loop3A_1176 = arith.constant 0 : i32
          %parallel_loop3A_1177 = tpu.memref_slice %parallel_loop3A_1174[%parallel_loop3A_705, %parallel_loop3A_1175, %parallel_loop3A_1176] : memref<1x32x128xf32, #tpu.memory_space<vmem>> -> memref<1x32x128xf32, #tpu.memory_space<vmem>>
          %parallel_loop3A_1178 = tpu.memref_squeeze %parallel_loop3A_1177 : memref<1x32x128xf32, #tpu.memory_space<vmem>> -> memref<32x128xf32, #tpu.memory_space<vmem>>
          tpu.vector_store_idx %parallel_loop3A_1178[%parallel_loop3A_986, %parallel_loop3A_1168], %parallel_loop3A_1169 : memref<32x128xf32, #tpu.memory_space<vmem>>[vector<16xi32>, vector<16xi32>], vector<16xf32>,
        } {sc.loop_unroll_factor = 2 : i64, sc.parallel_access}
        "tpu.trace_stop"() : () -> ()
        %ne3A_706 = arith.cmpi ne, %add3A_201, %add3A_237 : i32
        %ne3A_707 = arith.cmpi ne, %add3A_202, %add3A_238 : i32
        %or3A_708 = arith.constant false
        %or3A_709 = arith.ori %or3A_708, %ne3A_706 : i1
        %or3A_710 = arith.ori %or3A_709, %ne3A_707 : i1
        %or3A_711 = arith.ori %or3A_710, %eq3A_199 : i1
        %convert_element_type3A_712 = arith.extui %or3A_711 : i1 to i32
        %cond3A_713 = arith.constant 0 : i32
        %cond3A_714 = arith.cmpi ne, %convert_element_type3A_712, %cond3A_713 : i32
        scf.if %cond3A_714 {
        } else {
        }
        %and3A_715 = arith.constant false
        %and3A_716 = arith.andi %or3A_711, %and3A_715 : i1
        %ne3A_717 = arith.cmpi ne, %add3A_201, %add3A_237 : i32
        %ne3A_718 = arith.cmpi ne, %add3A_202, %add3A_238 : i32
        %or3A_719 = arith.constant false
        %or3A_720 = arith.ori %or3A_719, %ne3A_717 : i1
        %or3A_721 = arith.constant false
        %or3A_722 = arith.ori %or3A_720, %or3A_721 : i1
        %or3A_723 = arith.ori %or3A_722, %ne3A_718 : i1
        %or3A_724 = arith.ori %or3A_723, %eq3A_199 : i1
        %convert_element_type3A_725 = arith.extui %or3A_724 : i1 to i32
        %cond3A_726 = arith.constant 0 : i32
        %cond3A_727 = arith.cmpi ne, %convert_element_type3A_725, %cond3A_726 : i32
        scf.if %cond3A_727 {
          "tpu.trace_start"() <{level = 10 : i32, message = "ep_copy_out"}> : () -> ()
          %rem3A_788 = arith.constant 2 : i32
          %rem3A_789 = arith.remui %scan3A_192, %rem3A_788 : i32
          %mul3A_790 = arith.constant 1 : i32
          %mul3A_791 = arith.muli %mul3A_790, %add3A_201 : i32
          %mul3A_792 = arith.constant 128 : i32
          %mul3A_793 = arith.muli %mul3A_792, %add3A_202 : i32
          %dma_start3A_794 = arith.constant 0 : i32
          %dma_start3A_795 = arith.constant 0 : i32
          %dma_start3A_796 = arith.constant 0 : i32
          %dma_start3A_797 = tpu.memref_slice %run_scoped3A_8[%rem3A_789, %dma_start3A_794, %dma_start3A_795, %dma_start3A_796] : memref<2x1x32x128xf32, #tpu.memory_space<vmem>> -> memref<1x1x32x128xf32, #tpu.memory_space<vmem>>
          %dma_start3A_798 = tpu.memref_squeeze %dma_start3A_797 : memref<1x1x32x128xf32, #tpu.memory_space<vmem>> -> memref<1x32x128xf32, #tpu.memory_space<vmem>>
          %dma_start3A_799 = arith.constant 0 : i32
          %dma_start3A_800 = tpu.memref_slice %arg4[%mul3A_791, %dma_start3A_799, %mul3A_793] : memref<200x32x16384xf32, #tpu.memory_space<hbm>> -> memref<1x32x128xf32, #tpu.memory_space<hbm>>
          %dma_start3A_801 = tpu.memref_slice %run_scoped3A_9[%rem3A_789] : memref<2x!tpu.dma_semaphore, #tpu.memory_space<semaphore_mem>> -> memref<1x!tpu.dma_semaphore, #tpu.memory_space<semaphore_mem>>
          %dma_start3A_802 = tpu.memref_squeeze %dma_start3A_801 : memref<1x!tpu.dma_semaphore, #tpu.memory_space<semaphore_mem>> -> memref<!tpu.dma_semaphore, #tpu.memory_space<semaphore_mem>>
          %dma_start3A_803 = arith.constant 0 : i32
          %dma_start3A_804 = tpu.memref_slice %arg4[%mul3A_791, %dma_start3A_803, %mul3A_793] : memref<200x32x16384xf32, #tpu.memory_space<hbm>> -> memref<1x32x128xf32, #tpu.memory_space<hbm>>
          %dma_start3A_805 = arith.constant 0 : i32
          %dma_start3A_806 = arith.constant 0 : i32
          %dma_start3A_807 = arith.constant 0 : i32
          %dma_start3A_808 = tpu.memref_slice %run_scoped3A_8[%rem3A_789, %dma_start3A_805, %dma_start3A_806, %dma_start3A_807] : memref<2x1x32x128xf32, #tpu.memory_space<vmem>> -> memref<1x1x32x128xf32, #tpu.memory_space<vmem>>
          %dma_start3A_809 = tpu.memref_squeeze %dma_start3A_808 : memref<1x1x32x128xf32, #tpu.memory_space<vmem>> -> memref<1x32x128xf32, #tpu.memory_space<vmem>>
          tpu.enqueue_dma source(%dma_start3A_809 : memref<1x32x128xf32, #tpu.memory_space<vmem>>) target(%dma_start3A_804 : memref<1x32x128xf32, #tpu.memory_space<hbm>>) target_semaphore(%dma_start3A_802 : memref<!tpu.dma_semaphore, #tpu.memory_space<semaphore_mem>>)
          "tpu.trace_stop"() : () -> ()
        } else {
        }
        %and3A_728 = arith.constant true
        %and3A_729 = arith.andi %or3A_724, %and3A_728 : i1
        %add3A_730 = arith.constant 1 : i32
        %add3A_731 = arith.addi %scan3A_192, %add3A_730 : i32
        %select_n3A_732 = arith.select %and3A_729, %add3A_731, %scan3A_192 : i32
        %ne3A_733 = arith.cmpi ne, %add3A_201, %add3A_219 : i32
        %ne3A_734 = arith.cmpi ne, %add3A_202, %add3A_220 : i32
        %or3A_735 = arith.constant false
        %or3A_736 = arith.ori %or3A_735, %ne3A_733 : i1
        %or3A_737 = arith.ori %or3A_736, %ne3A_734 : i1
        %not3A_738 = arith.constant true
        %not3A_739 = arith.xori %eq3A_197, %not3A_738 : i1
        %and3A_740 = arith.andi %or3A_737, %not3A_739 : i1
        %convert_element_type3A_741 = arith.extui %and3A_740 : i1 to i32
        %cond3A_742 = arith.constant 0 : i32
        %cond3A_743 = arith.cmpi ne, %convert_element_type3A_741, %cond3A_742 : i32
        scf.if %cond3A_743 {
        } else {
        }
        %and3A_744 = arith.constant false
        %and3A_745 = arith.andi %and3A_740, %and3A_744 : i1
        %ne3A_746 = arith.cmpi ne, %add3A_201, %add3A_219 : i32
        %ne3A_747 = arith.cmpi ne, %add3A_202, %add3A_220 : i32
        %or3A_748 = arith.constant false
        %or3A_749 = arith.ori %or3A_748, %ne3A_746 : i1
        %or3A_750 = arith.constant false
        %or3A_751 = arith.ori %or3A_749, %or3A_750 : i1
        %or3A_752 = arith.ori %or3A_751, %ne3A_747 : i1
        %not3A_753 = arith.constant true
        %not3A_754 = arith.xori %eq3A_197, %not3A_753 : i1
        %and3A_755 = arith.andi %or3A_752, %not3A_754 : i1
        %convert_element_type3A_756 = arith.extui %and3A_755 : i1 to i32
        %cond3A_757 = arith.constant 0 : i32
        %cond3A_758 = arith.cmpi ne, %convert_element_type3A_756, %cond3A_757 : i32
        scf.if %cond3A_758 {
          "tpu.trace_start"() <{level = 10 : i32, message = "ep_wait_out"}> : () -> ()
          %rem3A_788 = arith.constant 2 : i32
          %rem3A_789 = arith.remui %scan3A_193, %rem3A_788 : i32
          %mul3A_790 = arith.constant 1 : i32
          %mul3A_791 = arith.muli %mul3A_790, %add3A_219 : i32
          %mul3A_792 = arith.constant 128 : i32
          %mul3A_793 = arith.muli %mul3A_792, %add3A_220 : i32
          %dma_wait3A_794 = arith.constant 0 : i32
          %dma_wait3A_795 = arith.constant 0 : i32
          %dma_wait3A_796 = arith.constant 0 : i32
          %dma_wait3A_797 = tpu.memref_slice %run_scoped3A_8[%rem3A_789, %dma_wait3A_794, %dma_wait3A_795, %dma_wait3A_796] : memref<2x1x32x128xf32, #tpu.memory_space<vmem>> -> memref<1x1x32x128xf32, #tpu.memory_space<vmem>>
          %dma_wait3A_798 = tpu.memref_squeeze %dma_wait3A_797 : memref<1x1x32x128xf32, #tpu.memory_space<vmem>> -> memref<1x32x128xf32, #tpu.memory_space<vmem>>
          %dma_wait3A_799 = arith.constant 0 : i32
          %dma_wait3A_800 = tpu.memref_slice %arg4[%mul3A_791, %dma_wait3A_799, %mul3A_793] : memref<200x32x16384xf32, #tpu.memory_space<hbm>> -> memref<1x32x128xf32, #tpu.memory_space<hbm>>
          %dma_wait3A_801 = tpu.memref_slice %run_scoped3A_9[%rem3A_789] : memref<2x!tpu.dma_semaphore, #tpu.memory_space<semaphore_mem>> -> memref<1x!tpu.dma_semaphore, #tpu.memory_space<semaphore_mem>>
          %dma_wait3A_802 = tpu.memref_squeeze %dma_wait3A_801 : memref<1x!tpu.dma_semaphore, #tpu.memory_space<semaphore_mem>> -> memref<!tpu.dma_semaphore, #tpu.memory_space<semaphore_mem>>
          %dma_wait3A_803 = arith.constant 0 : i32
          %dma_wait3A_804 = tpu.memref_slice %arg4[%mul3A_791, %dma_wait3A_803, %mul3A_793] : memref<200x32x16384xf32, #tpu.memory_space<hbm>> -> memref<1x32x128xf32, #tpu.memory_space<hbm>>
          %dma_wait3A_805 = arith.constant 0 : i32
          %dma_wait3A_806 = arith.constant 0 : i32
          %dma_wait3A_807 = arith.constant 0 : i32
          %dma_wait3A_808 = tpu.memref_slice %run_scoped3A_8[%rem3A_789, %dma_wait3A_805, %dma_wait3A_806, %dma_wait3A_807] : memref<2x1x32x128xf32, #tpu.memory_space<vmem>> -> memref<1x1x32x128xf32, #tpu.memory_space<vmem>>
          %dma_wait3A_809 = tpu.memref_squeeze %dma_wait3A_808 : memref<1x1x32x128xf32, #tpu.memory_space<vmem>> -> memref<1x32x128xf32, #tpu.memory_space<vmem>>
          tpu.wait_dma2 semaphore(%dma_wait3A_802 : memref<!tpu.dma_semaphore, #tpu.memory_space<semaphore_mem>>) src(%dma_wait3A_809 : memref<1x32x128xf32, #tpu.memory_space<vmem>>) dst(%dma_wait3A_804 : memref<1x32x128xf32, #tpu.memory_space<hbm>>)
          "tpu.trace_stop"() : () -> ()
        } else {
        }
        %and3A_759 = arith.constant true
        %and3A_760 = arith.andi %and3A_755, %and3A_759 : i1
        %add3A_761 = arith.constant 1 : i32
        %add3A_762 = arith.addi %scan3A_193, %add3A_761 : i32
        %select_n3A_763 = arith.select %and3A_760, %add3A_762, %scan3A_193 : i32
        %ne3A_764 = arith.cmpi ne, %add3A_201, %add3A_237 : i32
        %ne3A_765 = arith.cmpi ne, %add3A_202, %add3A_238 : i32
        %or3A_766 = arith.constant false
        %or3A_767 = arith.ori %or3A_766, %ne3A_764 : i1
        %or3A_768 = arith.ori %or3A_767, %ne3A_765 : i1
        %or3A_769 = arith.ori %or3A_768, %eq3A_199 : i1
        %add3A_770 = arith.constant 1 : i32
        %add3A_771 = arith.addi %scan3A_191, %add3A_770 : i32
        %select_n3A_772 = arith.select %or3A_769, %add3A_771, %scan3A_191 : i32
        %add3A_773 = arith.constant 1 : i32
        %add3A_774 = arith.addi %scan3A_195, %add3A_773 : i32
        %select_n3A_775 = arith.constant true
        %select_n3A_776 = arith.select %select_n3A_775, %add3A_774, %scan3A_195 : i32
        %eq3A_777 = arith.constant 4 : i32
        %eq3A_778 = arith.cmpi eq, %select_n3A_776, %eq3A_777 : i32
        %select_n3A_779 = arith.constant 0 : i32
        %select_n3A_780 = arith.select %eq3A_778, %select_n3A_779, %select_n3A_776 : i32
        %add3A_781 = arith.constant 1 : i32
        %add3A_782 = arith.addi %scan3A_194, %add3A_781 : i32
        %select_n3A_783 = arith.select %eq3A_778, %add3A_782, %scan3A_194 : i32
        %eq3A_784 = arith.constant 200 : i32
        %eq3A_785 = arith.cmpi eq, %select_n3A_783, %eq3A_784 : i32
        %select_n3A_786 = arith.constant 0 : i32
        %select_n3A_787 = arith.select %eq3A_785, %select_n3A_786, %select_n3A_783 : i32
        scf.yield %select_n3A_267, %select_n3A_772, %select_n3A_732, %select_n3A_763, %select_n3A_787, %select_n3A_780 : i32, i32, i32, i32, i32, i32
      }
      %scan3A_96 = arith.constant 800 : i32
      %sub3A = arith.constant 1 : i32
      %sub3A_97 = arith.subi %scan3A_95#5, %sub3A : i32
      %select_n3A_98 = arith.constant true
      %select_n3A_99 = arith.select %select_n3A_98, %sub3A_97, %scan3A_95#5 : i32
      %eq3A_100 = arith.constant -1 : i32
      %eq3A_101 = arith.cmpi eq, %select_n3A_99, %eq3A_100 : i32
      %select_n3A_102 = arith.constant 3 : i32
      %select_n3A_103 = arith.select %eq3A_101, %select_n3A_102, %select_n3A_99 : i32
      %sub3A_104 = arith.constant 1 : i32
      %sub3A_105 = arith.subi %scan3A_95#4, %sub3A_104 : i32
      %select_n3A_106 = arith.select %eq3A_101, %sub3A_105, %scan3A_95#4 : i32
      %eq3A_107 = arith.constant -1 : i32
      %eq3A_108 = arith.cmpi eq, %select_n3A_106, %eq3A_107 : i32
      %select_n3A_109 = arith.constant 199 : i32
      %select_n3A_110 = arith.select %eq3A_108, %select_n3A_109, %select_n3A_106 : i32
      %add3A_111 = arith.constant 0 : i32
      %add3A_112 = arith.addi %select_n3A_110, %add3A_111 : i32
      %add3A_113 = arith.addi %select_n3A_103, %mul3A_6 : i32
      %sub3A_114 = arith.constant 1 : i32
      %sub3A_115 = arith.subi %select_n3A_103, %sub3A_114 : i32
      %select_n3A_116 = arith.constant true
      %select_n3A_117 = arith.select %select_n3A_116, %sub3A_115, %select_n3A_103 : i32
      %eq3A_118 = arith.constant -1 : i32
      %eq3A_119 = arith.cmpi eq, %select_n3A_117, %eq3A_118 : i32
      %select_n3A_120 = arith.constant 3 : i32
      %select_n3A_121 = arith.select %eq3A_119, %select_n3A_120, %select_n3A_117 : i32
      %sub3A_122 = arith.constant 1 : i32
      %sub3A_123 = arith.subi %select_n3A_110, %sub3A_122 : i32
      %select_n3A_124 = arith.select %eq3A_119, %sub3A_123, %select_n3A_110 : i32
      %eq3A_125 = arith.constant -1 : i32
      %eq3A_126 = arith.cmpi eq, %select_n3A_124, %eq3A_125 : i32
      %select_n3A_127 = arith.constant 199 : i32
      %select_n3A_128 = arith.select %eq3A_126, %select_n3A_127, %select_n3A_124 : i32
      %add3A_129 = arith.constant 0 : i32
      %add3A_130 = arith.addi %select_n3A_128, %add3A_129 : i32
      %add3A_131 = arith.addi %select_n3A_121, %mul3A_6 : i32
      %add3A_132 = arith.constant 1 : i32
      %add3A_133 = arith.addi %select_n3A_103, %add3A_132 : i32
      %select_n3A_134 = arith.constant true
      %select_n3A_135 = arith.select %select_n3A_134, %add3A_133, %select_n3A_103 : i32
      %eq3A_136 = arith.constant 4 : i32
      %eq3A_137 = arith.cmpi eq, %select_n3A_135, %eq3A_136 : i32
      %select_n3A_138 = arith.constant 0 : i32
      %select_n3A_139 = arith.select %eq3A_137, %select_n3A_138, %select_n3A_135 : i32
      %add3A_140 = arith.constant 1 : i32
      %add3A_141 = arith.addi %select_n3A_110, %add3A_140 : i32
      %select_n3A_142 = arith.select %eq3A_137, %add3A_141, %select_n3A_110 : i32
      %eq3A_143 = arith.constant 200 : i32
      %eq3A_144 = arith.cmpi eq, %select_n3A_142, %eq3A_143 : i32
      %select_n3A_145 = arith.constant 0 : i32
      %select_n3A_146 = arith.select %eq3A_144, %select_n3A_145, %select_n3A_142 : i32
      %add3A_147 = arith.constant 0 : i32
      %add3A_148 = arith.addi %select_n3A_146, %add3A_147 : i32
      %add3A_149 = arith.addi %select_n3A_139, %mul3A_6 : i32
      %add3A_150 = arith.constant 1 : i32
      %add3A_151 = arith.addi %select_n3A_139, %add3A_150 : i32
      %select_n3A_152 = arith.constant true
      %select_n3A_153 = arith.select %select_n3A_152, %add3A_151, %select_n3A_139 : i32
      %eq3A_154 = arith.constant 4 : i32
      %eq3A_155 = arith.cmpi eq, %select_n3A_153, %eq3A_154 : i32
      %select_n3A_156 = arith.constant 0 : i32
      %select_n3A_157 = arith.select %eq3A_155, %select_n3A_156, %select_n3A_153 : i32
      %add3A_158 = arith.constant 1 : i32
      %add3A_159 = arith.addi %select_n3A_146, %add3A_158 : i32
      %select_n3A_160 = arith.select %eq3A_155, %add3A_159, %select_n3A_146 : i32
      %eq3A_161 = arith.constant 200 : i32
      %eq3A_162 = arith.cmpi eq, %select_n3A_160, %eq3A_161 : i32
      %select_n3A_163 = arith.constant 0 : i32
      %select_n3A_164 = arith.select %eq3A_162, %select_n3A_163, %select_n3A_160 : i32
      %add3A_165 = arith.constant 0 : i32
      %add3A_166 = arith.addi %select_n3A_164, %add3A_165 : i32
      %add3A_167 = arith.addi %select_n3A_157, %mul3A_6 : i32
      "tpu.trace_start"() <{level = 10 : i32, message = "ep_finalize"}> : () -> ()
      %rem3A_168 = arith.constant 2 : i32
      %rem3A_169 = arith.remui %scan3A_95#3, %rem3A_168 : i32
      %mul3A_170 = arith.constant 1 : i32
      %mul3A_171 = arith.muli %mul3A_170, %add3A_112 : i32
      %mul3A_172 = arith.constant 128 : i32
      %mul3A_173 = arith.muli %mul3A_172, %add3A_113 : i32
      %dma_wait3A = arith.constant 0 : i32
      %dma_wait3A_174 = arith.constant 0 : i32
      %dma_wait3A_175 = arith.constant 0 : i32
      %dma_wait3A_176 = tpu.memref_slice %run_scoped3A_8[%rem3A_169, %dma_wait3A, %dma_wait3A_174, %dma_wait3A_175] : memref<2x1x32x128xf32, #tpu.memory_space<vmem>> -> memref<1x1x32x128xf32, #tpu.memory_space<vmem>>
      %dma_wait3A_177 = tpu.memref_squeeze %dma_wait3A_176 : memref<1x1x32x128xf32, #tpu.memory_space<vmem>> -> memref<1x32x128xf32, #tpu.memory_space<vmem>>
      %dma_wait3A_178 = arith.constant 0 : i32
      %dma_wait3A_179 = tpu.memref_slice %arg4[%mul3A_171, %dma_wait3A_178, %mul3A_173] : memref<200x32x16384xf32, #tpu.memory_space<hbm>> -> memref<1x32x128xf32, #tpu.memory_space<hbm>>
      %dma_wait3A_180 = tpu.memref_slice %run_scoped3A_9[%rem3A_169] : memref<2x!tpu.dma_semaphore, #tpu.memory_space<semaphore_mem>> -> memref<1x!tpu.dma_semaphore, #tpu.memory_space<semaphore_mem>>
      %dma_wait3A_181 = tpu.memref_squeeze %dma_wait3A_180 : memref<1x!tpu.dma_semaphore, #tpu.memory_space<semaphore_mem>> -> memref<!tpu.dma_semaphore, #tpu.memory_space<semaphore_mem>>
      %dma_wait3A_182 = arith.constant 0 : i32
      %dma_wait3A_183 = tpu.memref_slice %arg4[%mul3A_171, %dma_wait3A_182, %mul3A_173] : memref<200x32x16384xf32, #tpu.memory_space<hbm>> -> memref<1x32x128xf32, #tpu.memory_space<hbm>>
      %dma_wait3A_184 = arith.constant 0 : i32
      %dma_wait3A_185 = arith.constant 0 : i32
      %dma_wait3A_186 = arith.constant 0 : i32
      %dma_wait3A_187 = tpu.memref_slice %run_scoped3A_8[%rem3A_169, %dma_wait3A_184, %dma_wait3A_185, %dma_wait3A_186] : memref<2x1x32x128xf32, #tpu.memory_space<vmem>> -> memref<1x1x32x128xf32, #tpu.memory_space<vmem>>
      %dma_wait3A_188 = tpu.memref_squeeze %dma_wait3A_187 : memref<1x1x32x128xf32, #tpu.memory_space<vmem>> -> memref<1x32x128xf32, #tpu.memory_space<vmem>>
      tpu.wait_dma2 semaphore(%dma_wait3A_181 : memref<!tpu.dma_semaphore, #tpu.memory_space<semaphore_mem>>) src(%dma_wait3A_188 : memref<1x32x128xf32, #tpu.memory_space<vmem>>) dst(%dma_wait3A_183 : memref<1x32x128xf32, #tpu.memory_space<hbm>>)
      "tpu.trace_stop"() : () -> ()
      tpu.yield
    }) : () -> ()
    return
  }
}

</mosaic_0001>

<sc_bundles>
// kernel: _gather.3.cloned.1.call-start
scs
__scs_entry_jumppad:
0x0: {  	(pc) =	sbr.rel $0x88, $3  }
0x1: {  	(tag) =	ssettag $0x0;
	lr =	simm.s32 $0x1  }
0x2: {  	[smem:$0x3F9F] =	sst lr;
	_ =	strace $0xD0000000  }
0x3: {  	_ = 	snop  }
0x4: {  	_ = 	snop  }
0x5: {  	_ = 	snop  }
0x6: {  	_ = 	snop  }
0x7: {  	_ = 	snop  }
__scs_overlays_trampoline_lowered:
0x8: {  	[smem:$0x3FAE] =	sst s0  }
0x9: {  	[smem:$0x3FAF] =	sst s1  }
0xa: {  	[smem:$0x3FB0] =	sst s2  }
0xb: {  	[smem:$0x3FB1] =	sst s3  }
0xc: {  	[smem:$0x3FB2] =	sst s4  }
0xd: {  	[smem:$0x3FB3] =	sst s5  }
0xe: {  	[smem:$0x3FB4] =	sst s6  }
0xf: {  	[smem:$0x3FB5] =	sst s7  }
0x10: {  	[smem:$0x3FB6] =	sst s8  }
0x11: {  	[smem:$0x3FB7] =	sst s9;
	s0 =	simm.s32 @!p0 $0x0  }
0x12: {  	s1 =	sld [smem:$0x3F9D];
	s0 =	simm.s32 @p0 $0x1  }
0x13: {  	[smem:$0x3FB8] =	sst s0;
	s0 =	simm.s32 @!p1 $0x0  }
0x14: {  	s2 =	sld [smem:$0x3F9C];
	s0 =	simm.s32 @p1 $0x1  }
0x15: {  	[smem:$0x3FB9] =	sst s0;
	s0 =	simm.s32 @!p2 $0x0  }
0x16: {  	s3 =	sld [smem:$0x3FDB];
	s0 =	simm.s32 @p2 $0x1  }
0x17: {  	s4 =	simm.s32 $0x1BF5;
	[smem:$0x3FBB] =	sst s0  }
0x18: {  	s0 =	sld [smem:$0x3F9E];
	_ =	swait.ge [sflag:s4], $0x0  }
0x19: {  	s7 =	sld [smem:$0x3F9F]  }
0x1a: {  	s8 =	sadd.s32 $0xFFFFE003, lr  }
0x1b: {  	s9 =	sadd.s32 $0xFFFFFEF7, lr;
	s5 =	simm.s32 $0xFFFFFFFF;
	p2 =	slt.u32 s8, $0xFFFFF086  }
0x1c: {  	p1 =	slt.u32 s9, $0xF7A;
	s5 =	simm.s32 @!p2 $0x0  }
0x1d: {  	s5 =	simm.s32 @p1 $0x1;
	p0 =	seq.s32 s7, s2  }
0x1e: {  	s7 =	smul.u32 @!p0 $0xF7A, s2;
	p2 =	seq.s32 @!p0 s5, $0x0  }
0x1f: {  	s9 =	smul.u32 $0xF7A, s1;
	s8 =	simm.s32 @!p0 $0x1BF5;
	p2 =	por !p2, p0  }
0x20: {  	[sflag:s8] =	ssyncset.s32 @!p0 $0xFFFFF086;
	s6 =	sadd.s32 @!p0 s3, s7;
	s7 =	simm.s32 @!p0 $0x108  }
0x21: {  	s3 =	sadd.s32 s3, s9;
	s6 =	sadd.s32 @!p0 $0x88, s6;
	s7 =	simm.s32 @p2 $0x1082  }
0x22: {  	[simem:s7], [sflag:s8] =	dma.local @!p0 [hbm:s6], $0xF7A  }
0x23: {  	s9 =	sor.u32 $0xD0000000, s2;
	s6 =	simm.s32 $0x108;
	_ =	swait.ge @!p0 [sflag:s8], $0x0  }
0x24: {  	s3 =	sadd.s32 $0x88, s3;
	s6 =	simm.s32 @!p1 $0x1082;
	[sflag:s4] =	ssyncset.s32 $0xFFFFF086  }
0x25: {  	[simem:s6], [sflag:s4] =	dma.local [hbm:s3], $0xF7A  }
0x26: {  	[smem:$0x3F9F] =	sst s1;
	(tag) =	ssettag s2;
	_ =	strace s9  }
0x27: {  	s1 =	sld [smem:$0x3FAF]  }
0x28: {  	s2 =	sld [smem:$0x3FB0]  }
0x29: {  	s4 =	sld [smem:$0x3FB2]  }
0x2a: {  	p0 =	seq.s32 s5, $0x0;
	s5 =	sld [smem:$0x3FB3]  }
0x2b: {  	s6 =	sld [smem:$0x3FB4]  }
0x2c: {  	s7 =	sld [smem:$0x3FB5]  }
0x2d: {  	s3 =	simm.s32 $0x108;
	s8 =	sld [smem:$0x3FB6]  }
0x2e: {  	s3 =	simm.s32 @!p0 $0x1082;
	s9 =	sld [smem:$0x3FB7]  }
0x2f: {  	lr =	sadd.s32 s0, s3;
	s0 =	sld [smem:$0x3FAE]  }
0x30: {  	s3 =	sld [smem:$0x3FB1]  }
0x31: {  	[smem:$0x3FBA] =	sst s10  }
0x32: {  	s10 =	sld [smem:$0x3FB8];
	_ =	sdelay $0x3  }
0x33: {  	p0 =	seq.s32 s10, $0x1;
	s10 =	sld [smem:$0x3FBA];
	_ =	sdelay $0x3  }
0x34: {  	[smem:$0x3FBA] =	sst s10  }
0x35: {  	s10 =	sld [smem:$0x3FB9];
	_ =	sdelay $0x3  }
0x36: {  	p1 =	seq.s32 s10, $0x1;
	s10 =	sld [smem:$0x3FBA];
	_ =	sdelay $0x3  }
0x37: {  	[smem:$0x3FBA] =	sst s10  }
0x38: {  	s10 =	sld [smem:$0x3FBB]  }
0x39: {  	_ = 	snop;
	(pc) =	sbr.ind lr, $3  }
0x3a: {  	_ = 	snop  }
0x3b: {  	_ = 	snop  }
0x3c: {  	p2 =	seq.s32 s10, $0x1;
	s10 =	sld [smem:$0x3FBA]  }
0x3d: {  	_ =	shalt  }
0x3e: {  	_ =	shalt  }
0x3f: {  	_ =	shalt  }
0x40: {  	_ =	shalt  }
0x41: {  	_ =	shalt  }
0x42: {  	_ =	shalt  }
0x43: {  	_ =	shalt  }
0x44: {  	_ =	shalt  }
0x45: {  	_ =	shalt  }
0x46: {  	_ =	shalt  }
0x47: {  	_ =	shalt  }
0x48: {  	_ =	shalt  }
0x49: {  	_ =	shalt  }
0x4a: {  	_ =	shalt  }
0x4b: {  	_ =	shalt  }
0x4c: {  	_ =	shalt  }
0x4d: {  	_ =	shalt  }
0x4e: {  	_ =	shalt  }
0x4f: {  	_ =	shalt  }
0x50: {  	_ =	shalt  }
0x51: {  	_ =	shalt  }
0x52: {  	_ =	shalt  }
0x53: {  	_ =	shalt  }
0x54: {  	_ =	shalt  }
0x55: {  	_ =	shalt  }
0x56: {  	_ =	shalt  }
0x57: {  	_ =	shalt  }
0x58: {  	_ =	shalt  }
0x59: {  	_ =	shalt  }
0x5a: {  	_ =	shalt  }
0x5b: {  	_ =	shalt  }
0x5c: {  	_ =	shalt  }
0x5d: {  	_ =	shalt  }
0x5e: {  	_ =	shalt  }
0x5f: {  	_ =	shalt  }
0x60: {  	_ =	shalt  }
0x61: {  	_ =	shalt  }
0x62: {  	_ =	shalt  }
0x63: {  	_ =	shalt  }
0x64: {  	_ =	shalt  }
0x65: {  	_ =	shalt  }
0x66: {  	_ =	shalt  }
0x67: {  	_ =	shalt  }
0x68: {  	_ =	shalt  }
0x69: {  	_ =	shalt  }
0x6a: {  	_ =	shalt  }
0x6b: {  	_ =	shalt  }
0x6c: {  	_ =	shalt  }
0x6d: {  	_ =	shalt  }
0x6e: {  	_ =	shalt  }
0x6f: {  	_ =	shalt  }
0x70: {  	_ =	shalt  }
0x71: {  	_ =	shalt  }
0x72: {  	_ =	shalt  }
0x73: {  	_ =	shalt  }
0x74: {  	_ =	shalt  }
0x75: {  	_ =	shalt  }
0x76: {  	_ =	shalt  }
0x77: {  	_ =	shalt  }
0x78: {  	_ =	shalt  }
0x79: {  	_ =	shalt  }
0x7a: {  	_ =	shalt  }
0x7b: {  	_ =	shalt  }
0x7c: {  	_ =	shalt  }
0x7d: {  	_ =	shalt  }
0x7e: {  	_ =	shalt  }
0x7f: {  	_ =	shalt  }
0x80: {  	_ =	shalt  }
0x81: {  	_ =	shalt  }
0x82: {  	_ =	shalt  }
0x83: {  	_ =	shalt  }
0x84: {  	_ =	shalt  }
0x85: {  	_ =	shalt  }
0x86: {  	_ =	shalt  }
0x87: {  	_ =	shalt  }
.Lfunc_end0:
.L_simem_size_0:
called_computation_lowered:
.L_overlay_start_0:
0x88: {  	s2 =	sld [smem:$0x3FD9]  }
0x89: {  	s3 =	sld [smem:$0x3FFE];
	_ =	sdelay $0x1  }
0x8a: {  	s1 =	srdreg.scid  }
0x8b: {  	s0 =	sand.u32 $0x1, s1  }
0x8c: {  	s17 =	sshll.u32 s0, $0xA;
	s2 =	sadd.s32 s3, s2  }
0x8d: {  	s2 =	sadd.s32 s2, s17  }
0x8e: {  	[smem:$0x3FC6] =	sst s2  }
0x8f: {  	_ = 	snop  }
0x90: {  	s2 =	sld [smem:$0x3FD0];
	(tm) =	ssettm $0x1  }
0x91: {  	s18 =	sld [smem:$0x3FFB];
	_ =	sdelay $0x3  }
0x92: {  	_ =	strace s18  }
0x93: {  	s3 =	sld [smem:$0x3FFC];
	_ =	sdelay $0x3  }
0x94: {  	_ =	strace s3  }
0x95: {  	s3 =	sld [smem:$0x3FFD];
	_ =	sdelay $0x3  }
0x96: {  	_ =	strace s3  }
0x97: {  	_ =	strace $0x8FFFFFFF  }
0x98: {  	s19 =	sld [smem:$0x3FDB];
	_ =	sdelay $0x1  }
0x99: {  	s4 =	simm.s32 $_scs_section_size  }
0x9a: {  	s5 =	simm.s32 $_size__tile_overlayer_lowered;
	s6 =	simm.s32 $_tile_overlayer_lowered  }
0x9b: {  	s22 =	simm.s32 $0x1BFF;
	s21 =	sshll.u32 s6, $0x1;
	s3 =	sadd.s32 s4, s19  }
0x9c: {  	s7 =	simm.s32 $0x0;
	s20 =	sshll.u32 s5, $0x1;
	s5 =	sadd.s32 s21, s3  }
0x9d: {  	[timem:s7], [sflag:s22] =	dma.local [hbm:s5], s20  }
0x9e: {  	_ =	swait.ge [sflag:s22], s20  }
0x9f: {  	s4 =	ssub.s32 $0x0, s20;
	[sflag:s22] =	ssyncset.done $0x0  }
0xa0: {  	[sflag:s22] =	ssyncadd.s32 s4;
	_ =	sdelay $0x1  }
0xa1: {  	s23 =	simm.s32 $0x1B8B  }
0xa2: {  	_ =	swait.ge [sflag:s23], $0x1  }
0xa3: {  	[sflag:s23] =	ssyncset.done $0x0  }
0xa4: {  	s25 =	simm.s32 $0x1B8E;
	s24 =	sld [smem:$0x3FFE];
	[sflag:s23] =	ssyncadd.s32 $0xFFFFFFFF  }
0xa5: {  	s26 =	simm.s32 $execute0_lowered;
	[smem:$0x3FD2] =	sst s25  }
0xa6: {  	s5 =	sshll.u32 s26, $0x1;
	_ =	strace $0x80000046;
	[dreg:$0x1] =	wrdreg $0xFFFFFFFF  }
0xa7: {  	s28 =	simm.s32 $_size_execute0_lowered;
	s3 =	sadd.s32 s3, s5;
	[dreg:$0x0] =	wrdreg $0x0  }
0xa8: {  	s5 =	sshll.u32 s28, $0x1;
	[dreg:$0x2] =	wrdreg s3  }
0xa9: {  	[dreg:$0x3] =	wrdreg s5  }
0xaa: {  	[dreg:$0x4] =	wrdreg $0xC0  }
0xab: {  	_ =	task [dreg:s7], $0x5FFFF  }
0xac: {  	[dreg:$0x1] =	wrdreg $0xFFFFFFFF  }
0xad: {  	[dreg:$0x0] =	wrdreg $0x60  }
0xae: {  	[dreg:$0x2] =	wrdreg s2  }
0xaf: {  	[dreg:$0x3] =	wrdreg s24  }
0xb0: {  	[dreg:$0x4] =	wrdreg $0x9  }
0xb1: {  	_ =	task.clear_ibuf [dreg:s7], $0x5FFFF;
	_ =	strace $0x90000046  }
0xb2: {  	s29 =	simm.s32 $0x9;
	_ =	strace $0x8000004F  }
0xb3: {  	_ =	swait.ge [sflag:s29], $0x1  }
0xb4: {  	[sflag:s29] =	ssyncadd.s32 $0xFFFFFFFF  }
0xb5: {  	_ =	strace $0x9000004F  }
0xb6: {  	_ =	sfence  }
0xb7: {  	s30 =	sld [smem:$0x0];
	_ =	sdelay $0x2  }
0xb8: {  	s31 =	sshll.u32 s1, $0xD;
	s1 =	sshrl.u32 s1, $0x2  }
0xb9: {  	s3 =	sand.u32 $0x4000, s31;
	s1 =	sadd.s32 s1, s30  }
0xba: {  	s0 =	sor.u32 s3, s0;
	s1 =	sshll.u32 s1, $0x11  }
0xbb: {  	s0 =	sor.u32 s1, s0  }
0xbc: {  	s0 =	sadd.s32 $0x8F2B, s0  }
0xbd: {  	[sflag:s0] =	ssyncadd.remote.s32 $0x1  }
0xbe: {  	_ =	sfence.sel $0xFFFF  }
0xbf: {  	[dreg:$0x0] =	wrdreg $0xFFFFFFFF;
	(pc) =	sbr.abs _section_cstart, $3  }
0xc0: {  	[dreg:$0x1] =	wrdreg $0xFFFFFFFF  }
0xc1: {  	_ =	task.clear_ibuf [dreg:s7], $0x2FFFF;
	_ =	strace $0x9FFFFFFF  }
0xc2: {  	(tm) =	ssettm $0x7FFFFFFF  }
0xc3: {  	_ =	shalt  }
tec
execute0_lowered:
.L_overlay_start_1:
0x0: {  	(tag) =	ssettag $0x1  }
0x1: {  	v0 =	vimm.s32 $0x787  }
0x2: {  	vm14 =	vcmask $0x300;
	vm13 =	vcmask $0x704;
	vm12 =	vcmask $0xB08  }
0x3: {  	vm11 =	vcmask $0xF0C;
	vm10 =	vcmask $0x1310;
	vm9 =	vcmask $0x1714  }
0x4: {  	vm8 =	vcmask $0x1B18;
	vm7 =	vcmask $0x1F1C;
	vm6 =	vcmask $0x2320  }
0x5: {  	vm5 =	vcmask $0x2724;
	vm4 =	vcmask $0x2B28;
	v2 =	vimm.s32 $0x780  }
0x6: {  	vm1 =	vcmask $0x2F2C;
	vm0 =	vcmask $0x3330;
	v3 =	vimm.s32 $0xFEDCBA9  }
0x7: {  	v4 =	vimm.s32 $0x87654321;
	vm2 =	vcmask $0x3734;
	vm3 =	vcmask $0x3B38  }
0x8: {  	v42 =	vimm.s32 $0x781;
	v48 =	vimm.s32 $0x10FEDCBA;
	v49 =	vimm.s32 $0x98765432  }
0x9: {  	v60 =	vimm.s32 $0x782;
	v61 =	vimm.s32 $0x210FEDCB;
	v62 =	vimm.s32 $0xA9876543  }
0xa: {  	v14 =	vimm.s32 $0x783;
	v15 =	vimm.s32 $0x3210FEDC;
	v17 =	vimm.s32 $0xBA987654  }
0xb: {  	v18 =	vimm.s32 $0x784;
	v11 =	vimm.s32 $0x43210FED;
	v12 =	vimm.s32 $0xCBA98765  }
0xc: {  	v31 =	vimm.s32 $0x785;
	v32 =	vimm.s32 $0x543210FE;
	v38 =	vimm.s32 $0x6543210F  }
0xd: {  	v39 =	vimm.s32 $0xEDCBA987;
	v44 =	vimm.s32 $0xF80;
	v0 =	vsel vm14, $0x0, v0  }
0xe: {  	v2 =	vsel vm14, $0x1, v2;
	v3 =	vunpack.c.l.s4.s8 v3;
	v4 =	vunpack.c.l.s4.s8 v4  }
0xf: {  	v43 =	vsel vm14, $0x2, v42;
	v16 =	vunpack.c.l.s4.s8 v15;
	v11 =	vunpack.c.l.s4.s8 v11  }
0x10: {  	v12 =	vunpack.c.l.s4.s8 v12;
	v15 =	vimm.s32 $0x786;
	v0 =	vsel vm13, $0x81, v0  }
0x11: {  	v2 =	vsel vm13, $0x82, v2;
	v15 =	vsel vm14, $0x7, v15;
	v0 =	vsel vm12, $0x102, v0  }
0x12: {  	v2 =	vsel vm12, $0x103, v2;
	v11 =	vunpack.c.0.s8.s32 v11;
	v12 =	vunpack.c.0.s8.s32 v12  }
0x13: {  	v15 =	vsel vm13, $0x80, v15;
	v0 =	vsel vm11, $0x183, v0;
	v2 =	vsel vm11, $0x184, v2  }
0x14: {  	v15 =	vsel vm12, $0x101, v15;
	v0 =	vsel vm10, $0x204, v0;
	v6 =	vsel vm10, $0x205, v2  }
0x15: {  	v2 =	vunpack.c.0.s8.s32 v4;
	v4 =	vsel vm13, $0x83, v43;
	v0 =	vsel vm9, $0x285, v0  }
0x16: {  	v19 =	vcombine.low v12, v11;
	v34 =	vsel vm11, $0x182, v15;
	v0 =	vsel vm8, $0x306, v0  }
0x17: {  	v15 =	vunpack.c.l.s4.s8 v38;
	v4 =	vsel vm12, $0x104, v4;
	v1 =	vsel vm7, $0x387, v0  }
0x18: {  	v45 =	vsel vm14, $0x801, v44;
	v4 =	vsel vm11, $0x185, v4;
	v1 =	vsel vm6, $0x400, v1  }
0x19: {  	v35 =	vand.u32 $0xF, v19;
	v15 =	vunpack.c.0.s8.s32 v15;
	v1 =	vsel vm5, $0x481, v1  }
0x1a: {  	v19 =	vimm.s32 $0x76543210;
	v4 =	vsel vm10, $0x206, v4;
	v1 =	vsel vm4, $0x502, v1  }
0x1b: {  	v19 =	vunpack.c.l.s4.s8 v19;
	v50 =	vsel vm9, $0x287, v4;
	v1 =	vsel vm1, $0x583, v1  }
0x1c: {  	v5 =	vsel vm0, $0x604, v1;
	v1 =	vunpack.c.0.s8.s32 v3;
	v3 =	vsel vm9, $0x286, v6  }
0x1d: {  	v6 =	vunpack.c.l.s4.s8 v49;
	v49 =	vcombine.low v11, v12;
	v40 =	vsel vm2, $0x685, v5  }
0x1e: {  	v3 =	vsel vm8, $0x307, v3;
	v5 =	vunpack.c.l.s4.s8 v48;
	v41 =	vcombine.low v2, v1  }
0x1f: {  	v3 =	vsel vm7, $0x380, v3;
	v57 =	vsel vm3, $0x706, v40;
	v51 =	vunpack.c.0.s8.s32 v6  }
0x20: {  	v6 =	vsel vm14, $0x3, v60;
	v1 =	vcombine.low v1, v2;
	v3 =	vsel vm6, $0x401, v3  }
0x21: {  	v2 =	vimm.s32 $0xF87;
	v58 =	vand.u32 $0xF, v49;
	v3 =	vsel vm5, $0x482, v3  }
0x22: {  	v6 =	vsel vm13, $0x84, v6;
	v2 =	vsel vm14, $0x800, v2;
	v3 =	vsel vm4, $0x503, v3  }
0x23: {  	v46 =	vand.u32 $0xF, v41;
	v6 =	vsel vm12, $0x105, v6;
	v3 =	vsel vm1, $0x584, v3  }
0x24: {  	v6 =	vsel vm11, $0x186, v6;
	v7 =	vsel vm0, $0x605, v3;
	v3 =	vunpack.c.0.s8.s32 v5  }
0x25: {  	v41 =	vunpack.c.0.s8.s32 v19;
	v6 =	vsel vm10, $0x207, v6;
	v5 =	vsel vm8, $0x300, v50  }
0x26: {  	v6 =	vsel vm9, $0x280, v6;
	v7 =	vsel vm2, $0x686, v7;
	v8 =	vcombine.low v51, v3  }
0x27: {  	v5 =	vsel vm7, $0x381, v5;
	v6 =	vsel vm8, $0x301, v6;
	v42 =	vsel vm3, $0x707, v7  }
0x28: {  	v7 =	vunpack.c.l.s4.s8 v61;
	v21 =	vand.u32 $0xF, v8;
	v8 =	vunpack.c.l.s4.s8 v62  }
0x29: {  	v5 =	vsel vm6, $0x402, v5;
	v6 =	vsel vm7, $0x382, v6;
	v3 =	vcombine.low v3, v51  }
0x2a: {  	v5 =	vsel vm5, $0x483, v5;
	v63 =	vunpack.c.0.s8.s32 v7;
	v8 =	vunpack.c.0.s8.s32 v8  }
0x2b: {  	v6 =	vsel vm6, $0x403, v6;
	v5 =	vsel vm4, $0x504, v5;
	v7 =	vsel vm14, $0x4, v14  }
0x2c: {  	v6 =	vsel vm5, $0x484, v6;
	v14 =	vimm.s32 $0xDCBA9876;
	v10 =	vcombine.low v8, v63  }
0x2d: {  	v5 =	vsel vm1, $0x585, v5;
	v7 =	vsel vm13, $0x85, v7;
	v6 =	vsel vm4, $0x505, v6  }
0x2e: {  	v14 =	vunpack.c.l.s4.s8 v14;
	v22 =	vand.u32 $0xF, v10;
	v10 =	vsel vm14, $0x5, v18  }
0x2f: {  	v9 =	vsel vm0, $0x606, v5;
	v7 =	vsel vm12, $0x106, v7;
	v10 =	vsel vm13, $0x86, v10  }
0x30: {  	v6 =	vsel vm1, $0x586, v6;
	v9 =	vsel vm2, $0x687, v9;
	v10 =	vsel vm12, $0x107, v10  }
0x31: {  	v7 =	vsel vm11, $0x187, v7;
	v6 =	vsel vm0, $0x607, v6;
	v10 =	vsel vm11, $0x180, v10  }
0x32: {  	v14 =	vunpack.c.0.s8.s32 v14;
	v56 =	vsel vm3, $0x700, v9;
	v10 =	vsel vm10, $0x201, v10  }
0x33: {  	v7 =	vsel vm10, $0x200, v7;
	v6 =	vsel vm2, $0x680, v6;
	v10 =	vsel vm9, $0x282, v10  }
0x34: {  	v9 =	vunpack.c.l.s4.s8 v17;
	v7 =	vsel vm9, $0x281, v7;
	v10 =	vsel vm8, $0x303, v10  }
0x35: {  	v55 =	vsel vm3, $0x701, v6;
	v6 =	vunpack.c.0.s8.s32 v16;
	v10 =	vsel vm7, $0x384, v10  }
0x36: {  	v7 =	vsel vm8, $0x302, v7;
	v9 =	vunpack.c.0.s8.s32 v9;
	v10 =	vsel vm6, $0x405, v10  }
0x37: {  	v7 =	vsel vm7, $0x383, v7;
	v30 =	vsel vm5, $0x486, v10;
	v10 =	vsel vm14, $0x6, v31  }
0x38: {  	v17 =	vimm.s32 $0xFEDCBA98;
	v7 =	vsel vm6, $0x404, v7;
	v10 =	vsel vm13, $0x87, v10  }
0x39: {  	v13 =	vcombine.low v9, v6;
	v7 =	vsel vm5, $0x485, v7;
	v10 =	vsel vm12, $0x100, v10  }
0x3a: {  	v48 =	vcombine.low v63, v8;
	v7 =	vsel vm4, $0x506, v7;
	v10 =	vsel vm11, $0x181, v10  }
0x3b: {  	v27 =	vand.u32 $0xF, v13;
	v13 =	vunpack.c.l.s4.s8 v32;
	v10 =	vsel vm10, $0x202, v10  }
0x3c: {  	v17 =	vunpack.c.l.s4.s8 v17;
	v7 =	vsel vm1, $0x587, v7;
	v10 =	vsel vm9, $0x283, v10  }
0x3d: {  	v7 =	vsel vm0, $0x600, v7;
	v13 =	vunpack.c.0.s8.s32 v13;
	v10 =	vsel vm8, $0x304, v10  }
0x3e: {  	v50 =	vand.u32 $0xF, v48;
	v7 =	vsel vm2, $0x681, v7;
	v10 =	vsel vm7, $0x385, v10  }
0x3f: {  	v16 =	vcombine.low v14, v13;
	v33 =	vsel vm6, $0x406, v10;
	v10 =	vsel vm10, $0x203, v34  }
0x40: {  	v17 =	vunpack.c.0.s8.s32 v17;
	v47 =	vsel vm3, $0x702, v7;
	v10 =	vsel vm9, $0x284, v10  }
0x41: {  	v7 =	vsel vm4, $0x507, v30;
	v36 =	vand.u32 $0xF, v16;
	v10 =	vsel vm8, $0x305, v10  }
0x42: {  	v16 =	vunpack.c.l.s4.s8 v39;
	v7 =	vsel vm1, $0x580, v7;
	v10 =	vsel vm7, $0x386, v10  }
0x43: {  	v43 =	vand.u32 $0xF, v17;
	v7 =	vsel vm0, $0x601, v7;
	v10 =	vsel vm6, $0x407, v10  }
0x44: {  	v16 =	vunpack.c.0.s8.s32 v16;
	v7 =	vsel vm2, $0x682, v7;
	v10 =	vsel vm5, $0x480, v10  }
0x45: {  	v54 =	vsel vm3, $0x703, v7;
	v7 =	vsel vm5, $0x487, v33;
	v10 =	vsel vm4, $0x501, v10  }
0x46: {  	v18 =	vcombine.low v16, v15;
	v7 =	vsel vm4, $0x500, v7;
	v10 =	vsel vm1, $0x582, v10  }
0x47: {  	v51 =	vcombine.low v15, v16;
	v7 =	vsel vm1, $0x581, v7;
	v10 =	vsel vm0, $0x603, v10  }
0x48: {  	v38 =	vand.u32 $0xF, v18;
	v7 =	vsel vm0, $0x602, v7;
	v40 =	vsel vm2, $0x684, v10  }
0x49: {  	v39 =	vsel vm3, $0x705, v40;
	v40 =	vcombine.low v43, v41;
	v41 =	vand.u32 $0xF, v1  }
0x4a: {  	v1 =	vsel vm13, $0x881, v2;
	v2 =	vsel vm13, $0x882, v45;
	v43 =	vand.u32 $0xF, v3  }
0x4b: {  	v3 =	vcombine.low v6, v9;
	v1 =	vsel vm12, $0x902, v1;
	v2 =	vsel vm12, $0x903, v2  }
0x4c: {  	v7 =	vsel vm2, $0x683, v7;
	v1 =	vsel vm11, $0x983, v1;
	v2 =	vsel vm11, $0x984, v2  }
0x4d: {  	v52 =	vand.u32 $0xF, v3;
	v3 =	vcombine.low v13, v14;
	v2 =	vsel vm10, $0xA05, v2  }
0x4e: {  	v37 =	vsel vm3, $0x704, v7;
	v1 =	vsel vm10, $0xA04, v1;
	v2 =	vsel vm9, $0xA86, v2  }
0x4f: {  	v1 =	vsel vm9, $0xA85, v1;
	v3 =	vand.u32 $0xF, v3;
	v2 =	vsel vm8, $0xB07, v2  }
0x50: {  	v1 =	vsel vm8, $0xB06, v1;
	[tilespmem:$0x1FE20] =	vst v3;
	v3 =	vand.u32 $0xF, v51;
	v2 =	vsel vm7, $0xB80, v2  }
0x51: {  	v1 =	vsel vm7, $0xB87, v1;
	[tilespmem:$0x1FE30] =	vst v3;
	v3 =	vimm.s32 $0xF83;
	v2 =	vsel vm6, $0xC01, v2  }
0x52: {  	v1 =	vsel vm6, $0xC00, v1;
	v3 =	vsel vm14, $0x804, v3;
	v2 =	vsel vm5, $0xC82, v2  }
0x53: {  	v1 =	vsel vm5, $0xC81, v1;
	v3 =	vsel vm13, $0x885, v3;
	v2 =	vsel vm4, $0xD03, v2  }
0x54: {  	v1 =	vsel vm4, $0xD02, v1;
	v3 =	vsel vm12, $0x906, v3;
	v2 =	vsel vm1, $0xD84, v2  }
0x55: {  	v1 =	vsel vm1, $0xD83, v1;
	v3 =	vsel vm11, $0x987, v3;
	v2 =	vsel vm0, $0xE05, v2  }
0x56: {  	v1 =	vsel vm0, $0xE04, v1;
	v3 =	vsel vm10, $0xA00, v3;
	v2 =	vsel vm2, $0xE86, v2  }
0x57: {  	v1 =	vsel vm2, $0xE85, v1;
	v59 =	vsel vm3, $0xF07, v2;
	v2 =	vimm.s32 $0xF82  }
0x58: {  	v53 =	vsel vm3, $0xF06, v1;
	v1 =	vimm.s32 $0xF81;
	v2 =	vsel vm14, $0x803, v2  }
0x59: {  	s0 =	rddreg [dreg:$0x0];
	v3 =	vsel vm9, $0xA81, v3;
	v1 =	vsel vm14, $0x802, v1;
	v2 =	vsel vm13, $0x884, v2  }
0x5a: {  	s5 =	rddreg [dreg:$0x1];
	s2 =	simm.s32 $0x0;
	v3 =	vsel vm8, $0xB02, v3;
	v1 =	vsel vm13, $0x883, v1;
	v2 =	vsel vm12, $0x905, v2  }
0x5b: {  	[smem:$0x7FF] =	sst s2;
	v3 =	vsel vm7, $0xB83, v3;
	v1 =	vsel vm12, $0x904, v1;
	v2 =	vsel vm11, $0x986, v2  }
0x5c: {  	s1 =	rddreg [dreg:$0x2];
	_ =	strace $0x80000047;
	[tilespmem:$0x1FEC0] =	vst v27;
	v3 =	vsel vm6, $0xC04, v3;
	v1 =	vsel vm11, $0x985, v1;
	v2 =	vsel vm10, $0xA07, v2  }
0x5d: {  	[tilespmem:$0x1FED0] =	vst v21;
	v3 =	vsel vm5, $0xC85, v3;
	v1 =	vsel vm10, $0xA06, v1;
	v2 =	vsel vm9, $0xA80, v2  }
0x5e: {  	[tilespmem:$0x1FEE0] =	vst v35;
	v3 =	vsel vm4, $0xD06, v3;
	v1 =	vsel vm9, $0xA87, v1;
	v2 =	vsel vm8, $0xB01, v2  }
0x5f: {  	[tilespmem:$0x1FEF0] =	vst v22;
	v3 =	vsel vm1, $0xD87, v3;
	v1 =	vsel vm8, $0xB00, v1;
	v2 =	vsel vm7, $0xB82, v2  }
0x60: {  	[tilespmem:$0x1FF00] =	vst v36;
	v3 =	vsel vm0, $0xE00, v3;
	v1 =	vsel vm7, $0xB81, v1;
	v2 =	vsel vm6, $0xC03, v2  }
0x61: {  	[tilespmem:$0x1FF10] =	vst v37;
	v3 =	vsel vm2, $0xE81, v3;
	v1 =	vsel vm6, $0xC02, v1;
	v2 =	vsel vm5, $0xC84, v2  }
0x62: {  	[tilespmem:$0x1FF20] =	vst v38;
	v62 =	vsel vm3, $0xF02, v3;
	v1 =	vsel vm5, $0xC83, v1;
	v2 =	vsel vm4, $0xD05, v2  }
0x63: {  	[tilespmem:$0x1FF30] =	vst v39;
	v3 =	vimm.s32 $0xF86;
	v1 =	vsel vm4, $0xD04, v1;
	v2 =	vsel vm1, $0xD86, v2  }
0x64: {  	[tilespmem:$0x1FF40] =	vst v40;
	v3 =	vsel vm14, $0x807, v3;
	v1 =	vsel vm1, $0xD85, v1;
	v2 =	vsel vm0, $0xE07, v2  }
0x65: {  	[tilespmem:$0x1FF50] =	vst v41;
	v3 =	vsel vm13, $0x880, v3;
	v1 =	vsel vm0, $0xE06, v1;
	v2 =	vsel vm2, $0xE80, v2  }
0x66: {  	[tilespmem:$0x1FF60] =	vst v57;
	v1 =	vsel vm2, $0xE87, v1;
	v61 =	vsel vm3, $0xF01, v2;
	v2 =	vimm.s32 $0xF85  }
0x67: {  	[tilespmem:$0x1FF70] =	vst v43;
	v60 =	vsel vm3, $0xF00, v1;
	v1 =	vimm.s32 $0xF84;
	v2 =	vsel vm14, $0x806, v2  }
0x68: {  	[tilespmem:$0x1FF80] =	vst v56;
	v3 =	vsel vm12, $0x901, v3;
	v1 =	vsel vm14, $0x805, v1;
	v2 =	vsel vm13, $0x887, v2  }
0x69: {  	[tilespmem:$0x1FF90] =	vst v50;
	v3 =	vsel vm11, $0x982, v3;
	v1 =	vsel vm13, $0x886, v1;
	v2 =	vsel vm12, $0x900, v2  }
0x6a: {  	[tilespmem:$0x1FFA0] =	vst v58;
	v3 =	vsel vm10, $0xA03, v3;
	v1 =	vsel vm12, $0x907, v1;
	v2 =	vsel vm11, $0x981, v2  }
0x6b: {  	[tilespmem:$0x1FFB0] =	vst v52;
	v3 =	vsel vm9, $0xA84, v3;
	v1 =	vsel vm11, $0x980, v1;
	v2 =	vsel vm10, $0xA02, v2  }
0x6c: {  	[tilespmem:$0x1FFC0] =	vst v54;
	v3 =	vsel vm8, $0xB05, v3;
	v1 =	vsel vm10, $0xA01, v1;
	v2 =	vsel vm9, $0xA83, v2  }
0x6d: {  	[tilespmem:$0x1FFD0] =	vst v47;
	v3 =	vsel vm7, $0xB86, v3;
	v1 =	vsel vm9, $0xA82, v1;
	v2 =	vsel vm8, $0xB04, v2  }
0x6e: {  	[tilespmem:$0x1FFE0] =	vst v55;
	v3 =	vsel vm6, $0xC07, v3;
	v1 =	vsel vm8, $0xB03, v1;
	v2 =	vsel vm7, $0xB85, v2  }
0x6f: {  	[tilespmem:$0x1FFF0] =	vst v42;
	v3 =	vsel vm5, $0xC80, v3;
	v1 =	vsel vm7, $0xB84, v1;
	v2 =	vsel vm6, $0xC06, v2  }
0x70: {  	[tilespmem:$0x1FE60] =	vst v53;
	v3 =	vsel vm4, $0xD01, v3;
	v1 =	vsel vm6, $0xC05, v1;
	v2 =	vsel vm5, $0xC87, v2  }
0x71: {  	[tilespmem:$0x1FEB0] =	vst v59;
	v3 =	vsel vm1, $0xD82, v3;
	v1 =	vsel vm5, $0xC86, v1;
	v2 =	vsel vm4, $0xD00, v2  }
0x72: {  	s4 =	srdreg.scid;
	s10 =	simm.s32 $0x80;
	s11 =	simm.s32 $0x5;
	[tilespmem:$0x1FE90] =	vst v62;
	v3 =	vsel vm0, $0xE03, v3;
	v1 =	vsel vm4, $0xD07, v1;
	v2 =	vsel vm1, $0xD81, v2  }
0x73: {  	s12 =	simm.s32 $0x0;
	s3 =	sadd.s32 $0x400, s5;
	s6 =	sand.u32 $0x1, s4;
	[tilespmem:$0x1FE40] =	vst v61;
	v3 =	vsel vm2, $0xE84, v3;
	v1 =	vsel vm1, $0xD80, v1;
	v2 =	vsel vm0, $0xE02, v2  }
0x74: {  	s4 =	stileid.u32;
	s7 =	ssub.s32 $0x2, s6;
	s6 =	sshll.u32 s6, $0x4;
	[tilespmem:$0x1FEA0] =	vst v60;
	v3 =	vsel vm3, $0xF05, v3;
	v1 =	vsel vm0, $0xE01, v1;
	v2 =	vsel vm2, $0xE83, v2  }
0x75: {  	s5 =	sadd.s32 $0x64400, s5;
	s8 =	sshrl.u32 s7, $0x1;
	s9 =	sor.u32 s4, s6;
	[tilespmem:$0x1FE80] =	vst v3;
	v1 =	vsel vm2, $0xE82, v1;
	v2 =	vsel vm3, $0xF04, v2  }
0x76: {  	s8 =	ssub.s32 s7, s8;
	s6 =	sshll.u32 s9, $0x2;
	s31 =	sshll.u32 s9, $0x6;
	v0 =	vlaneseq.u32;
	v63 =	vsel vm3, $0xF03, v1;
	[tilespmem:$0x1FE50] =	vst v2  }
0x77: {  	s9 =	simm.s32 $0x1000;
	s7 =	sadd.s32 s3, s31;
	s8 =	smax.u32 s8, $0x1;
	v24 =	vor.u32 $0x10, v0;
	[tilespmem:$0x1FE70] =	vst v63  }
.LBB2_1:
0x78: {  	_ =	strace $0x80000048;
	s14 =	simm.s32 $0x0;
	s20 =	simm.s32 $0x0  }
0x79: {  	s13 =	simm.s32 $0x0;
	s15 =	simm.s32 $0x0;
	s16 =	simm.s32 $0x0  }
0x7a: {  	[tilespmem:s9], [sflag:$0x1] =	stream.linear.gather [hbm4b:s7+s2], $0x80, $0x200038;
	[tilespmem:$0x3100] =	vst v63  }
0x7b: {  	s17 =	simm.s32 $0x1;
	s18 =	simm.s32 $0x0;
	_ =	strace $0x90000048  }
.LBB2_2:
0x7c: {  	s23 =	smov.u32 s14;
	s14 =	sadd.s32 $0x1, s14  }
0x7d: {  	s19 =	simm.s32 $0x1;
	p0 =	seq.s32 s14, $0x4  }
0x7e: {  	s19 =	simm.s32 @!p0 $0x0  }
0x7f: {  	s19 =	sadd.s32 s19, s20  }
0x80: {  	p1 =	seq.s32 s19, $0xC8  }
0x81: {  	s14 =	simm.s32 @p0 $0x0;
	s19 =	simm.s32 @p1 $0x0  }
0x82: {  	p5 =	sne.s32 s23, s14;
	p4 =	sne.s32 s20, s19  }
0x83: {  	p6 =	sne.s32 s18, $0x31F;
	p1 =	por p5, p4  }
0x84: {  	p0 =	por !p6, !p1  }
0x85: {  	p0 =	por !p0, !p0  }
0x86: {  	s21 =	sadd.s32 @p0 s6, s14  }
0x87: {  	s22 =	sshll.u32 @p0 s19, $0xE;
	s21 =	sshll.u32 @p0 s21, $0x7  }
0x88: {  	s24 =	sand.u32 @p0 $0x1, s17;
	_ =	strace @p0 $0x80000049;
	s21 =	sadd.s32 @p0 s21, s22  }
0x89: {  	s25 =	simm.s32 @p0 $0x0;
	s22 =	sshll.u32 @p0 s24, $0x7;
	s21 =	sshrl.u32 @p0 s21, $0x3  }
0x8a: {  	s24 =	sadd.s32 @p0 $0x1, s24;
	s22 =	sor.u32 @p0 $0x1000, s22;
	s21 =	sadd.s32 @p0 s3, s21  }
0x8b: {  	[tilespmem:s22], [sflag:s24] =	stream.linear.gather @p0 [hbm4b:s21+s25], $0x80, $0x200038;
	[tilespmem:$0x3100] =	vst v63  }
0x8c: {  	s26 =	sand.u32 $0x1, s16;
	_ =	strace @p0 $0x90000049  }
0x8d: {  	s21 =	sadd.s32 $0x1, s26;
	_ =	strace $0x8000004A  }
0x8e: {  	_ =	swait.ge [sflag:s21], $0x80  }
0x8f: {  	s28 =	simm.s32 $0x0;
	[sflag:s21] =	ssyncset.done $0x0  }
0x90: {  	s29 =	sshll.u32 s16, $0x7;
	s30 =	simm.s32 $0x10;
	v1 =	vor.u32 s28, v0;
	[sflag:s21] =	ssyncadd.s32 $0xFFFFFF80  }
0x91: {  	v2 =	vor.u32 s30, v0;
	v53 =	vshll.u32 v1, $0x5;
	s21 =	sand.u32 $0x80, s29;
	_ =	strace $0x9000004A  }
0x92: {  	v34 =	vshll.u32 v2, $0x5;
	v3 =	vor.u32 v0, v53;
	s21 =	sor.u32 $0x1000, s21;
	_ =	strace $0x8000004B  }
0x93: {  	v4 =	vor.u32 v0, v34;
	[tilespmem:s28], [sflag:$0x5] =	stream.indirect.gather [hbm4b:s0+s10], $0x20, s21, s10, $0x2000b8;
	[tilespmem:$0x3100] =	vst v63  }
0x94: {  	_ =	swait.ge [sflag:s11], $0x1000  }
0x95: {  	v5 =	vor.u32 s28, v46;
	[sflag:s11] =	ssyncset.done $0x0  }
0x96: {  	v9 =	vand.u32 $0x68, v1;
	v20 =	vshll.u32 v5, $0x5;
	[sflag:s11] =	ssyncadd.s32 $0xFFFFF000  }
0x97: {  	v15 =	vand.u32 $0x78, v2;
	v2 =	vor.u32 s30, v46;
	v1 =	vld.idx.msk [tilespmem:v3+s2+$0x0], $0xffff;
	v3 =	vor.u32 v57, v9  }
0x98: {  	v6 =	vor.u32 v0, v20;
	v7 =	vor.u32 v57, v15;
	v30 =	vshll.u32 v2, $0x5;
	v4 =	vld.idx.msk [tilespmem:v4+s2+$0x0], $0xffff  }
0x99: {  	v8 =	vor.u32 v0, v30;
	s22 =	sand.u32 $0x1, s15  }
0x9a: {  	s31 =	sshll.u32 s22, $0xC  }
0x9b: {  	v10 =	vor.u32 s28, v21;
	s21 =	sadd.s32 $0x1100, s31  }
0x9c: {  	v25 =	vand.u32 $0x68, v5;
	v23 =	vshll.u32 v10, $0x5;
	[tilespmem:v3+s21+$0x0] =	vst.idx.msk $0xffff, v1  }
0x9d: {  	v28 =	vand.u32 $0x78, v2;
	v2 =	vor.u32 s30, v21;
	[tilespmem:v7+s21+$0x0] =	vst.idx.msk $0xffff, v4;
	v3 =	vor.u32 v42, v25;
	v1 =	vld.idx.msk [tilespmem:v6+s2+$0x0], $0xffff  }
0x9e: {  	v5 =	vor.u32 v0, v23;
	v32 =	vshll.u32 v2, $0x5;
	v4 =	vld.idx.msk [tilespmem:v8+s2+$0x0], $0xffff;
	v6 =	vor.u32 v42, v28  }
0x9f: {  	v8 =	vor.u32 v0, v32;
	_ =	sdelay $0x1  }
0xa0: {  	v11 =	vor.u32 s28, v22  }
0xa1: {  	v18 =	vshll.u32 v11, $0x5;
	v7 =	vand.u32 $0x68, v10;
	[tilespmem:v3+s21+$0x0] =	vst.idx.msk $0xffff, v1  }
0xa2: {  	v26 =	vand.u32 $0x78, v2;
	v2 =	vor.u32 s30, v22;
	[tilespmem:v6+s21+$0x0] =	vst.idx.msk $0xffff, v4;
	v3 =	vor.u32 v56, v7;
	v1 =	vld.idx.msk [tilespmem:v5+s2+$0x0], $0xffff  }
0xa3: {  	v31 =	vshll.u32 v2, $0x5;
	v6 =	vor.u32 v56, v26;
	v4 =	vld.idx.msk [tilespmem:v8+s2+$0x0], $0xffff;
	v5 =	vor.u32 v0, v18  }
0xa4: {  	v8 =	vor.u32 v0, v31;
	_ =	sdelay $0x1  }
0xa5: {  	v10 =	vor.u32 s28, v27  }
0xa6: {  	v12 =	vshll.u32 v10, $0x5;
	[tilespmem:v3+s21+$0x0] =	vst.idx.msk $0xffff, v1;
	v1 =	vand.u32 $0x68, v11  }
0xa7: {  	[tilespmem:v6+s21+$0x0] =	vst.idx.msk $0xffff, v4;
	v11 =	vand.u32 $0x78, v2;
	v2 =	vor.u32 s30, v27;
	v3 =	vld.idx.msk [tilespmem:v5+s2+$0x0], $0xffff;
	v4 =	vor.u32 v55, v1  }
0xa8: {  	v6 =	vor.u32 v0, v12;
	v5 =	vld.idx.msk [tilespmem:v8+s2+$0x0], $0xffff;
	v8 =	vor.u32 v55, v11;
	v29 =	vshll.u32 v2, $0x5  }
0xa9: {  	v13 =	vor.u32 v0, v29;
	_ =	sdelay $0x1  }
0xaa: {  	v14 =	vor.u32 s28, v35  }
0xab: {  	v19 =	vand.u32 $0x68, v10;
	[tilespmem:v4+s21+$0x0] =	vst.idx.msk $0xffff, v3;
	v4 =	vshll.u32 v14, $0x5  }
0xac: {  	[tilespmem:v8+s21+$0x0] =	vst.idx.msk $0xffff, v5;
	v5 =	vor.u32 v47, v19;
	v3 =	vand.u32 $0x78, v2;
	v2 =	vor.u32 s30, v35;
	v6 =	vld.idx.msk [tilespmem:v6+s2+$0x0], $0xffff  }
0xad: {  	v8 =	vld.idx.msk [tilespmem:v13+s2+$0x0], $0xffff;
	v10 =	vor.u32 v0, v4;
	v13 =	vor.u32 v47, v3;
	v27 =	vshll.u32 v2, $0x5  }
0xae: {  	v16 =	vor.u32 v0, v27;
	_ =	sdelay $0x1  }
0xaf: {  	v17 =	vor.u32 s28, v36;
	[tilespmem:$0x1FC20] =	vst v4  }
0xb0: {  	v14 =	vand.u32 $0x68, v14;
	v4 =	vshll.u32 v17, $0x5;
	[tilespmem:v5+s21+$0x0] =	vst.idx.msk $0xffff, v6  }
0xb1: {  	v21 =	vand.u32 $0x78, v2;
	v2 =	vor.u32 s30, v36;
	[tilespmem:v13+s21+$0x0] =	vst.idx.msk $0xffff, v8;
	v6 =	vor.u32 v54, v14;
	v5 =	vld.idx.msk [tilespmem:v10+s2+$0x0], $0xffff  }
0xb2: {  	v13 =	vshll.u32 v2, $0x5;
	v8 =	vld.idx.msk [tilespmem:v16+s2+$0x0], $0xffff;
	v10 =	vor.u32 v0, v4;
	v16 =	vor.u32 v54, v21  }
0xb3: {  	v22 =	vor.u32 v0, v13;
	_ =	sdelay $0x1  }
0xb4: {  	[tilespmem:$0x1FC30] =	vst v4  }
0xb5: {  	[tilespmem:v6+s21+$0x0] =	vst.idx.msk $0xffff, v5;
	v6 =	vand.u32 $0x68, v17  }
0xb6: {  	v59 =	vor.u32 s28, v38;
	[tilespmem:v16+s21+$0x0] =	vst.idx.msk $0xffff, v8;
	v16 =	vand.u32 $0x78, v2;
	v10 =	vld.idx.msk [tilespmem:v10+s2+$0x0], $0xffff;
	v8 =	vor.u32 v37, v6  }
0xb7: {  	v4 =	vshll.u32 v59, $0x5;
	v2 =	vor.u32 s30, v38;
	v17 =	vld.idx.msk [tilespmem:v22+s2+$0x0], $0xffff;
	v60 =	vor.u32 v37, v16  }
0xb8: {  	v22 =	vor.u32 v0, v4;
	v5 =	vshll.u32 v2, $0x5  }
0xb9: {  	v61 =	vor.u32 v0, v5  }
0xba: {  	[tilespmem:$0x1FC40] =	vst v4  }
0xbb: {  	[tilespmem:v8+s21+$0x0] =	vst.idx.msk $0xffff, v10  }
0xbc: {  	v4 =	vand.u32 $0x68, v59;
	[tilespmem:v60+s21+$0x0] =	vst.idx.msk $0xffff, v17  }
0xbd: {  	v62 =	vor.u32 s28, v40;
	v17 =	vor.u32 v39, v4;
	v8 =	vand.u32 $0x78, v2;
	v10 =	vld.idx.msk [tilespmem:v22+s2+$0x0], $0xffff;
	[tilespmem:$0x1FC50] =	vst v4  }
0xbe: {  	v59 =	vshll.u32 v62, $0x5;
	v2 =	vor.u32 s30, v40;
	v44 =	vor.u32 v39, v8;
	v63 =	vld.idx.msk [tilespmem:v61+s2+$0x0], $0xffff  }
0xbf: {  	v33 =	vor.u32 v0, v59;
	v22 =	vshll.u32 v2, $0x5  }
0xc0: {  	v45 =	vor.u32 v0, v22;
	_ =	sdelay $0x1  }
0xc1: {  	[tilespmem:v17+s21+$0x0] =	vst.idx.msk $0xffff, v10  }
0xc2: {  	v17 =	vand.u32 $0x68, v62;
	[tilespmem:v44+s21+$0x0] =	vst.idx.msk $0xffff, v63  }
0xc3: {  	v48 =	vor.u32 s28, v41;
	v10 =	vld.idx.msk [tilespmem:v33+s2+$0x0], $0xffff;
	v60 =	vor.u32 v57, v17;
	[tilespmem:$0x1FC60] =	vst v17;
	v17 =	vand.u32 $0x78, v2  }
0xc4: {  	v4 =	vshll.u32 v48, $0x5;
	v2 =	vor.u32 s30, v41;
	v61 =	vld.idx.msk [tilespmem:v45+s2+$0x0], $0xffff;
	v63 =	vor.u32 v57, v17  }
0xc5: {  	v62 =	vor.u32 v0, v4;
	[tilespmem:$0x1FC80] =	vst v17;
	v17 =	vshll.u32 v2, $0x5  }
0xc6: {  	v44 =	vor.u32 v0, v17  }
0xc7: {  	[tilespmem:$0x1FC70] =	vst v4  }
0xc8: {  	[tilespmem:v60+s21+$0x0] =	vst.idx.msk $0xffff, v10  }
0xc9: {  	v10 =	vand.u32 $0x68, v48;
	[tilespmem:v63+s21+$0x0] =	vst.idx.msk $0xffff, v61  }
0xca: {  	v45 =	vor.u32 s28, v43;
	v35 =	vld.idx.msk [tilespmem:v62+s2+$0x0], $0xffff;
	v48 =	vor.u32 v42, v10;
	[tilespmem:$0x1FC90] =	vst v10;
	v10 =	vand.u32 $0x78, v2  }
0xcb: {  	v4 =	vshll.u32 v45, $0x5;
	v2 =	vor.u32 s30, v43;
	v57 =	vld.idx.msk [tilespmem:v44+s2+$0x0], $0xffff;
	v61 =	vor.u32 v42, v10  }
0xcc: {  	v60 =	vor.u32 v0, v4;
	[tilespmem:$0x1FCB0] =	vst v10;
	v10 =	vshll.u32 v2, $0x5  }
0xcd: {  	v62 =	vor.u32 v0, v10  }
0xce: {  	[tilespmem:$0x1FCA0] =	vst v4  }
0xcf: {  	[tilespmem:v48+s21+$0x0] =	vst.idx.msk $0xffff, v35  }
0xd0: {  	v33 =	vand.u32 $0x68, v45;
	[tilespmem:v61+s21+$0x0] =	vst.idx.msk $0xffff, v57  }
0xd1: {  	v63 =	vor.u32 s28, v50;
	v2 =	vand.u32 $0x78, v2;
	v35 =	vld.idx.msk [tilespmem:v60+s2+$0x0], $0xffff;
	[tilespmem:$0x1FCC0] =	vst v33;
	v33 =	vor.u32 v56, v33  }
0xd2: {  	v4 =	vshll.u32 v63, $0x5;
	v48 =	vor.u32 s30, v50;
	v60 =	vor.u32 v56, v2;
	v50 =	vld.idx.msk [tilespmem:v62+s2+$0x0], $0xffff  }
0xd3: {  	v57 =	vor.u32 v0, v4;
	[tilespmem:$0x1FCE0] =	vst v2;
	v2 =	vshll.u32 v48, $0x5  }
0xd4: {  	[tilespmem:$0x1FCD0] =	vst v4;
	v61 =	vor.u32 v0, v2  }
0xd5: {  	[tilespmem:$0x1FCF0] =	vst v2  }
0xd6: {  	[tilespmem:v33+s21+$0x0] =	vst.idx.msk $0xffff, v35  }
0xd7: {  	v4 =	vand.u32 $0x68, v63;
	[tilespmem:v60+s21+$0x0] =	vst.idx.msk $0xffff, v50  }
0xd8: {  	v44 =	vor.u32 s28, v52;
	v62 =	vor.u32 v55, v4;
	v35 =	vld.idx.msk [tilespmem:v57+s2+$0x0], $0xffff;
	[tilespmem:$0x1FD00] =	vst v4;
	v4 =	vand.u32 $0x78, v48  }
0xd9: {  	v63 =	vor.u32 s30, v52;
	v2 =	vshll.u32 v44, $0x5;
	v38 =	vld.idx.msk [tilespmem:v61+s2+$0x0], $0xffff;
	v52 =	vor.u32 v55, v4  }
0xda: {  	v45 =	vor.u32 v0, v2;
	[tilespmem:$0x1FD10] =	vst v2;
	v2 =	vshll.u32 v63, $0x5  }
0xdb: {  	[tilespmem:$0x1FD20] =	vst v4;
	v55 =	vor.u32 v0, v2  }
0xdc: {  	[tilespmem:$0x1FD30] =	vst v2  }
0xdd: {  	[tilespmem:v62+s21+$0x0] =	vst.idx.msk $0xffff, v35  }
0xde: {  	v4 =	vand.u32 $0x68, v44;
	[tilespmem:v52+s21+$0x0] =	vst.idx.msk $0xffff, v38  }
0xdf: {  	v56 =	vor.u32 s28, v58;
	v57 =	vor.u32 v47, v4;
	v35 =	vld.idx.msk [tilespmem:v45+s2+$0x0], $0xffff;
	[tilespmem:$0x1FD40] =	vst v4;
	v4 =	vand.u32 $0x78, v63  }
0xe0: {  	v60 =	vor.u32 s30, v58;
	v2 =	vshll.u32 v56, $0x5;
	v38 =	vld.idx.msk [tilespmem:v55+s2+$0x0], $0xffff;
	v62 =	vor.u32 v47, v4  }
0xe1: {  	v61 =	vor.u32 v0, v2;
	v45 =	vld [tilespmem:$0x1FE20];
	[tilespmem:$0x1FD50] =	vst v2;
	v2 =	vshll.u32 v60, $0x5  }
0xe2: {  	[tilespmem:$0x1FD60] =	vst v4;
	v63 =	vor.u32 v0, v2  }
0xe3: {  	[tilespmem:$0x1FD70] =	vst v2  }
0xe4: {  	[tilespmem:v57+s21+$0x0] =	vst.idx.msk $0xffff, v35  }
0xe5: {  	v4 =	vand.u32 $0x68, v56;
	[tilespmem:v62+s21+$0x0] =	vst.idx.msk $0xffff, v38  }
0xe6: {  	v48 =	vor.u32 v54, v4;
	v35 =	vld.idx.msk [tilespmem:v61+s2+$0x0], $0xffff;
	v47 =	vor.u32 s28, v45;
	[tilespmem:$0x1FD80] =	vst v4;
	v4 =	vand.u32 $0x78, v60  }
0xe7: {  	v2 =	vshll.u32 v47, $0x5;
	v38 =	vld.idx.msk [tilespmem:v63+s2+$0x0], $0xffff;
	v55 =	vor.u32 v54, v4  }
0xe8: {  	v50 =	vor.u32 s30, v45;
	[tilespmem:$0x1FD90] =	vst v2  }
0xe9: {  	v52 =	vor.u32 v0, v2;
	[tilespmem:$0x1FDA0] =	vst v4;
	v2 =	vshll.u32 v50, $0x5  }
0xea: {  	[tilespmem:$0x1FDB0] =	vst v2  }
0xeb: {  	[tilespmem:v48+s21+$0x0] =	vst.idx.msk $0xffff, v35  }
0xec: {  	[tilespmem:v55+s21+$0x0] =	vst.idx.msk $0xffff, v38  }
0xed: {  	v38 =	vld [tilespmem:$0x1FE30];
	_ =	sdelay $0x1  }
0xee: {  	v56 =	vor.u32 v0, v2;
	_ =	sdelay $0x2  }
0xef: {  	v49 =	vmovc v37;
	v4 =	vand.u32 $0x78, v50;
	v2 =	vand.u32 $0x68, v47;
	v57 =	vor.u32 s28, v38  }
0xf0: {  	v58 =	vor.u32 v49, v2;
	v35 =	vld.idx.msk [tilespmem:v52+s2+$0x0], $0xffff;
	[tilespmem:$0x1FDC0] =	vst v2;
	v38 =	vor.u32 s30, v38;
	v2 =	vshll.u32 v57, $0x5  }
0xf1: {  	v61 =	vor.u32 v49, v4;
	v60 =	vld.idx.msk [tilespmem:v56+s2+$0x0], $0xffff;
	[tilespmem:$0x1FDE0] =	vst v2;
	v62 =	vor.u32 v0, v2;
	v2 =	vshll.u32 v38, $0x5  }
0xf2: {  	v63 =	vor.u32 v0, v2  }
0xf3: {  	[tilespmem:$0x1FDD0] =	vst v4  }
0xf4: {  	[tilespmem:$0x1FDF0] =	vst v2  }
0xf5: {  	[tilespmem:v58+s21+$0x0] =	vst.idx.msk $0xffff, v35  }
0xf6: {  	v51 =	vmov v39;
	v2 =	vand.u32 $0x68, v57;
	[tilespmem:v61+s21+$0x0] =	vst.idx.msk $0xffff, v60;
	v35 =	vld.idx.msk [tilespmem:v62+s2+$0x0], $0xffff  }
0xf7: {  	s24 =	simm.s32 $0x20;
	v36 =	vor.u32 v24, v34;
	v37 =	vor.u32 v24, v53;
	v4 =	vand.u32 $0x78, v38;
	v38 =	vld.idx.msk [tilespmem:v63+s2+$0x0], $0xffff;
	[tilespmem:$0x1FE00] =	vst v2  }
0xf8: {  	s23 =	sadd.s32 s6, s23;
	s25 =	simm.s32 $0x30;
	s26 =	simm.s32 $0x40;
	v41 =	vor.u32 s24, v0;
	v40 =	vor.u32 v51, v4;
	v39 =	vor.u32 v51, v2;
	[tilespmem:$0x1FE10] =	vst v4  }
.LBB2_3:
0xf9: {  	v51 =	vld [tilespmem:$0x1FE60];
	_ =	sdelay $0x2  }
0xfa: {  	v33 =	vshll.u32 v41, $0x5  }
0xfb: {  	v43 =	vor.u32 v0, v33;
	[tilespmem:v39+s21+$0x0] =	vst.idx.msk $0xffff, v35  }
0xfc: {  	v37 =	vld.idx.msk [tilespmem:v37+s2+$0x0], $0xffff;
	v56 =	vor.u32 v51, v9;
	_ =	sdelay $0x2  }
0xfd: {  	v60 =	vld [tilespmem:$0x1FF60]  }
0xfe: {  	v42 =	vor.u32 s25, v0;
	v43 =	vld.idx.msk [tilespmem:v43+s2+$0x0], $0xffff  }
0xff: {  	v57 =	vor.u32 v24, v20;
	v34 =	vshll.u32 v42, $0x5;
	[tilespmem:v56+s21+$0x0] =	vst.idx.msk $0xffff, v37;
	v56 =	vld [tilespmem:$0x1FEB0]  }
0x100: {  	v55 =	vor.u32 v0, v34  }
0x101: {  	[tilespmem:v40+s21+$0x0] =	vst.idx.msk $0xffff, v38  }
0x102: {  	v44 =	vor.u32 s24, v46;
	v36 =	vld.idx.msk [tilespmem:v36+s2+$0x0], $0xffff;
	v58 =	vor.u32 v51, v15;
	v9 =	vand.u32 $0x68, v41  }
0x103: {  	v45 =	vor.u32 v24, v30;
	v20 =	vshll.u32 v44, $0x5;
	v41 =	vor.u32 v60, v9  }
0x104: {  	v63 =	vor.u32 v0, v20;
	v38 =	vld.idx.msk [tilespmem:v57+s2+$0x0], $0xffff;
	v53 =	vor.u32 v56, v25  }
0x105: {  	v35 =	vld.idx.msk [tilespmem:v55+s2+$0x0], $0xffff;
	v55 =	vor.u32 v24, v23  }
0x106: {  	v49 =	vld [tilespmem:$0x1FED0];
	v15 =	vand.u32 $0x78, v42;
	v42 =	vor.u32 s25, v46  }
0x107: {  	v4 =	vld [tilespmem:$0x1FFF0];
	v47 =	vor.u32 v60, v15;
	v30 =	vshll.u32 v42, $0x5;
	[tilespmem:v58+s21+$0x0] =	vst.idx.msk $0xffff, v36  }
0x108: {  	v52 =	vor.u32 v0, v30;
	v54 =	vld.idx.msk [tilespmem:v45+s2+$0x0], $0xffff;
	[tilespmem:v41+s21+$0x0] =	vst.idx.msk $0xffff, v43  }
0x109: {  	v48 =	vmov v46;
	v46 =	vld.idx.msk [tilespmem:v63+s2+$0x0], $0xffff;
	v58 =	vor.u32 v56, v28;
	[tilespmem:v53+s21+$0x0] =	vst.idx.msk $0xffff, v38  }
0x10a: {  	v61 =	vor.u32 v24, v32;
	v38 =	vld.idx.msk [tilespmem:v55+s2+$0x0], $0xffff  }
0x10b: {  	v55 =	vld [tilespmem:$0x1FEA0]  }
0x10c: {  	v41 =	vor.u32 s24, v49;
	[tilespmem:v47+s21+$0x0] =	vst.idx.msk $0xffff, v35  }
0x10d: {  	v23 =	vshll.u32 v41, $0x5;
	v37 =	vld.idx.msk [tilespmem:v52+s2+$0x0], $0xffff;
	v25 =	vand.u32 $0x68, v44  }
0x10e: {  	v28 =	vand.u32 $0x78, v42;
	v42 =	vor.u32 s25, v49;
	v62 =	vor.u32 v4, v25;
	[tilespmem:v58+s21+$0x0] =	vst.idx.msk $0xffff, v54;
	v53 =	vld [tilespmem:$0x1FEF0]  }
0x10f: {  	v63 =	vor.u32 v0, v23;
	v57 =	vor.u32 v4, v28;
	v32 =	vshll.u32 v42, $0x5;
	v40 =	vld.idx.msk [tilespmem:v61+s2+$0x0], $0xffff  }
0x110: {  	v36 =	vor.u32 v0, v32;
	v61 =	vld [tilespmem:$0x1FF80];
	v58 =	vor.u32 v55, v7  }
0x111: {  	v52 =	vor.u32 v55, v26  }
0x112: {  	v49 =	vld [tilespmem:$0x1FE40];
	v54 =	vor.u32 v24, v31  }
0x113: {  	v43 =	vor.u32 v24, v18;
	[tilespmem:v62+s21+$0x0] =	vst.idx.msk $0xffff, v46  }
0x114: {  	[tilespmem:v57+s21+$0x0] =	vst.idx.msk $0xffff, v37;
	v44 =	vld.idx.msk [tilespmem:v63+s2+$0x0], $0xffff;
	v7 =	vand.u32 $0x68, v41;
	v26 =	vand.u32 $0x78, v42;
	v41 =	vor.u32 s25, v53  }
0x115: {  	v36 =	vld.idx.msk [tilespmem:v36+s2+$0x0], $0xffff;
	v63 =	vor.u32 v61, v26;
	v31 =	vshll.u32 v41, $0x5;
	[tilespmem:v58+s21+$0x0] =	vst.idx.msk $0xffff, v38  }
0x116: {  	v58 =	vor.u32 v0, v31;
	[tilespmem:v52+s21+$0x0] =	vst.idx.msk $0xffff, v40  }
0x117: {  	v52 =	vld.idx.msk [tilespmem:v54+s2+$0x0], $0xffff;
	v54 =	vor.u32 v49, v11  }
0x118: {  	v50 =	vld [tilespmem:$0x1FEC0]  }
0x119: {  	v35 =	vor.u32 s24, v53;
	v39 =	vld.idx.msk [tilespmem:v43+s2+$0x0], $0xffff  }
0x11a: {  	v18 =	vshll.u32 v35, $0x5;
	v57 =	vor.u32 v61, v7;
	[tilespmem:v63+s21+$0x0] =	vst.idx.msk $0xffff, v36;
	v63 =	vld [tilespmem:$0x1FFE0]  }
0x11b: {  	v62 =	vor.u32 v0, v18;
	v40 =	vor.u32 v49, v1;
	v36 =	vld.idx.msk [tilespmem:v58+s2+$0x0], $0xffff  }
0x11c: {  	v53 =	vor.u32 v24, v12;
	[tilespmem:v54+s21+$0x0] =	vst.idx.msk $0xffff, v52;
	v54 =	vld [tilespmem:$0x1FE90]  }
0x11d: {  	v2 =	vld [tilespmem:$0x1FC20];
	_ =	sdelay $0x1  }
0x11e: {  	v37 =	vor.u32 s24, v50;
	v1 =	vand.u32 $0x68, v35;
	[tilespmem:v57+s21+$0x0] =	vst.idx.msk $0xffff, v44;
	v57 =	vor.u32 v24, v29  }
0x11f: {  	v12 =	vshll.u32 v37, $0x5;
	v42 =	vld.idx.msk [tilespmem:v62+s2+$0x0], $0xffff;
	v35 =	vor.u32 v63, v1;
	[tilespmem:v40+s21+$0x0] =	vst.idx.msk $0xffff, v39  }
0x120: {  	v11 =	vand.u32 $0x78, v41;
	v41 =	vor.u32 v0, v12;
	v40 =	vld.idx.msk [tilespmem:v53+s2+$0x0], $0xffff;
	v43 =	vor.u32 v54, v19  }
0x121: {  	v38 =	vor.u32 s25, v50;
	v58 =	vor.u32 v63, v11;
	v52 =	vor.u32 v24, v2;
	v2 =	vld [tilespmem:$0x1FFD0]  }
0x122: {  	v29 =	vshll.u32 v38, $0x5  }
0x123: {  	v62 =	vor.u32 v0, v29;
	v44 =	vld.idx.msk [tilespmem:v57+s2+$0x0], $0xffff  }
0x124: {  	v57 =	vld [tilespmem:$0x1FEE0];
	v53 =	vor.u32 v54, v3;
	[tilespmem:v35+s21+$0x0] =	vst.idx.msk $0xffff, v42  }
0x125: {  	v42 =	vor.u32 v24, v27;
	v19 =	vand.u32 $0x68, v37;
	v41 =	vld.idx.msk [tilespmem:v41+s2+$0x0], $0xffff;
	[tilespmem:v43+s21+$0x0] =	vst.idx.msk $0xffff, v40  }
0x126: {  	[tilespmem:v58+s21+$0x0] =	vst.idx.msk $0xffff, v36;
	v58 =	vor.u32 v2, v19;
	v43 =	vld.idx.msk [tilespmem:v52+s2+$0x0], $0xffff  }
0x127: {  	v3 =	vand.u32 $0x78, v38;
	v52 =	vld [tilespmem:$0x1FE70]  }
0x128: {  	v37 =	vld.idx.msk [tilespmem:v62+s2+$0x0], $0xffff;
	v62 =	vor.u32 v2, v3  }
0x129: {  	[tilespmem:v53+s21+$0x0] =	vst.idx.msk $0xffff, v44  }
0x12a: {  	v35 =	vor.u32 s24, v57;
	v42 =	vld.idx.msk [tilespmem:v42+s2+$0x0], $0xffff  }
0x12b: {  	v27 =	vshll.u32 v35, $0x5;
	[tilespmem:v58+s21+$0x0] =	vst.idx.msk $0xffff, v41;
	v58 =	vld [tilespmem:$0x1FF00]  }
0x12c: {  	v38 =	vor.u32 s25, v57;
	[tilespmem:$0x1FC20] =	vst v27;
	v44 =	vor.u32 v52, v14;
	v14 =	vld [tilespmem:$0x1FC30]  }
0x12d: {  	v39 =	vor.u32 v0, v27;
	v27 =	vshll.u32 v38, $0x5;
	[tilespmem:v62+s21+$0x0] =	vst.idx.msk $0xffff, v37;
	v62 =	vld [tilespmem:$0x1FFC0]  }
0x12e: {  	v57 =	vor.u32 v0, v27  }
0x12f: {  	v50 =	vld [tilespmem:$0x1FE50];
	v46 =	vor.u32 v52, v21  }
0x130: {  	v53 =	vor.u32 v24, v13  }
0x131: {  	v36 =	vor.u32 s24, v58;
	v45 =	vor.u32 v24, v14;
	v14 =	vand.u32 $0x68, v35  }
0x132: {  	v39 =	vld.idx.msk [tilespmem:v39+s2+$0x0], $0xffff;
	v13 =	vshll.u32 v36, $0x5;
	v35 =	vor.u32 v62, v14  }
0x133: {  	v37 =	vld.idx.msk [tilespmem:v57+s2+$0x0], $0xffff;
	v57 =	vor.u32 v0, v13  }
0x134: {  	[tilespmem:v46+s21+$0x0] =	vst.idx.msk $0xffff, v42;
	v42 =	vor.u32 v50, v6;
	v6 =	vld [tilespmem:$0x1FC40]  }
0x135: {  	[tilespmem:$0x1FC30] =	vst v13;
	v41 =	vld.idx.msk [tilespmem:v53+s2+$0x0], $0xffff  }
0x136: {  	v21 =	vand.u32 $0x78, v38;
	v38 =	vor.u32 s25, v58;
	[tilespmem:v44+s21+$0x0] =	vst.idx.msk $0xffff, v43;
	v53 =	vld [tilespmem:$0x1FF20]  }
0x137: {  	v58 =	vor.u32 v62, v21;
	v13 =	vshll.u32 v38, $0x5;
	v44 =	vld.idx.msk [tilespmem:v45+s2+$0x0], $0xffff;
	[tilespmem:v35+s21+$0x0] =	vst.idx.msk $0xffff, v39  }
0x138: {  	v43 =	vor.u32 v0, v13;
	v46 =	vor.u32 v50, v16;
	v40 =	vld.idx.msk [tilespmem:v57+s2+$0x0], $0xffff  }
0x139: {  	v57 =	vld [tilespmem:$0x1FF10]  }
0x13a: {  	v16 =	vand.u32 $0x78, v38  }
0x13b: {  	v35 =	vor.u32 s24, v53;
	v39 =	vor.u32 v24, v5;
	v38 =	vor.u32 s25, v53;
	v53 =	vld [tilespmem:$0x1FE80]  }
0x13c: {  	[tilespmem:v58+s21+$0x0] =	vst.idx.msk $0xffff, v37  }
0x13d: {  	v45 =	vor.u32 v24, v6;
	v37 =	vld.idx.msk [tilespmem:v43+s2+$0x0], $0xffff;
	[tilespmem:v46+s21+$0x0] =	vst.idx.msk $0xffff, v41;
	v5 =	vshll.u32 v35, $0x5  }
0x13e: {  	[tilespmem:$0x1FC40] =	vst v5;
	v43 =	vor.u32 v0, v5;
	v5 =	vshll.u32 v38, $0x5;
	v47 =	vor.u32 v57, v16  }
0x13f: {  	[tilespmem:v42+s21+$0x0] =	vst.idx.msk $0xffff, v44;
	v42 =	vor.u32 v0, v5  }
0x140: {  	v39 =	vld.idx.msk [tilespmem:v39+s2+$0x0], $0xffff;
	v46 =	vor.u32 v53, v8;
	_ =	sdelay $0x2  }
0x141: {  	v44 =	vld.idx.msk [tilespmem:v45+s2+$0x0], $0xffff;
	[tilespmem:v47+s21+$0x0] =	vst.idx.msk $0xffff, v37  }
0x142: {  	v37 =	vld.idx.msk [tilespmem:v42+s2+$0x0], $0xffff  }
0x143: {  	[tilespmem:v46+s21+$0x0] =	vst.idx.msk $0xffff, v39;
	v46 =	vld [tilespmem:$0x1FC60]  }
0x144: {  	v45 =	vld [tilespmem:$0x1FC50]  }
0x145: {  	v6 =	vand.u32 $0x68, v36  }
0x146: {  	v36 =	vor.u32 v57, v6  }
0x147: {  	v58 =	vld [tilespmem:$0x1FF30]  }
0x148: {  	v39 =	vor.u32 v51, v46;
	v46 =	vld [tilespmem:$0x1FC80]  }
0x149: {  	v41 =	vor.u32 v53, v45;
	v45 =	vor.u32 v24, v59;
	v59 =	vld [tilespmem:$0x1FF40];
	_ =	sdelay $0x1  }
0x14a: {  	v8 =	vand.u32 $0x68, v35;
	[tilespmem:v36+s21+$0x0] =	vst.idx.msk $0xffff, v40  }
0x14b: {  	[tilespmem:$0x1FC50] =	vst v8;
	v35 =	vor.u32 v58, v8;
	v8 =	vand.u32 $0x78, v38;
	v40 =	vor.u32 v24, v22;
	v43 =	vld.idx.msk [tilespmem:v43+s2+$0x0], $0xffff  }
0x14c: {  	v47 =	vor.u32 v58, v8;
	v46 =	vor.u32 v51, v46;
	v51 =	vld [tilespmem:$0x1FF50]  }
0x14d: {  	v36 =	vor.u32 s24, v59  }
0x14e: {  	v38 =	vor.u32 s25, v59;
	[tilespmem:v41+s21+$0x0] =	vst.idx.msk $0xffff, v44;
	v22 =	vshll.u32 v36, $0x5  }
0x14f: {  	v44 =	vld.idx.msk [tilespmem:v45+s2+$0x0], $0xffff;
	v59 =	vmov v22;
	v42 =	vor.u32 v0, v22;
	v22 =	vshll.u32 v38, $0x5  }
0x150: {  	v40 =	vld.idx.msk [tilespmem:v40+s2+$0x0], $0xffff;
	[tilespmem:v35+s21+$0x0] =	vst.idx.msk $0xffff, v43;
	v41 =	vor.u32 v0, v22  }
0x151: {  	[tilespmem:v47+s21+$0x0] =	vst.idx.msk $0xffff, v37;
	v47 =	vand.u32 $0x78, v38;
	v35 =	vor.u32 s24, v51;
	v38 =	vor.u32 s25, v51;
	v51 =	vld [tilespmem:$0x1FC90];
	_ =	sdelay $0x2  }
0x152: {  	v45 =	vld [tilespmem:$0x1FC70]  }
0x153: {  	v43 =	vor.u32 v24, v17;
	[tilespmem:$0x1FC80] =	vst v47;
	v37 =	vld.idx.msk [tilespmem:v41+s2+$0x0], $0xffff  }
0x154: {  	v47 =	vor.u32 v60, v47;
	[tilespmem:v46+s21+$0x0] =	vst.idx.msk $0xffff, v40;
	v40 =	vor.u32 v56, v51;
	v51 =	vld [tilespmem:$0x1FCB0]  }
0x155: {  	v36 =	vand.u32 $0x68, v36  }
0x156: {  	[tilespmem:$0x1FC60] =	vst v36;
	v36 =	vor.u32 v60, v36  }
0x157: {  	v45 =	vor.u32 v24, v45;
	v42 =	vld.idx.msk [tilespmem:v42+s2+$0x0], $0xffff;
	[tilespmem:v39+s21+$0x0] =	vst.idx.msk $0xffff, v44;
	v17 =	vshll.u32 v35, $0x5  }
0x158: {  	v43 =	vld.idx.msk [tilespmem:v43+s2+$0x0], $0xffff;
	v35 =	vand.u32 $0x68, v35;
	[tilespmem:$0x1FC70] =	vst v17;
	v41 =	vor.u32 v0, v17;
	v17 =	vshll.u32 v38, $0x5  }
0x159: {  	v60 =	vld [tilespmem:$0x1FCA0];
	[tilespmem:v47+s21+$0x0] =	vst.idx.msk $0xffff, v37;
	v39 =	vor.u32 v0, v17;
	v46 =	vor.u32 v56, v51;
	v56 =	vand.u32 $0x78, v38  }
0x15a: {  	[tilespmem:$0x1FC90] =	vst v35;
	v35 =	vor.u32 v4, v35;
	v47 =	vor.u32 v4, v56;
	v4 =	vld [tilespmem:$0x1FCC0];
	_ =	sdelay $0x2  }
0x15b: {  	v44 =	vld.idx.msk [tilespmem:v45+s2+$0x0], $0xffff  }
0x15c: {  	v45 =	vor.u32 v24, v60;
	v37 =	vld.idx.msk [tilespmem:v39+s2+$0x0], $0xffff  }
0x15d: {  	[tilespmem:v46+s21+$0x0] =	vst.idx.msk $0xffff, v43;
	v43 =	vor.u32 v55, v4;
	v4 =	vld [tilespmem:$0x1FCD0];
	_ =	sdelay $0x1  }
0x15e: {  	v60 =	vld [tilespmem:$0x1FF70];
	[tilespmem:v36+s21+$0x0] =	vst.idx.msk $0xffff, v42  }
0x15f: {  	v41 =	vld.idx.msk [tilespmem:v41+s2+$0x0], $0xffff;
	[tilespmem:v40+s21+$0x0] =	vst.idx.msk $0xffff, v44  }
0x160: {  	v44 =	vld.idx.msk [tilespmem:v45+s2+$0x0], $0xffff  }
0x161: {  	v45 =	vor.u32 v24, v4;
	v4 =	vld [tilespmem:$0x1FCE0];
	_ =	sdelay $0x1  }
0x162: {  	v36 =	vor.u32 s24, v60  }
0x163: {  	v42 =	vor.u32 v24, v10;
	v10 =	vshll.u32 v36, $0x5;
	v38 =	vor.u32 s25, v60  }
0x164: {  	[tilespmem:$0x1FCA0] =	vst v10;
	v39 =	vor.u32 v0, v10;
	v10 =	vshll.u32 v38, $0x5  }
0x165: {  	v60 =	vor.u32 v0, v10;
	v46 =	vor.u32 v55, v4;
	v55 =	vld [tilespmem:$0x1FF90]  }
0x166: {  	v4 =	vld [tilespmem:$0x1FCF0];
	_ =	sdelay $0x1  }
0x167: {  	[tilespmem:$0x1FCB0] =	vst v56  }
0x168: {  	v42 =	vld.idx.msk [tilespmem:v42+s2+$0x0], $0xffff;
	[tilespmem:v47+s21+$0x0] =	vst.idx.msk $0xffff, v37  }
0x169: {  	[tilespmem:v35+s21+$0x0] =	vst.idx.msk $0xffff, v41;
	v37 =	vld.idx.msk [tilespmem:v60+s2+$0x0], $0xffff;
	v60 =	vand.u32 $0x78, v38;
	v35 =	vor.u32 s24, v55  }
0x16a: {  	v39 =	vld.idx.msk [tilespmem:v39+s2+$0x0], $0xffff;
	[tilespmem:v43+s21+$0x0] =	vst.idx.msk $0xffff, v44;
	v56 =	vor.u32 v24, v4;
	v38 =	vor.u32 s25, v55;
	v4 =	vshll.u32 v35, $0x5  }
0x16b: {  	[tilespmem:$0x1FCD0] =	vst v4;
	v40 =	vor.u32 v0, v4;
	v4 =	vshll.u32 v38, $0x5  }
0x16c: {  	[tilespmem:$0x1FCF0] =	vst v4;
	v43 =	vor.u32 v0, v4;
	v4 =	vld [tilespmem:$0x1FD00];
	_ =	sdelay $0x4  }
0x16d: {  	v55 =	vor.u32 v49, v4;
	v4 =	vld [tilespmem:$0x1FD10];
	_ =	sdelay $0x3  }
0x16e: {  	v44 =	vld.idx.msk [tilespmem:v45+s2+$0x0], $0xffff  }
0x16f: {  	v36 =	vand.u32 $0x68, v36;
	v45 =	vor.u32 v24, v4;
	v4 =	vld [tilespmem:$0x1FD20]  }
0x170: {  	[tilespmem:$0x1FCC0] =	vst v36  }
0x171: {  	[tilespmem:$0x1FCE0] =	vst v60  }
0x172: {  	v36 =	vor.u32 v61, v36;
	v47 =	vor.u32 v61, v60;
	v60 =	vld [tilespmem:$0x1FFB0];
	[tilespmem:v46+s21+$0x0] =	vst.idx.msk $0xffff, v42  }
0x173: {  	v41 =	vld.idx.msk [tilespmem:v56+s2+$0x0], $0xffff  }
0x174: {  	v56 =	vor.u32 v49, v4;
	v4 =	vld [tilespmem:$0x1FD30];
	_ =	sdelay $0x2  }
0x175: {  	[tilespmem:v36+s21+$0x0] =	vst.idx.msk $0xffff, v39  }
0x176: {  	v36 =	vor.u32 s24, v60;
	v51 =	vand.u32 $0x78, v38;
	[tilespmem:v47+s21+$0x0] =	vst.idx.msk $0xffff, v37  }
0x177: {  	v38 =	vor.u32 s25, v60;
	v40 =	vld.idx.msk [tilespmem:v40+s2+$0x0], $0xffff;
	[tilespmem:v55+s21+$0x0] =	vst.idx.msk $0xffff, v44;
	v61 =	vor.u32 v24, v4;
	v4 =	vshll.u32 v36, $0x5  }
0x178: {  	v37 =	vld.idx.msk [tilespmem:v43+s2+$0x0], $0xffff;
	[tilespmem:$0x1FD10] =	vst v4;
	v43 =	vor.u32 v0, v4;
	v4 =	vshll.u32 v38, $0x5  }
0x179: {  	[tilespmem:$0x1FD30] =	vst v4;
	v55 =	vor.u32 v0, v4;
	v4 =	vld [tilespmem:$0x1FD40];
	_ =	sdelay $0x4  }
0x17a: {  	[tilespmem:v56+s21+$0x0] =	vst.idx.msk $0xffff, v41;
	v56 =	vor.u32 v54, v4;
	v4 =	vld [tilespmem:$0x1FD50];
	_ =	sdelay $0x1  }
0x17b: {  	v35 =	vand.u32 $0x68, v35  }
0x17c: {  	[tilespmem:$0x1FD00] =	vst v35;
	v35 =	vor.u32 v63, v35  }
0x17d: {  	v47 =	vor.u32 v63, v51;
	v63 =	vld [tilespmem:$0x1FFA0]  }
0x17e: {  	v60 =	vor.u32 v24, v4;
	v4 =	vld [tilespmem:$0x1FD60]  }
0x17f: {  	v44 =	vld.idx.msk [tilespmem:v45+s2+$0x0], $0xffff;
	_ =	sdelay $0x1  }
0x180: {  	[tilespmem:v35+s21+$0x0] =	vst.idx.msk $0xffff, v40;
	v36 =	vand.u32 $0x68, v36  }
0x181: {  	[tilespmem:$0x1FD40] =	vst v36;
	v39 =	vld.idx.msk [tilespmem:v61+s2+$0x0], $0xffff  }
0x182: {  	[tilespmem:v47+s21+$0x0] =	vst.idx.msk $0xffff, v37;
	v43 =	vld.idx.msk [tilespmem:v43+s2+$0x0], $0xffff;
	v61 =	vor.u32 v54, v4;
	v54 =	vand.u32 $0x78, v38;
	v38 =	vor.u32 s25, v63  }
0x183: {  	v36 =	vor.u32 v2, v36;
	[tilespmem:v56+s21+$0x0] =	vst.idx.msk $0xffff, v44;
	v4 =	vld [tilespmem:$0x1FD70];
	v47 =	vor.u32 v2, v54;
	v2 =	vshll.u32 v38, $0x5  }
0x184: {  	[tilespmem:$0x1FD70] =	vst v2;
	v56 =	vor.u32 v0, v2;
	v2 =	vld [tilespmem:$0x1FD80];
	_ =	sdelay $0x3  }
0x185: {  	v44 =	vld.idx.msk [tilespmem:v60+s2+$0x0], $0xffff  }
0x186: {  	v60 =	vor.u32 v52, v2;
	v2 =	vld [tilespmem:$0x1FD90];
	_ =	sdelay $0x3  }
0x187: {  	v37 =	vld.idx.msk [tilespmem:v55+s2+$0x0], $0xffff  }
0x188: {  	[tilespmem:v61+s21+$0x0] =	vst.idx.msk $0xffff, v39;
	v61 =	vor.u32 v24, v2;
	v2 =	vld [tilespmem:$0x1FDA0];
	_ =	sdelay $0x4  }
0x189: {  	v35 =	vor.u32 s24, v63;
	v63 =	vor.u32 v52, v2;
	v52 =	vld [tilespmem:$0x1FE20]  }
0x18a: {  	[tilespmem:$0x1FD20] =	vst v51;
	v51 =	vor.u32 v24, v4;
	v2 =	vld [tilespmem:$0x1FDB0]  }
0x18b: {  	[tilespmem:v36+s21+$0x0] =	vst.idx.msk $0xffff, v43  }
0x18c: {  	[tilespmem:$0x1FD60] =	vst v54;
	v4 =	vshll.u32 v35, $0x5  }
0x18d: {  	[tilespmem:$0x1FD50] =	vst v4;
	v55 =	vor.u32 v0, v4;
	v4 =	vand.u32 $0x68, v35  }
0x18e: {  	[tilespmem:$0x1FD80] =	vst v4;
	v35 =	vor.u32 v62, v4;
	v4 =	vand.u32 $0x78, v38;
	v36 =	vor.u32 s24, v52  }
0x18f: {  	v40 =	vld.idx.msk [tilespmem:v51+s2+$0x0], $0xffff;
	[tilespmem:v47+s21+$0x0] =	vst.idx.msk $0xffff, v37;
	v54 =	vor.u32 v24, v2;
	v38 =	vor.u32 s25, v52;
	v2 =	vshll.u32 v36, $0x5  }
0x190: {  	v37 =	vld.idx.msk [tilespmem:v56+s2+$0x0], $0xffff;
	[tilespmem:$0x1FD90] =	vst v2;
	v41 =	vor.u32 v0, v2;
	v2 =	vshll.u32 v38, $0x5  }
0x191: {  	[tilespmem:$0x1FDB0] =	vst v2;
	v56 =	vor.u32 v0, v2;
	v2 =	vld [tilespmem:$0x1FDC0];
	_ =	sdelay $0x3  }
0x192: {  	v42 =	vld.idx.msk [tilespmem:v55+s2+$0x0], $0xffff  }
0x193: {  	[tilespmem:v60+s21+$0x0] =	vst.idx.msk $0xffff, v44;
	v60 =	vor.u32 v50, v2;
	v2 =	vld [tilespmem:$0x1FDE0];
	_ =	sdelay $0x3  }
0x194: {  	v44 =	vld.idx.msk [tilespmem:v61+s2+$0x0], $0xffff  }
0x195: {  	v61 =	vor.u32 v24, v2;
	v2 =	vld [tilespmem:$0x1FDD0];
	_ =	sdelay $0x3  }
0x196: {  	v55 =	vor.u32 v62, v4  }
0x197: {  	v62 =	vor.u32 v50, v2;
	v2 =	vld [tilespmem:$0x1FDF0]  }
0x198: {  	[tilespmem:v63+s21+$0x0] =	vst.idx.msk $0xffff, v40;
	v63 =	vld [tilespmem:$0x1FE30];
	_ =	sdelay $0x1  }
0x199: {  	[tilespmem:v35+s21+$0x0] =	vst.idx.msk $0xffff, v42  }
0x19a: {  	v43 =	vld.idx.msk [tilespmem:v54+s2+$0x0], $0xffff;
	[tilespmem:v55+s21+$0x0] =	vst.idx.msk $0xffff, v37  }
0x19b: {  	v41 =	vld.idx.msk [tilespmem:v41+s2+$0x0], $0xffff;
	[tilespmem:v60+s21+$0x0] =	vst.idx.msk $0xffff, v44;
	v54 =	vor.u32 v24, v2;
	v2 =	vand.u32 $0x68, v36  }
0x19c: {  	v55 =	vor.u32 s25, v63;
	[tilespmem:$0x1FDC0] =	vst v2;
	v36 =	vor.u32 v57, v2;
	v2 =	vand.u32 $0x78, v38  }
0x19d: {  	[tilespmem:$0x1FDD0] =	vst v2;
	v57 =	vor.u32 v57, v2;
	v2 =	vshll.u32 v55, $0x5  }
0x19e: {  	[tilespmem:$0x1FDF0] =	vst v2;
	v60 =	vor.u32 v0, v2;
	v2 =	vld [tilespmem:$0x1FE00];
	_ =	sdelay $0x3  }
0x19f: {  	v44 =	vld.idx.msk [tilespmem:v61+s2+$0x0], $0xffff  }
0x1a0: {  	v52 =	vor.u32 s24, v63;
	v61 =	vor.u32 v53, v2;
	v2 =	vld [tilespmem:$0x1FE10]  }
0x1a1: {  	[tilespmem:$0x1FDA0] =	vst v4;
	v4 =	vshll.u32 v52, $0x5;
	v37 =	vld.idx.msk [tilespmem:v56+s2+$0x0], $0xffff  }
0x1a2: {  	v56 =	vor.u32 v0, v4  }
0x1a3: {  	[tilespmem:$0x1FDE0] =	vst v4  }
0x1a4: {  	[tilespmem:v62+s21+$0x0] =	vst.idx.msk $0xffff, v43  }
0x1a5: {  	p2 =	slt.u32 s26, $0x60;
	v62 =	vld.idx.msk [tilespmem:v54+s2+$0x0], $0xffff;
	[tilespmem:v36+s21+$0x0] =	vst.idx.msk $0xffff, v41;
	v63 =	vor.u32 v53, v2  }
.Ltmp0:
0x1a6: {  	[tilespmem:v57+s21+$0x0] =	vst.idx.msk $0xffff, v37;
	(pc) =	sbr.rel @p2 .LBB2_3-.Ltmp0, $4  }
0x1a7: {  	v35 =	vld.idx.msk [tilespmem:v56+s2+$0x0], $0xffff;
	v2 =	vand.u32 $0x68, v52;
	[tilespmem:v61+s21+$0x0] =	vst.idx.msk $0xffff, v44  }
0x1a8: {  	s24 =	smov.u32 s26;
	[tilespmem:$0x1FE00] =	vst v2;
	v39 =	vor.u32 v58, v2;
	v2 =	vand.u32 $0x78, v55  }
0x1a9: {  	v46 =	vmov v48;
	v36 =	vor.u32 v24, v34;
	v41 =	vor.u32 s24, v0;
	[tilespmem:$0x1FE10] =	vst v2  }
0x1aa: {  	s26 =	sadd.s32 $0x20, s26;
	s25 =	sadd.s32 $0x10, s24;
	v37 =	vor.u32 v24, v33;
	v38 =	vld.idx.msk [tilespmem:v60+s2+$0x0], $0xffff;
	v40 =	vor.u32 v58, v2;
	[tilespmem:v63+s21+$0x0] =	vst.idx.msk $0xffff, v62  }
0x1ab: {  	v49 =	vshll.u32 v41, $0x5  }
0x1ac: {  	v42 =	vor.u32 s25, v0;
	v57 =	vld [tilespmem:$0x1FF60];
	v43 =	vor.u32 v0, v49  }
0x1ad: {  	v34 =	vshll.u32 v42, $0x5  }
0x1ae: {  	v44 =	vor.u32 v0, v34  }
0x1af: {  	v2 =	vand.u32 $0x68, v41  }
0x1b0: {  	v52 =	vor.u32 s24, v46;
	[tilespmem:$0x1F880] =	vst v2  }
0x1b1: {  	v4 =	vshll.u32 v52, $0x5;
	v55 =	vor.u32 v57, v2;
	v54 =	vld.idx.msk [tilespmem:v43+s2+$0x0], $0xffff  }
0x1b2: {  	v53 =	vand.u32 $0x78, v42;
	[tilespmem:$0x1F890] =	vst v4  }
0x1b3: {  	v45 =	vor.u32 s25, v46;
	v47 =	vor.u32 v57, v53;
	v44 =	vld.idx.msk [tilespmem:v44+s2+$0x0], $0xffff  }
0x1b4: {  	v2 =	vshll.u32 v45, $0x5  }
0x1b5: {  	[tilespmem:$0x1F8A0] =	vst v2  }
0x1b6: {  	v58 =	vand.u32 $0x68, v52;
	[tilespmem:v55+s21+$0x0] =	vst.idx.msk $0xffff, v54  }
0x1b7: {  	[tilespmem:$0x1F8B0] =	vst v58  }
0x1b8: {  	v33 =	vor.u32 v0, v2;
	v2 =	vld [tilespmem:$0x1FED0];
	[tilespmem:v47+s21+$0x0] =	vst.idx.msk $0xffff, v44  }
0x1b9: {  	v56 =	vor.u32 v0, v4;
	v63 =	vld [tilespmem:$0x1FFF0];
	_ =	sdelay $0x4  }
0x1ba: {  	v42 =	vld.idx.msk [tilespmem:v56+s2+$0x0], $0xffff;
	v52 =	vor.u32 s24, v2;
	v55 =	vor.u32 v63, v58  }
0x1bb: {  	v54 =	vshll.u32 v52, $0x5  }
0x1bc: {  	v51 =	vand.u32 $0x78, v45;
	v56 =	vor.u32 s25, v2;
	[tilespmem:$0x1F8C0] =	vst v54  }
0x1bd: {  	v2 =	vshll.u32 v56, $0x5;
	v58 =	vor.u32 v63, v51;
	v33 =	vld.idx.msk [tilespmem:v33+s2+$0x0], $0xffff  }
0x1be: {  	[tilespmem:$0x1F8D0] =	vst v2  }
0x1bf: {  	v60 =	vand.u32 $0x68, v52;
	[tilespmem:v55+s21+$0x0] =	vst.idx.msk $0xffff, v42  }
0x1c0: {  	v61 =	vand.u32 $0x78, v56;
	[tilespmem:$0x1F8E0] =	vst v60  }
0x1c1: {  	[tilespmem:$0x1F900] =	vst v61  }
0x1c2: {  	v47 =	vor.u32 v0, v2;
	v2 =	vld [tilespmem:$0x1FEF0];
	[tilespmem:v58+s21+$0x0] =	vst.idx.msk $0xffff, v33  }
0x1c3: {  	v45 =	vor.u32 v0, v54;
	v56 =	vld [tilespmem:$0x1FF80];
	_ =	sdelay $0x4  }
0x1c4: {  	v50 =	vld.idx.msk [tilespmem:v45+s2+$0x0], $0xffff;
	v62 =	vor.u32 s24, v2;
	v42 =	vor.u32 v56, v60  }
0x1c5: {  	v52 =	vshll.u32 v62, $0x5  }
0x1c6: {  	v58 =	vor.u32 s25, v2;
	[tilespmem:$0x1F8F0] =	vst v52  }
0x1c7: {  	v2 =	vshll.u32 v58, $0x5;
	v61 =	vor.u32 v56, v61;
	v60 =	vld.idx.msk [tilespmem:v47+s2+$0x0], $0xffff  }
0x1c8: {  	[tilespmem:$0x1F910] =	vst v2  }
0x1c9: {  	v62 =	vand.u32 $0x68, v62;
	[tilespmem:v42+s21+$0x0] =	vst.idx.msk $0xffff, v50  }
0x1ca: {  	v50 =	vand.u32 $0x78, v58;
	[tilespmem:$0x1F920] =	vst v62  }
0x1cb: {  	[tilespmem:$0x1F940] =	vst v50  }
0x1cc: {  	v47 =	vor.u32 v0, v2;
	v2 =	vld [tilespmem:$0x1FEC0];
	[tilespmem:v61+s21+$0x0] =	vst.idx.msk $0xffff, v60  }
0x1cd: {  	v45 =	vor.u32 v0, v52;
	v55 =	vld [tilespmem:$0x1FFE0];
	_ =	sdelay $0x4  }
0x1ce: {  	v60 =	vld.idx.msk [tilespmem:v45+s2+$0x0], $0xffff;
	v58 =	vor.u32 s24, v2;
	v42 =	vor.u32 v55, v62  }
0x1cf: {  	v61 =	vshll.u32 v58, $0x5  }
0x1d0: {  	[tilespmem:$0x1F930] =	vst v61;
	v62 =	vor.u32 s25, v2  }
0x1d1: {  	v50 =	vor.u32 v55, v50;
	v44 =	vld.idx.msk [tilespmem:v47+s2+$0x0], $0xffff;
	v2 =	vshll.u32 v62, $0x5  }
0x1d2: {  	[tilespmem:$0x1F950] =	vst v2  }
0x1d3: {  	v52 =	vand.u32 $0x68, v58;
	[tilespmem:v42+s21+$0x0] =	vst.idx.msk $0xffff, v60  }
0x1d4: {  	v54 =	vand.u32 $0x78, v62;
	[tilespmem:$0x1F960] =	vst v52  }
0x1d5: {  	[tilespmem:$0x1F980] =	vst v54  }
0x1d6: {  	v47 =	vor.u32 v0, v2;
	v2 =	vld [tilespmem:$0x1FEE0];
	[tilespmem:v50+s21+$0x0] =	vst.idx.msk $0xffff, v44  }
0x1d7: {  	v45 =	vor.u32 v0, v61;
	v62 =	vld [tilespmem:$0x1FFD0];
	_ =	sdelay $0x4  }
0x1d8: {  	v41 =	vld.idx.msk [tilespmem:v45+s2+$0x0], $0xffff;
	v58 =	vor.u32 s24, v2;
	v42 =	vor.u32 v62, v52  }
0x1d9: {  	v50 =	vshll.u32 v58, $0x5  }
0x1da: {  	[tilespmem:$0x1F970] =	vst v50;
	v52 =	vor.u32 s25, v2  }
0x1db: {  	v54 =	vor.u32 v62, v54;
	v44 =	vld.idx.msk [tilespmem:v47+s2+$0x0], $0xffff;
	v2 =	vshll.u32 v52, $0x5  }
0x1dc: {  	[tilespmem:$0x1F990] =	vst v2  }
0x1dd: {  	v58 =	vand.u32 $0x68, v58;
	[tilespmem:v42+s21+$0x0] =	vst.idx.msk $0xffff, v41  }
0x1de: {  	v60 =	vand.u32 $0x78, v52;
	[tilespmem:$0x1F9A0] =	vst v58  }
0x1df: {  	[tilespmem:$0x1F9C0] =	vst v60  }
0x1e0: {  	v47 =	vor.u32 v0, v2;
	v2 =	vld [tilespmem:$0x1FF00];
	[tilespmem:v54+s21+$0x0] =	vst.idx.msk $0xffff, v44  }
0x1e1: {  	v45 =	vor.u32 v0, v50;
	v54 =	vld [tilespmem:$0x1FFC0];
	_ =	sdelay $0x4  }
0x1e2: {  	v41 =	vld.idx.msk [tilespmem:v45+s2+$0x0], $0xffff;
	v61 =	vor.u32 s24, v2;
	v42 =	vor.u32 v54, v58  }
0x1e3: {  	v50 =	vshll.u32 v61, $0x5  }
0x1e4: {  	[tilespmem:$0x1F9B0] =	vst v50;
	v58 =	vor.u32 s25, v2  }
0x1e5: {  	v60 =	vor.u32 v54, v60;
	v44 =	vld.idx.msk [tilespmem:v47+s2+$0x0], $0xffff;
	v2 =	vshll.u32 v58, $0x5  }
0x1e6: {  	[tilespmem:$0x1F9D0] =	vst v2  }
0x1e7: {  	v61 =	vand.u32 $0x68, v61;
	[tilespmem:v42+s21+$0x0] =	vst.idx.msk $0xffff, v41  }
0x1e8: {  	v45 =	vor.u32 v0, v50;
	v50 =	vand.u32 $0x78, v58;
	[tilespmem:$0x1F9E0] =	vst v61  }
0x1e9: {  	[tilespmem:$0x1FA00] =	vst v50  }
0x1ea: {  	v47 =	vor.u32 v0, v2;
	v2 =	vld [tilespmem:$0x1FF20];
	[tilespmem:v60+s21+$0x0] =	vst.idx.msk $0xffff, v44  }
0x1eb: {  	v52 =	vld [tilespmem:$0x1FF10];
	_ =	sdelay $0x4  }
0x1ec: {  	v41 =	vld.idx.msk [tilespmem:v45+s2+$0x0], $0xffff;
	v58 =	vor.u32 s24, v2;
	v42 =	vor.u32 v52, v61  }
0x1ed: {  	v60 =	vshll.u32 v58, $0x5  }
0x1ee: {  	[tilespmem:$0x1F9F0] =	vst v60;
	v61 =	vor.u32 s25, v2  }
0x1ef: {  	v50 =	vor.u32 v52, v50;
	v44 =	vld.idx.msk [tilespmem:v47+s2+$0x0], $0xffff;
	v2 =	vshll.u32 v61, $0x5  }
0x1f0: {  	[tilespmem:$0x1FA10] =	vst v2  }
0x1f1: {  	v58 =	vand.u32 $0x68, v58;
	[tilespmem:v42+s21+$0x0] =	vst.idx.msk $0xffff, v41  }
0x1f2: {  	v45 =	vor.u32 v0, v60;
	v60 =	vand.u32 $0x78, v61;
	[tilespmem:$0x1FA20] =	vst v58  }
0x1f3: {  	[tilespmem:$0x1FA40] =	vst v60  }
0x1f4: {  	v47 =	vor.u32 v0, v2;
	v2 =	vld [tilespmem:$0x1FF40];
	[tilespmem:v50+s21+$0x0] =	vst.idx.msk $0xffff, v44  }
0x1f5: {  	v50 =	vld [tilespmem:$0x1FF30];
	_ =	sdelay $0x4  }
0x1f6: {  	v41 =	vld.idx.msk [tilespmem:v45+s2+$0x0], $0xffff;
	v42 =	vor.u32 v50, v58  }
0x1f7: {  	v33 =	vor.u32 s24, v2  }
0x1f8: {  	v61 =	vshll.u32 v33, $0x5;
	v58 =	vor.u32 s25, v2  }
0x1f9: {  	[tilespmem:$0x1FA30] =	vst v61;
	v2 =	vshll.u32 v58, $0x5  }
0x1fa: {  	v44 =	vld.idx.msk [tilespmem:v47+s2+$0x0], $0xffff;
	[tilespmem:$0x1FA50] =	vst v2  }
0x1fb: {  	v45 =	vor.u32 v0, v61;
	[tilespmem:v42+s21+$0x0] =	vst.idx.msk $0xffff, v41  }
0x1fc: {  	v47 =	vor.u32 v0, v2;
	v2 =	vld [tilespmem:$0x1FF50]  }
0x1fd: {  	v60 =	vor.u32 v50, v60;
	v61 =	vand.u32 $0x68, v33  }
0x1fe: {  	v4 =	vand.u32 $0x78, v58;
	[tilespmem:$0x1FA60] =	vst v61  }
0x1ff: {  	[tilespmem:$0x1FA80] =	vst v4  }
0x200: {  	v42 =	vor.u32 v57, v61;
	v41 =	vld.idx.msk [tilespmem:v45+s2+$0x0], $0xffff  }
0x201: {  	v58 =	vor.u32 s24, v2  }
0x202: {  	[tilespmem:v60+s21+$0x0] =	vst.idx.msk $0xffff, v44;
	v61 =	vor.u32 s25, v2;
	v60 =	vshll.u32 v58, $0x5  }
0x203: {  	v2 =	vshll.u32 v61, $0x5;
	[tilespmem:$0x1FA70] =	vst v60  }
0x204: {  	v44 =	vld.idx.msk [tilespmem:v47+s2+$0x0], $0xffff;
	[tilespmem:$0x1FA90] =	vst v2  }
0x205: {  	v45 =	vor.u32 v0, v60;
	[tilespmem:v42+s21+$0x0] =	vst.idx.msk $0xffff, v41  }
0x206: {  	v60 =	vld [tilespmem:$0x1FF70]  }
0x207: {  	v46 =	vor.u32 v57, v4;
	v58 =	vand.u32 $0x68, v58  }
0x208: {  	v47 =	vor.u32 v0, v2;
	v2 =	vand.u32 $0x78, v61;
	[tilespmem:$0x1FAA0] =	vst v58  }
0x209: {  	[tilespmem:$0x1FAC0] =	vst v2  }
0x20a: {  	v58 =	vor.u32 v63, v58;
	v41 =	vld.idx.msk [tilespmem:v45+s2+$0x0], $0xffff  }
0x20b: {  	v33 =	vor.u32 s24, v60  }
0x20c: {  	[tilespmem:v46+s21+$0x0] =	vst.idx.msk $0xffff, v44;
	v61 =	vor.u32 s25, v60;
	v45 =	vshll.u32 v33, $0x5  }
0x20d: {  	v46 =	vor.u32 v63, v2;
	v2 =	vshll.u32 v61, $0x5;
	[tilespmem:$0x1FAB0] =	vst v45  }
0x20e: {  	v44 =	vld.idx.msk [tilespmem:v47+s2+$0x0], $0xffff;
	[tilespmem:$0x1FAD0] =	vst v2  }
0x20f: {  	v45 =	vor.u32 v0, v45;
	[tilespmem:v58+s21+$0x0] =	vst.idx.msk $0xffff, v41  }
0x210: {  	v47 =	vor.u32 v0, v2;
	v2 =	vand.u32 $0x78, v61;
	v61 =	vld [tilespmem:$0x1FF90]  }
0x211: {  	v58 =	vand.u32 $0x68, v33  }
0x212: {  	[tilespmem:$0x1FAE0] =	vst v58  }
0x213: {  	[tilespmem:$0x1FB00] =	vst v2  }
0x214: {  	v58 =	vor.u32 v56, v58;
	v41 =	vld.idx.msk [tilespmem:v45+s2+$0x0], $0xffff  }
0x215: {  	v33 =	vor.u32 s24, v61  }
0x216: {  	[tilespmem:v46+s21+$0x0] =	vst.idx.msk $0xffff, v44;
	v4 =	vor.u32 s25, v61;
	v45 =	vshll.u32 v33, $0x5  }
0x217: {  	v46 =	vor.u32 v56, v2;
	v2 =	vshll.u32 v4, $0x5;
	[tilespmem:$0x1FAF0] =	vst v45  }
0x218: {  	v44 =	vld.idx.msk [tilespmem:v47+s2+$0x0], $0xffff;
	[tilespmem:$0x1FB10] =	vst v2  }
0x219: {  	v45 =	vor.u32 v0, v45;
	[tilespmem:v58+s21+$0x0] =	vst.idx.msk $0xffff, v41  }
0x21a: {  	v47 =	vor.u32 v0, v2;
	v2 =	vmov v59;
	v59 =	vld [tilespmem:$0x1FFB0]  }
0x21b: {  	v42 =	vand.u32 $0x68, v33  }
0x21c: {  	v4 =	vand.u32 $0x78, v4;
	[tilespmem:$0x1FB20] =	vst v42  }
0x21d: {  	[tilespmem:$0x1FB40] =	vst v4  }
0x21e: {  	v42 =	vor.u32 v55, v42;
	v41 =	vld.idx.msk [tilespmem:v45+s2+$0x0], $0xffff  }
0x21f: {  	v33 =	vor.u32 s24, v59  }
0x220: {  	[tilespmem:v46+s21+$0x0] =	vst.idx.msk $0xffff, v44;
	v43 =	vor.u32 s25, v59;
	v58 =	vshll.u32 v33, $0x5  }
0x221: {  	[tilespmem:$0x1FB30] =	vst v58;
	v45 =	vor.u32 v0, v58;
	v58 =	vshll.u32 v43, $0x5  }
0x222: {  	v44 =	vld.idx.msk [tilespmem:v47+s2+$0x0], $0xffff;
	[tilespmem:$0x1FB50] =	vst v58  }
0x223: {  	[tilespmem:v42+s21+$0x0] =	vst.idx.msk $0xffff, v41  }
0x224: {  	v47 =	vor.u32 v0, v58;
	v58 =	vld [tilespmem:$0x1FFA0]  }
0x225: {  	v46 =	vor.u32 v55, v4  }
0x226: {  	v42 =	vand.u32 $0x68, v33  }
0x227: {  	v4 =	vand.u32 $0x78, v43;
	[tilespmem:$0x1FB60] =	vst v42  }
0x228: {  	[tilespmem:$0x1FB80] =	vst v4  }
0x229: {  	v42 =	vor.u32 v62, v42;
	v41 =	vld.idx.msk [tilespmem:v45+s2+$0x0], $0xffff;
	v33 =	vor.u32 s24, v58  }
0x22a: {  	[tilespmem:v46+s21+$0x0] =	vst.idx.msk $0xffff, v44;
	v45 =	vshll.u32 v33, $0x5  }
0x22b: {  	v43 =	vor.u32 s25, v58;
	[tilespmem:$0x1FB70] =	vst v45  }
0x22c: {  	v44 =	vld.idx.msk [tilespmem:v47+s2+$0x0], $0xffff;
	v47 =	vshll.u32 v43, $0x5  }
0x22d: {  	[tilespmem:$0x1FB90] =	vst v47  }
0x22e: {  	[tilespmem:v42+s21+$0x0] =	vst.idx.msk $0xffff, v41  }
0x22f: {  	v46 =	vor.u32 v62, v4;
	v4 =	vand.u32 $0x78, v43;
	v45 =	vor.u32 v0, v45;
	v43 =	vld [tilespmem:$0x1FE20];
	_ =	sdelay $0x1  }
0x230: {  	v42 =	vand.u32 $0x68, v33  }
0x231: {  	v47 =	vor.u32 v0, v47;
	[tilespmem:$0x1FBA0] =	vst v42  }
0x232: {  	[tilespmem:$0x1FBC0] =	vst v4  }
0x233: {  	v42 =	vor.u32 v54, v42;
	v41 =	vld.idx.msk [tilespmem:v45+s2+$0x0], $0xffff;
	v33 =	vor.u32 s24, v43  }
0x234: {  	[tilespmem:v46+s21+$0x0] =	vst.idx.msk $0xffff, v44;
	v45 =	vshll.u32 v33, $0x5  }
0x235: {  	v43 =	vor.u32 s25, v43;
	[tilespmem:$0x1FBB0] =	vst v45  }
0x236: {  	v44 =	vld.idx.msk [tilespmem:v47+s2+$0x0], $0xffff;
	v47 =	vshll.u32 v43, $0x5  }
0x237: {  	[tilespmem:$0x1FBD0] =	vst v47  }
0x238: {  	[tilespmem:v42+s21+$0x0] =	vst.idx.msk $0xffff, v41  }
0x239: {  	v46 =	vor.u32 v54, v4;
	v4 =	vand.u32 $0x78, v43;
	v43 =	vld [tilespmem:$0x1FE30]  }
0x23a: {  	v45 =	vor.u32 v0, v45;
	_ =	sdelay $0x1  }
0x23b: {  	v47 =	vor.u32 v0, v47;
	v42 =	vand.u32 $0x68, v33  }
0x23c: {  	[tilespmem:$0x1FBE0] =	vst v42  }
0x23d: {  	[tilespmem:$0x1FC00] =	vst v4;
	v33 =	vor.u32 s24, v43  }
0x23e: {  	v42 =	vor.u32 v52, v42;
	v41 =	vld.idx.msk [tilespmem:v45+s2+$0x0], $0xffff;
	[tilespmem:v46+s21+$0x0] =	vst.idx.msk $0xffff, v44;
	v45 =	vshll.u32 v33, $0x5  }
0x23f: {  	v43 =	vor.u32 s25, v43;
	[tilespmem:$0x1FBF0] =	vst v45  }
0x240: {  	v46 =	vor.u32 v52, v4;
	v45 =	vor.u32 v0, v45;
	v44 =	vld.idx.msk [tilespmem:v47+s2+$0x0], $0xffff;
	v47 =	vshll.u32 v43, $0x5  }
0x241: {  	[tilespmem:$0x1FC10] =	vst v47;
	v47 =	vor.u32 v0, v47;
	_ =	sdelay $0x1  }
0x242: {  	[tilespmem:v42+s21+$0x0] =	vst.idx.msk $0xffff, v41  }
0x243: {  	v4 =	vand.u32 $0x68, v33;
	[tilespmem:v39+s21+$0x0] =	vst.idx.msk $0xffff, v35  }
0x244: {  	v41 =	vor.u32 v50, v4;
	v33 =	vld.idx.msk [tilespmem:v45+s2+$0x0], $0xffff;
	[tilespmem:v46+s21+$0x0] =	vst.idx.msk $0xffff, v44;
	v46 =	vmov v48;
	v48 =	vand.u32 $0x78, v43  }
0x245: {  	v45 =	vmov v4;
	v43 =	vor.u32 v24, v49;
	v42 =	vld.idx.msk [tilespmem:v47+s2+$0x0], $0xffff;
	v4 =	vor.u32 v50, v48  }
0x246: {  	[tilespmem:v40+s21+$0x0] =	vst.idx.msk $0xffff, v38  }
0x247: {  	v49 =	vld [tilespmem:$0x1FE60]  }
0x248: {  	v35 =	vld.idx.msk [tilespmem:v37+s2+$0x0], $0xffff  }
0x249: {  	[tilespmem:v41+s21+$0x0] =	vst.idx.msk $0xffff, v33;
	v33 =	vld.idx.msk [tilespmem:v36+s2+$0x0], $0xffff  }
0x24a: {  	v36 =	vld.idx.msk [tilespmem:v43+s2+$0x0], $0xffff;
	[tilespmem:v4+s21+$0x0] =	vst.idx.msk $0xffff, v42  }
0x24b: {  	v34 =	vor.u32 v24, v34;
	v42 =	vld [tilespmem:$0x1F880]  }
0x24c: {  	v9 =	vor.u32 v49, v9;
	v43 =	vld [tilespmem:$0x1F890]  }
0x24d: {  	v15 =	vor.u32 v49, v15;
	_ =	sdelay $0x1  }
0x24e: {  	v20 =	vor.u32 v24, v20  }
0x24f: {  	v30 =	vor.u32 v24, v30;
	v34 =	vld.idx.msk [tilespmem:v34+s2+$0x0], $0xffff;
	v37 =	vor.u32 v49, v42  }
0x250: {  	v47 =	vor.u32 v49, v53;
	v44 =	vor.u32 v24, v43;
	v43 =	vld [tilespmem:$0x1F8A0];
	[tilespmem:v9+s21+$0x0] =	vst.idx.msk $0xffff, v35  }
0x251: {  	[tilespmem:v15+s21+$0x0] =	vst.idx.msk $0xffff, v33  }
0x252: {  	v53 =	vld [tilespmem:$0x1FEB0]  }
0x253: {  	v9 =	vld.idx.msk [tilespmem:v20+s2+$0x0], $0xffff  }
0x254: {  	v20 =	vld.idx.msk [tilespmem:v30+s2+$0x0], $0xffff;
	[tilespmem:v37+s21+$0x0] =	vst.idx.msk $0xffff, v36  }
0x255: {  	[tilespmem:v47+s21+$0x0] =	vst.idx.msk $0xffff, v34;
	v40 =	vor.u32 v24, v43;
	v30 =	vld.idx.msk [tilespmem:v44+s2+$0x0], $0xffff  }
0x256: {  	v44 =	vld [tilespmem:$0x1F8B0]  }
0x257: {  	v15 =	vor.u32 v53, v25  }
0x258: {  	v25 =	vor.u32 v53, v28;
	_ =	sdelay $0x1  }
0x259: {  	v42 =	vor.u32 v53, v51;
	v33 =	vld.idx.msk [tilespmem:v40+s2+$0x0], $0xffff  }
0x25a: {  	v43 =	vld [tilespmem:$0x1F8D0];
	v47 =	vor.u32 v53, v44  }
0x25b: {  	v40 =	vld [tilespmem:$0x1F8C0];
	[tilespmem:v15+s21+$0x0] =	vst.idx.msk $0xffff, v9  }
0x25c: {  	[tilespmem:v25+s21+$0x0] =	vst.idx.msk $0xffff, v20  }
0x25d: {  	v23 =	vor.u32 v24, v23;
	v51 =	vld [tilespmem:$0x1FEA0]  }
0x25e: {  	v28 =	vor.u32 v24, v32;
	[tilespmem:v42+s21+$0x0] =	vst.idx.msk $0xffff, v33  }
0x25f: {  	v44 =	vor.u32 v24, v43;
	[tilespmem:v47+s21+$0x0] =	vst.idx.msk $0xffff, v30  }
0x260: {  	v41 =	vor.u32 v24, v40;
	v35 =	vld [tilespmem:$0x1F8E0]  }
0x261: {  	v38 =	vld [tilespmem:$0x1F900]  }
0x262: {  	v9 =	vld.idx.msk [tilespmem:v23+s2+$0x0], $0xffff;
	v7 =	vor.u32 v51, v7  }
0x263: {  	v47 =	vld.idx.msk [tilespmem:v28+s2+$0x0], $0xffff;
	v20 =	vor.u32 v51, v26  }
0x264: {  	v28 =	vld.idx.msk [tilespmem:v44+s2+$0x0], $0xffff  }
0x265: {  	v25 =	vld.idx.msk [tilespmem:v41+s2+$0x0], $0xffff;
	v26 =	vor.u32 v51, v35  }
0x266: {  	v36 =	vld [tilespmem:$0x1F8F0];
	v39 =	vor.u32 v51, v38  }
0x267: {  	v40 =	vld [tilespmem:$0x1F910];
	[tilespmem:v7+s21+$0x0] =	vst.idx.msk $0xffff, v9  }
0x268: {  	[tilespmem:v20+s21+$0x0] =	vst.idx.msk $0xffff, v47  }
0x269: {  	v18 =	vor.u32 v24, v18;
	v34 =	vld [tilespmem:$0x1FE40]  }
0x26a: {  	v23 =	vor.u32 v24, v31;
	[tilespmem:v26+s21+$0x0] =	vst.idx.msk $0xffff, v25  }
0x26b: {  	v37 =	vor.u32 v24, v36;
	[tilespmem:v39+s21+$0x0] =	vst.idx.msk $0xffff, v28  }
0x26c: {  	v41 =	vor.u32 v24, v40;
	v47 =	vld [tilespmem:$0x1F920]  }
0x26d: {  	v31 =	vld [tilespmem:$0x1F940]  }
0x26e: {  	v7 =	vld.idx.msk [tilespmem:v18+s2+$0x0], $0xffff;
	v1 =	vor.u32 v34, v1  }
0x26f: {  	v42 =	vld.idx.msk [tilespmem:v23+s2+$0x0], $0xffff;
	v11 =	vor.u32 v34, v11  }
0x270: {  	v44 =	vld.idx.msk [tilespmem:v37+s2+$0x0], $0xffff  }
0x271: {  	v23 =	vld.idx.msk [tilespmem:v41+s2+$0x0], $0xffff;
	v20 =	vor.u32 v34, v47  }
0x272: {  	v30 =	vld [tilespmem:$0x1F930];
	v26 =	vor.u32 v34, v31  }
0x273: {  	v32 =	vld [tilespmem:$0x1F950];
	[tilespmem:v1+s21+$0x0] =	vst.idx.msk $0xffff, v7  }
0x274: {  	[tilespmem:v11+s21+$0x0] =	vst.idx.msk $0xffff, v42  }
0x275: {  	v12 =	vor.u32 v24, v12;
	v43 =	vor.u32 v24, v29;
	v29 =	vld [tilespmem:$0x1FE90]  }
0x276: {  	[tilespmem:v20+s21+$0x0] =	vst.idx.msk $0xffff, v44  }
0x277: {  	v25 =	vor.u32 v24, v30;
	v35 =	vld [tilespmem:$0x1FC20];
	[tilespmem:v26+s21+$0x0] =	vst.idx.msk $0xffff, v23  }
0x278: {  	v28 =	vor.u32 v24, v32;
	v38 =	vld [tilespmem:$0x1F960]  }
0x279: {  	v20 =	vld [tilespmem:$0x1F980]  }
0x27a: {  	v1 =	vld.idx.msk [tilespmem:v12+s2+$0x0], $0xffff;
	v33 =	vor.u32 v29, v19  }
0x27b: {  	v9 =	vld.idx.msk [tilespmem:v43+s2+$0x0], $0xffff;
	v3 =	vor.u32 v29, v3  }
0x27c: {  	v37 =	vld.idx.msk [tilespmem:v25+s2+$0x0], $0xffff  }
0x27d: {  	v39 =	vld.idx.msk [tilespmem:v28+s2+$0x0], $0xffff;
	v15 =	vor.u32 v29, v38  }
0x27e: {  	v40 =	vld [tilespmem:$0x1F970];
	v20 =	vor.u32 v29, v20  }
0x27f: {  	v23 =	vld [tilespmem:$0x1F990];
	[tilespmem:v33+s21+$0x0] =	vst.idx.msk $0xffff, v1  }
0x280: {  	[tilespmem:v3+s21+$0x0] =	vst.idx.msk $0xffff, v9  }
0x281: {  	v4 =	vor.u32 v24, v35;
	v25 =	vld [tilespmem:$0x1FE70]  }
0x282: {  	v36 =	vor.u32 v24, v27;
	[tilespmem:v15+s21+$0x0] =	vst.idx.msk $0xffff, v37  }
0x283: {  	v19 =	vor.u32 v24, v40;
	v7 =	vld [tilespmem:$0x1FC30];
	[tilespmem:v20+s21+$0x0] =	vst.idx.msk $0xffff, v39  }
0x284: {  	v23 =	vor.u32 v24, v23;
	v44 =	vld [tilespmem:$0x1F9A0]  }
0x285: {  	v18 =	vld [tilespmem:$0x1F9C0]  }
0x286: {  	v1 =	vld.idx.msk [tilespmem:v4+s2+$0x0], $0xffff;
	v3 =	vor.u32 v25, v14  }
0x287: {  	v41 =	vld.idx.msk [tilespmem:v36+s2+$0x0], $0xffff;
	v42 =	vor.u32 v25, v21  }
0x288: {  	v12 =	vld.idx.msk [tilespmem:v19+s2+$0x0], $0xffff  }
0x289: {  	v43 =	vor.u32 v24, v13;
	v47 =	vld.idx.msk [tilespmem:v23+s2+$0x0], $0xffff;
	v13 =	vor.u32 v25, v44  }
0x28a: {  	v15 =	vld [tilespmem:$0x1F9B0];
	v18 =	vor.u32 v25, v18  }
0x28b: {  	v30 =	vld [tilespmem:$0x1F9D0];
	[tilespmem:v3+s21+$0x0] =	vst.idx.msk $0xffff, v1  }
0x28c: {  	[tilespmem:v42+s21+$0x0] =	vst.idx.msk $0xffff, v41  }
0x28d: {  	v7 =	vor.u32 v24, v7;
	v20 =	vld [tilespmem:$0x1FE50]  }
0x28e: {  	[tilespmem:v13+s21+$0x0] =	vst.idx.msk $0xffff, v12  }
0x28f: {  	v15 =	vor.u32 v24, v15;
	v31 =	vld [tilespmem:$0x1FC40];
	[tilespmem:v18+s21+$0x0] =	vst.idx.msk $0xffff, v47  }
0x290: {  	v19 =	vor.u32 v24, v30;
	v35 =	vld [tilespmem:$0x1F9E0]  }
0x291: {  	v14 =	vld [tilespmem:$0x1FA00]  }
0x292: {  	v1 =	vld.idx.msk [tilespmem:v7+s2+$0x0], $0xffff;
	v3 =	vor.u32 v20, v6  }
0x293: {  	v4 =	vld.idx.msk [tilespmem:v43+s2+$0x0], $0xffff;
	v32 =	vor.u32 v20, v16  }
0x294: {  	v33 =	vld.idx.msk [tilespmem:v15+s2+$0x0], $0xffff  }
0x295: {  	v36 =	vld.idx.msk [tilespmem:v19+s2+$0x0], $0xffff;
	v11 =	vor.u32 v20, v35  }
0x296: {  	v13 =	vld [tilespmem:$0x1F9F0];
	v14 =	vor.u32 v20, v14  }
0x297: {  	v37 =	vld [tilespmem:$0x1FA10];
	[tilespmem:v3+s21+$0x0] =	vst.idx.msk $0xffff, v1  }
0x298: {  	[tilespmem:v32+s21+$0x0] =	vst.idx.msk $0xffff, v4  }
0x299: {  	v18 =	vld [tilespmem:$0x1FE80]  }
0x29a: {  	v3 =	vld [tilespmem:$0x1FC50];
	[tilespmem:v11+s21+$0x0] =	vst.idx.msk $0xffff, v33  }
0x29b: {  	[tilespmem:v14+s21+$0x0] =	vst.idx.msk $0xffff, v36  }
0x29c: {  	v38 =	vor.u32 v24, v2;
	v2 =	vld [tilespmem:$0x1FA20];
	_ =	sdelay $0x4  }
0x29d: {  	v42 =	vor.u32 v18, v2;
	v2 =	vld [tilespmem:$0x1FA30];
	_ =	sdelay $0x2  }
0x29e: {  	v6 =	vor.u32 v24, v31  }
0x29f: {  	v5 =	vor.u32 v24, v5  }
0x2a0: {  	v44 =	vor.u32 v24, v2;
	v2 =	vld [tilespmem:$0x1FA40];
	_ =	sdelay $0x2  }
0x2a1: {  	v3 =	vor.u32 v18, v3;
	v1 =	vld.idx.msk [tilespmem:v6+s2+$0x0], $0xffff  }
0x2a2: {  	v4 =	vld.idx.msk [tilespmem:v5+s2+$0x0], $0xffff;
	v13 =	vor.u32 v24, v13;
	v39 =	vor.u32 v18, v8  }
0x2a3: {  	v47 =	vor.u32 v18, v2;
	v2 =	vld [tilespmem:$0x1FA50];
	_ =	sdelay $0x2  }
0x2a4: {  	[tilespmem:v3+s21+$0x0] =	vst.idx.msk $0xffff, v1  }
0x2a5: {  	v41 =	vld.idx.msk [tilespmem:v13+s2+$0x0], $0xffff;
	[tilespmem:v39+s21+$0x0] =	vst.idx.msk $0xffff, v4  }
0x2a6: {  	v16 =	vor.u32 v24, v2;
	v2 =	vld [tilespmem:$0x1FC60];
	_ =	sdelay $0x3  }
0x2a7: {  	v15 =	vor.u32 v24, v37;
	[tilespmem:v42+s21+$0x0] =	vst.idx.msk $0xffff, v41  }
0x2a8: {  	v3 =	vor.u32 v49, v2;
	v2 =	vld [tilespmem:$0x1FC70];
	_ =	sdelay $0x3  }
0x2a9: {  	v43 =	vld.idx.msk [tilespmem:v15+s2+$0x0], $0xffff  }
0x2aa: {  	v19 =	vor.u32 v24, v2;
	v2 =	vld [tilespmem:$0x1FC80];
	_ =	sdelay $0x3  }
0x2ab: {  	[tilespmem:v47+s21+$0x0] =	vst.idx.msk $0xffff, v43  }
0x2ac: {  	v30 =	vor.u32 v49, v2;
	v2 =	vld [tilespmem:$0x1FA60];
	_ =	sdelay $0x4  }
0x2ad: {  	v32 =	vor.u32 v49, v2;
	v2 =	vld [tilespmem:$0x1FA70];
	_ =	sdelay $0x3  }
0x2ae: {  	v40 =	vor.u32 v24, v22  }
0x2af: {  	v33 =	vor.u32 v24, v2;
	v2 =	vld [tilespmem:$0x1FA80];
	_ =	sdelay $0x2  }
0x2b0: {  	v1 =	vld.idx.msk [tilespmem:v38+s2+$0x0], $0xffff  }
0x2b1: {  	v4 =	vld.idx.msk [tilespmem:v40+s2+$0x0], $0xffff  }
0x2b2: {  	v35 =	vor.u32 v49, v2;
	v2 =	vld [tilespmem:$0x1FA90];
	_ =	sdelay $0x2  }
0x2b3: {  	[tilespmem:v3+s21+$0x0] =	vst.idx.msk $0xffff, v1  }
0x2b4: {  	v8 =	vld.idx.msk [tilespmem:v44+s2+$0x0], $0xffff;
	[tilespmem:v30+s21+$0x0] =	vst.idx.msk $0xffff, v4  }
0x2b5: {  	v36 =	vor.u32 v24, v2;
	v2 =	vld [tilespmem:$0x1FC90];
	_ =	sdelay $0x3  }
0x2b6: {  	[tilespmem:v32+s21+$0x0] =	vst.idx.msk $0xffff, v8  }
0x2b7: {  	v3 =	vor.u32 v53, v2;
	v2 =	vld [tilespmem:$0x1FCA0];
	_ =	sdelay $0x3  }
0x2b8: {  	v11 =	vld.idx.msk [tilespmem:v16+s2+$0x0], $0xffff  }
0x2b9: {  	v37 =	vor.u32 v24, v2;
	v2 =	vld [tilespmem:$0x1FCB0];
	_ =	sdelay $0x3  }
0x2ba: {  	[tilespmem:v35+s21+$0x0] =	vst.idx.msk $0xffff, v11  }
0x2bb: {  	v38 =	vor.u32 v53, v2;
	v2 =	vld [tilespmem:$0x1FAA0];
	_ =	sdelay $0x4  }
0x2bc: {  	v40 =	vor.u32 v53, v2;
	v2 =	vld [tilespmem:$0x1FAB0];
	_ =	sdelay $0x3  }
0x2bd: {  	v31 =	vor.u32 v24, v17  }
0x2be: {  	v42 =	vor.u32 v24, v2;
	v2 =	vld [tilespmem:$0x1FAC0];
	_ =	sdelay $0x2  }
0x2bf: {  	v1 =	vld.idx.msk [tilespmem:v19+s2+$0x0], $0xffff  }
0x2c0: {  	v4 =	vld.idx.msk [tilespmem:v31+s2+$0x0], $0xffff  }
0x2c1: {  	v43 =	vor.u32 v53, v2;
	v2 =	vld [tilespmem:$0x1FAD0];
	_ =	sdelay $0x2  }
0x2c2: {  	[tilespmem:v3+s21+$0x0] =	vst.idx.msk $0xffff, v1  }
0x2c3: {  	v8 =	vld.idx.msk [tilespmem:v33+s2+$0x0], $0xffff;
	[tilespmem:v38+s21+$0x0] =	vst.idx.msk $0xffff, v4  }
0x2c4: {  	v44 =	vor.u32 v24, v2;
	v2 =	vld [tilespmem:$0x1FCC0];
	_ =	sdelay $0x3  }
0x2c5: {  	v41 =	vld.idx.msk [tilespmem:v36+s2+$0x0], $0xffff;
	[tilespmem:v40+s21+$0x0] =	vst.idx.msk $0xffff, v8  }
0x2c6: {  	v3 =	vor.u32 v51, v2;
	v2 =	vld [tilespmem:$0x1FCD0];
	_ =	sdelay $0x3  }
0x2c7: {  	v39 =	vor.u32 v24, v10  }
0x2c8: {  	v47 =	vor.u32 v24, v2;
	v2 =	vld [tilespmem:$0x1FCE0];
	[tilespmem:v43+s21+$0x0] =	vst.idx.msk $0xffff, v41  }
0x2c9: {  	v8 =	vld [tilespmem:$0x1FAE0]  }
0x2ca: {  	v1 =	vld.idx.msk [tilespmem:v37+s2+$0x0], $0xffff  }
0x2cb: {  	v17 =	vld [tilespmem:$0x1FB00]  }
0x2cc: {  	v4 =	vld.idx.msk [tilespmem:v39+s2+$0x0], $0xffff  }
0x2cd: {  	v53 =	vld.idx.msk [tilespmem:v42+s2+$0x0], $0xffff;
	v49 =	vor.u32 v51, v2  }
0x2ce: {  	v16 =	vld.idx.msk [tilespmem:v44+s2+$0x0], $0xffff;
	v8 =	vor.u32 v51, v8  }
0x2cf: {  	v10 =	vld [tilespmem:$0x1FAF0]  }
0x2d0: {  	v2 =	vld [tilespmem:$0x1FCF0];
	v11 =	vor.u32 v51, v17  }
0x2d1: {  	v12 =	vld [tilespmem:$0x1FB10];
	[tilespmem:v3+s21+$0x0] =	vst.idx.msk $0xffff, v1  }
0x2d2: {  	[tilespmem:v49+s21+$0x0] =	vst.idx.msk $0xffff, v4  }
0x2d3: {  	v3 =	vld [tilespmem:$0x1FD00];
	[tilespmem:v8+s21+$0x0] =	vst.idx.msk $0xffff, v53  }
0x2d4: {  	v10 =	vor.u32 v24, v10;
	v4 =	vld [tilespmem:$0x1FD10]  }
0x2d5: {  	v2 =	vor.u32 v24, v2;
	v19 =	vld [tilespmem:$0x1FD20];
	[tilespmem:v11+s21+$0x0] =	vst.idx.msk $0xffff, v16  }
0x2d6: {  	v8 =	vld [tilespmem:$0x1FB20]  }
0x2d7: {  	v12 =	vor.u32 v24, v12;
	v1 =	vld.idx.msk [tilespmem:v47+s2+$0x0], $0xffff  }
0x2d8: {  	v11 =	vld [tilespmem:$0x1FB40]  }
0x2d9: {  	v7 =	vld.idx.msk [tilespmem:v10+s2+$0x0], $0xffff;
	v3 =	vor.u32 v34, v3  }
0x2da: {  	v2 =	vld.idx.msk [tilespmem:v2+s2+$0x0], $0xffff;
	v5 =	vor.u32 v34, v19  }
0x2db: {  	v6 =	vld [tilespmem:$0x1FD30];
	v8 =	vor.u32 v34, v8  }
0x2dc: {  	v9 =	vld.idx.msk [tilespmem:v12+s2+$0x0], $0xffff  }
0x2dd: {  	v30 =	vld [tilespmem:$0x1FB30];
	v11 =	vor.u32 v34, v11  }
0x2de: {  	v31 =	vld [tilespmem:$0x1FB50];
	[tilespmem:v3+s21+$0x0] =	vst.idx.msk $0xffff, v1  }
0x2df: {  	v4 =	vor.u32 v24, v4;
	[tilespmem:v5+s21+$0x0] =	vst.idx.msk $0xffff, v2  }
0x2e0: {  	v2 =	vld [tilespmem:$0x1FD40];
	[tilespmem:v8+s21+$0x0] =	vst.idx.msk $0xffff, v7  }
0x2e1: {  	v6 =	vor.u32 v24, v6;
	v32 =	vld [tilespmem:$0x1FD50]  }
0x2e2: {  	v10 =	vor.u32 v24, v30;
	v5 =	vld [tilespmem:$0x1FD60];
	[tilespmem:v11+s21+$0x0] =	vst.idx.msk $0xffff, v9  }
0x2e3: {  	v8 =	vld [tilespmem:$0x1FB60]  }
0x2e4: {  	v12 =	vor.u32 v24, v31;
	v1 =	vld.idx.msk [tilespmem:v4+s2+$0x0], $0xffff  }
0x2e5: {  	v11 =	vld [tilespmem:$0x1FB80]  }
0x2e6: {  	v3 =	vld.idx.msk [tilespmem:v6+s2+$0x0], $0xffff;
	v2 =	vor.u32 v29, v2  }
0x2e7: {  	v7 =	vld.idx.msk [tilespmem:v10+s2+$0x0], $0xffff;
	v5 =	vor.u32 v29, v5  }
0x2e8: {  	v33 =	vld [tilespmem:$0x1FD70];
	v8 =	vor.u32 v29, v8  }
0x2e9: {  	v9 =	vld.idx.msk [tilespmem:v12+s2+$0x0], $0xffff  }
0x2ea: {  	v34 =	vld [tilespmem:$0x1FB70];
	v11 =	vor.u32 v29, v11  }
0x2eb: {  	v35 =	vld [tilespmem:$0x1FB90];
	[tilespmem:v2+s21+$0x0] =	vst.idx.msk $0xffff, v1  }
0x2ec: {  	v4 =	vor.u32 v24, v32;
	[tilespmem:v5+s21+$0x0] =	vst.idx.msk $0xffff, v3  }
0x2ed: {  	v2 =	vld [tilespmem:$0x1FD80];
	[tilespmem:v8+s21+$0x0] =	vst.idx.msk $0xffff, v7  }
0x2ee: {  	v6 =	vor.u32 v24, v33;
	v36 =	vld [tilespmem:$0x1FD90]  }
0x2ef: {  	v5 =	vld [tilespmem:$0x1FDA0];
	[tilespmem:v11+s21+$0x0] =	vst.idx.msk $0xffff, v9  }
0x2f0: {  	v10 =	vor.u32 v24, v34;
	v8 =	vld [tilespmem:$0x1FBA0]  }
0x2f1: {  	v12 =	vor.u32 v24, v35;
	v1 =	vld.idx.msk [tilespmem:v4+s2+$0x0], $0xffff  }
0x2f2: {  	v11 =	vld [tilespmem:$0x1FBC0]  }
0x2f3: {  	v3 =	vld.idx.msk [tilespmem:v6+s2+$0x0], $0xffff;
	v2 =	vor.u32 v25, v2  }
0x2f4: {  	v37 =	vld [tilespmem:$0x1FDB0];
	v4 =	vor.u32 v24, v36;
	v5 =	vor.u32 v25, v5  }
0x2f5: {  	v7 =	vld.idx.msk [tilespmem:v10+s2+$0x0], $0xffff;
	v8 =	vor.u32 v25, v8  }
0x2f6: {  	v9 =	vld.idx.msk [tilespmem:v12+s2+$0x0], $0xffff  }
0x2f7: {  	v38 =	vld [tilespmem:$0x1FBB0];
	v11 =	vor.u32 v25, v11  }
0x2f8: {  	v39 =	vld [tilespmem:$0x1FBD0];
	[tilespmem:v2+s21+$0x0] =	vst.idx.msk $0xffff, v1  }
0x2f9: {  	v6 =	vor.u32 v24, v37;
	[tilespmem:v5+s21+$0x0] =	vst.idx.msk $0xffff, v3;
	v1 =	vld.idx.msk [tilespmem:v4+s2+$0x0], $0xffff  }
0x2fa: {  	v2 =	vld [tilespmem:$0x1FDC0];
	[tilespmem:v8+s21+$0x0] =	vst.idx.msk $0xffff, v7  }
0x2fb: {  	v40 =	vld [tilespmem:$0x1FDE0]  }
0x2fc: {  	v5 =	vld [tilespmem:$0x1FDD0];
	[tilespmem:v11+s21+$0x0] =	vst.idx.msk $0xffff, v9  }
0x2fd: {  	v10 =	vor.u32 v24, v38;
	v8 =	vld [tilespmem:$0x1FBE0]  }
0x2fe: {  	v3 =	vld.idx.msk [tilespmem:v6+s2+$0x0], $0xffff  }
0x2ff: {  	v42 =	vld [tilespmem:$0x1FBF0]  }
0x300: {  	v12 =	vor.u32 v24, v39;
	v11 =	vld [tilespmem:$0x1FC00];
	v2 =	vor.u32 v20, v2  }
0x301: {  	v43 =	vld [tilespmem:$0x1FC10];
	v5 =	vor.u32 v20, v5  }
0x302: {  	v7 =	vld.idx.msk [tilespmem:v10+s2+$0x0], $0xffff;
	v8 =	vor.u32 v20, v8  }
0x303: {  	v41 =	vld [tilespmem:$0x1FDF0];
	_ =	sdelay $0x1  }
0x304: {  	v9 =	vld.idx.msk [tilespmem:v12+s2+$0x0], $0xffff;
	v10 =	vor.u32 v24, v42;
	v11 =	vor.u32 v20, v11;
	[tilespmem:v2+s21+$0x0] =	vst.idx.msk $0xffff, v1  }
0x305: {  	v12 =	vor.u32 v24, v43;
	[tilespmem:v5+s21+$0x0] =	vst.idx.msk $0xffff, v3  }
0x306: {  	v4 =	vor.u32 v24, v40;
	v2 =	vld [tilespmem:$0x1FE00];
	[tilespmem:v8+s21+$0x0] =	vst.idx.msk $0xffff, v7  }
0x307: {  	v6 =	vor.u32 v24, v41;
	v44 =	vld [tilespmem:$0x1FE10];
	_ =	sdelay $0x1  }
0x308: {  	v49 =	vor.u32 v18, v45;
	[tilespmem:v11+s21+$0x0] =	vst.idx.msk $0xffff, v9;
	v47 =	vld.idx.msk [tilespmem:v10+s2+$0x0], $0xffff  }
0x309: {  	v53 =	vor.u32 v18, v48;
	v51 =	vld.idx.msk [tilespmem:v12+s2+$0x0], $0xffff  }
0x30a: {  	v1 =	vld.idx.msk [tilespmem:v4+s2+$0x0], $0xffff;
	v2 =	vor.u32 v18, v2  }
0x30b: {  	p2 =	seq.s32 s18, $0x31F;
	v3 =	vld.idx.msk [tilespmem:v6+s2+$0x0], $0xffff;
	v4 =	vor.u32 v18, v44  }
0x30c: {  	p1 =	por p2, p1  }
0x30d: {  	s20 =	sshll.u32 @p1 s20, $0x13;
	s23 =	sshll.u32 @p1 s23, $0x7;
	[tilespmem:v49+s21+$0x0] =	vst.idx.msk $0xffff, v47  }
0x30e: {  	s20 =	sadd.s32 @p1 s20, s23;
	[tilespmem:v53+s21+$0x0] =	vst.idx.msk $0xffff, v51  }
0x30f: {  	s20 =	sshrl.u32 @p1 s20, $0x3;
	[tilespmem:v2+s21+$0x0] =	vst.idx.msk $0xffff, v1  }
0x310: {  	s22 =	sadd.s32 @p1 $0x3, s22;
	s23 =	simm.s32 @p1 $0x80;
	s20 =	sadd.s32 @p1 s5, s20;
	[tilespmem:v4+s21+$0x0] =	vst.idx.msk $0xffff, v3  }
0x311: {  	s24 =	simm.s32 $0x1;
	s25 =	simm.s32 @p1 $0x4000;
	_ =	strace $0x9000004B  }
0x312: {  	s24 =	simm.s32 @!p0 $0x0;
	p0 =	seq.s32 s18, $0x0;
	_ =	strace @p1 $0x8000004C  }
0x313: {  	[hbm4b:s20+s23] =	stream.strided.scatter @p1 [tilespmem:s21], [sflag:s22], $0x1000, s25, s23, $0x200038;
	[tilespmem:$0x3100] =	vst v63  }
0x314: {  	s21 =	sand.u32 @!p0 $0x1, s13;
	_ =	strace @p1 $0x9000004C  }
0x315: {  	s21 =	sadd.s32 @!p0 $0x3, s21;
	_ =	strace @!p0 $0x8000004D  }
0x316: {  	_ =	swait.ge @!p0 [sflag:s21], $0x1000  }
0x317: {  	[sflag:s21] =	ssyncset.done @!p0 $0x0  }
0x318: {  	[sflag:s21] =	ssyncadd.s32 @!p0 $0xFFFFF000  }
0x319: {  	_ =	strace @!p0 $0x9000004D  }
0x31a: {  	s20 =	simm.s32 $0x1;
	s22 =	simm.s32 $0x1;
	v21 =	vld [tilespmem:$0x1FED0]  }
0x31b: {  	s20 =	simm.s32 @!p1 $0x0;
	p1 =	sne.s32 s18, $0x0;
	s18 =	sadd.s32 $0x1, s18;
	v22 =	vld [tilespmem:$0x1FEF0]  }
0x31c: {  	s22 =	simm.s32 @!p1 $0x0;
	p1 =	sne.s32 s18, $0x320;
	v27 =	vld [tilespmem:$0x1FEC0]  }
.Ltmp1:
0x31d: {  	v35 =	vld [tilespmem:$0x1FEE0];
	(pc) =	sbr.rel @p1 .LBB2_2-.Ltmp1, $4  }
0x31e: {  	v36 =	vld [tilespmem:$0x1FF00]  }
0x31f: {  	v38 =	vld [tilespmem:$0x1FF20]  }
0x320: {  	s17 =	sadd.s32 s24, s17;
	v37 =	vmov v52;
	v39 =	vmov v50;
	s15 =	sadd.s32 s20, s15;
	v40 =	vld [tilespmem:$0x1FF40]  }
0x321: {  	v50 =	vmovc v61;
	v52 =	vmovc v59;
	v42 =	vmov v63;
	v43 =	vmov v60;
	v47 =	vmov v62;
	s16 =	sadd.s32 s20, s16;
	s20 =	smov.u32 s19;
	s13 =	sadd.s32 s22, s13;
	v41 =	vld [tilespmem:$0x1FF50]  }
0x322: {  	s12 =	sadd.s32 $0x1, s12  }
0x323: {  	s13 =	sand.u32 $0x1, s13;
	p0 =	sne.s32 s12, s8  }
.Ltmp2:
0x324: {  	_ =	strace $0x8000004E;
	s13 =	sadd.s32 $0x3, s13;
	(pc) =	sbr.rel @p0 .LBB2_1-.Ltmp2, $4  }
0x325: {  	_ =	swait.ge [sflag:s13], $0x1000  }
0x326: {  	[sflag:s13] =	ssyncset.done $0x0  }
0x327: {  	[sflag:s13] =	ssyncadd.s32 $0xFFFFF000  }
0x328: {  	_ =	strace $0x9000004E  }
0x329: {  	_ =	sfence.sel $0x180000  }
0x32a: {  	[bflag:$0x0] =	sbarrier.arrive $0xFFFF  }
0x32b: {  	p0 =	sne.s32 s4, $0x0;
	_ =	strace $0x90000047  }
0x32c: {  	s0 =	sadd.s32 @!p0 $0x100000, s1;
	[bflag:$0x2] =	sbarrier.arrive $0xFFFF  }
0x32d: {  	[sflag:s0] =	ssyncadd.tile.s32 @!p0 $0x1;
	_ =	shalt  }
.Lfunc_end2:
_tile_overlayer_lowered:
.L_overlay_start_2:
0x32e: {  	(tag) =	ssettag $0x2  }
0x32f: {  	s0 =	rddreg [dreg:$0x0];
	s2 =	stileid.u32  }
0x330: {  	s1 =	rddreg [dreg:$0x1];
	p0 =	sne.s32 s2, $0x0  }
0x331: {  	s3 =	rddreg [dreg:$0x2];
	[bflag:$0x3] =	sbarrier.arrive $0xFFFF;
	s2 =	simm.s32 @!p0 $0x1C01  }
0x332: {  	[timem:s3], [sflag:s2] =	dma.local @!p0 [hbm:s0], s1  }
0x333: {  	s0 =	simm.s32 @!p0 $0x1  }
0x334: {  	_ =	swait.ge @!p0 [sflag:s0], s1  }
0x335: {  	s1 =	ssub.s32 @!p0 $0x0, s1;
	[sflag:s0] =	ssyncset.done @!p0 $0x0  }
0x336: {  	[sflag:s0] =	ssyncadd.s32 @!p0 s1  }
0x337: {  	[bflag:$0x3] =	sbarrier.arrive $0xFFFF  }
0x338: {  	_ =	shalt  }

</sc_bundles>
